<compile_context>
chip_gen: v7x
topology: tpu7x:2x2x1
jax: 0.10.2.dev20260603
libtpu: 0.0.44.dev20260713+nightly
codegen_flags: <defaults>
</compile_context>

<pallas_src>
import functools
import math

import jax
import jax.numpy as jnp
from jax import lax
from jax.experimental import pallas as pl
from jax.experimental.pallas import tpu as pltpu
from jax.experimental.pallas import tpu_sc as plsc

_COST = 0.3
_SIM_LB = 0.6
_RATIO_LB = 0.1
_EPS = 1e-6

_NCH = 32


def _phase_a(x3, p_rows):
    R, _, D = x3.shape

    def body(x_ref, sq_ref, dot_ref, prev_ref):
        g = pl.program_id(0)
        xb = x_ref[...]
        sq_ref[...] = jnp.sum(xb * xb, axis=-1)
        d = jnp.sum(xb * prev_ref[...], axis=-1)
        dot_ref[...] = jnp.where(g == 0, 0.0, d)
        prev_ref[...] = xb

    return pl.pallas_call(
        body,
        grid=(R // p_rows,),
        in_specs=[
            pl.BlockSpec((p_rows, 128, D), lambda g: (g, 0, 0)),
        ],
        out_specs=[
            pl.BlockSpec((p_rows, 128), lambda g: (g, 0)),
            pl.BlockSpec((p_rows, 128), lambda g: (g, 0)),
        ],
        out_shape=[
            jax.ShapeDtypeStruct((R, 128), jnp.float32),
            jax.ShapeDtypeStruct((R, 128), jnp.float32),
        ],
        scratch_shapes=[pltpu.VMEM((p_rows, 128, D), jnp.float32)],
    )(x3)


def _topk_mask(vals, k, idx, n):
    kb = lax.bitcast_convert_type(vals, jnp.int32)
    key = kb ^ (lax.shift_right_arithmetic(kb, 31) & jnp.int32(0x7FFFFFFF))

    def cnt_gt(t):
        return jnp.sum((key > t).astype(jnp.int32))

    def sbody(_, lohi):
        lo, hi = lohi
        mid = (lo >> 1) + (hi >> 1) + (lo & hi & 1)
        big = cnt_gt(mid) >= k
        return (jnp.where(big, mid, lo), jnp.where(big, hi, mid))

    lo, hi = lax.fori_loop(
        0, 33, sbody, (jnp.int32(-(2**31)), jnp.int32(2**31 - 1)))
    t = hi
    r = k - cnt_gt(t)
    eq = key == t

    def ibody(_, lohi):
        lo2, hi2 = lohi
        mid = (lo2 + hi2) >> 1
        good = jnp.sum((eq & (idx < mid)).astype(jnp.int32)) >= r
        return (jnp.where(good, lo2, mid), jnp.where(good, mid, hi2))

    _, bound = lax.fori_loop(0, 17, ibody, (jnp.int32(0), jnp.int32(n)))
    return (key > t) | (eq & (idx < bound))


def _phase_b(sq, sq_prev, sq_next, dot, dot_next, p_rows, k_merge, n_keep,
             trash):
    R = sq.shape[0]
    n = R * 128

    def body(sq_ref, sqp_ref, sqn_ref, dot_ref, dotn_ref,
             pos_ref, wn_ref):
        s = sq_ref[...]
        norm = jnp.sqrt(s)
        normp = jnp.sqrt(sqp_ref[...])
        idx = (lax.broadcasted_iota(jnp.int32, s.shape, 0) * 128
               + lax.broadcasted_iota(jnp.int32, s.shape, 1))
        first = idx < p_rows * 128
        sim = jnp.where(
            first, -1.0,
            dot_ref[...] / ((norm + _EPS) * (normp + _EPS)))
        msel = _topk_mask(sim, k_merge, idx, n)
        merge = msel & (sim > _SIM_LB)
        mf = merge.astype(jnp.float32)
        recv_f = jnp.concatenate(
            [mf[p_rows:], jnp.zeros((p_rows, 128), jnp.float32)], axis=0)
        recv = recv_f > 0.5
        imp_sq = jnp.where(
            recv,
            jnp.maximum(0.25 * (s + sqn_ref[...] + 2.0 * dotn_ref[...]), 0.0),
            s)
        imp = jnp.sqrt(imp_sq)
        score = jnp.where(merge, -jnp.inf, imp)
        keep = _topk_mask(score, n_keep, idx, n)
        wn_ref[...] = jnp.where(recv, 0.5, 0.0).astype(jnp.float32)

        kf = keep.astype(jnp.float32)
        ci = lax.broadcasted_iota(jnp.int32, (128, 128), 0)
        cj = lax.broadcasted_iota(jnp.int32, (128, 128), 1)
        ucol = (ci < cj).astype(jnp.float32)
        colpre = jax.lax.dot(kf, ucol, preferred_element_type=jnp.float32)
        ones = jnp.ones((128, 128), jnp.float32)
        rows = jax.lax.dot(kf, ones, preferred_element_type=jnp.float32)
        ri = lax.broadcasted_iota(jnp.int32, (R, R), 0)
        rj = lax.broadcasted_iota(jnp.int32, (R, R), 1)
        lrow = (rj < ri).astype(jnp.float32)
        rowpre = jax.lax.dot(lrow, rows, preferred_element_type=jnp.float32)
        posf = rowpre + colpre
        pos_ref[...] = jnp.where(
            keep, posf.astype(jnp.int32), jnp.int32(trash))

    return pl.pallas_call(
        body,
        out_shape=[
            jax.ShapeDtypeStruct((R, 128), jnp.int32),
            jax.ShapeDtypeStruct((R, 128), jnp.float32),
        ],
    )(sq, sq_prev, sq_next, dot, dot_next)


def _phase_m(x2, wn_col, p):
    n, d = x2.shape
    blk = p
    nb = n // blk

    def body(x_ref, w_ref, o_ref, prev_ref):
        g = pl.program_id(0)
        xb = x_ref[...]
        w = w_ref[...]
        val = (1.0 - w) * prev_ref[...] + w * xb
        o_ref[...] = jnp.where((g == 0) | (g == nb + 1), 0.0, val)
        prev_ref[...] = xb

    return pl.pallas_call(
        body,
        grid=(nb + 2,),
        in_specs=[
            pl.BlockSpec((blk, d), lambda g: (jnp.minimum(g, nb - 1), 0)),
            pl.BlockSpec((blk, 1),
                         lambda g: (jnp.clip(g - 1, 0, nb - 1), 0)),
        ],
        out_specs=pl.BlockSpec(
            (blk, d), lambda g: (jnp.clip(g - 1, 0, nb), 0)),
        out_shape=jax.ShapeDtypeStruct((n + blk, d), jnp.float32),
        scratch_shapes=[pltpu.VMEM((blk, d), jnp.float32)],
    )(x2, wn_col)


def _make_compact_sc(n, m, n_keep, trash):
    ch = n // _NCH
    npad = m - n_keep
    npad16 = ((npad + 15) // 16) * 16
    mesh = plsc.VectorSubcoreMesh(core_axis_name="c", subcore_axis_name="s")

    @functools.partial(
        pl.kernel,
        mesh=mesh,
        out_type=jax.ShapeDtypeStruct((m + 8,), jnp.int32),
        scratch_types=[
            pltpu.VMEM((ch,), jnp.int32),
            pltpu.VMEM((ch,), jnp.int32),
            pltpu.SemaphoreType.DMA,
        ],
    )
    def compact(pos_hbm, kidx_hbm, pos_v, idv, sem):
        wid = lax.axis_index("s") * 2 + lax.axis_index("c")
        t0 = wid * ch
        pltpu.sync_copy(pos_hbm.at[pl.ds(t0, ch)], pos_v)
        lane = lax.iota(jnp.int32, 16)

        def fill(j, _):
            idv[pl.ds(j * 16, 16)] = lane + (t0 + j * 16)
            return 0

        lax.fori_loop(0, ch // 16, fill, 0)
        pltpu.async_copy(idv, kidx_hbm.at[pos_v], sem).wait()

        if not npad:
            return

        @pl.when(wid == _NCH - 1)
        def _():
            def zb(j, _):
                e16 = lane + j * 16
                idv[pl.ds(j * 16, 16)] = jnp.full((16,), n, jnp.int32)
                pos_v[pl.ds(j * 16, 16)] = jnp.where(
                    e16 < npad, n_keep + e16, trash)
                return 0

            lax.fori_loop(0, npad16 // 16, zb, 0)
            pltpu.async_copy(idv.at[pl.ds(0, npad16)],
                             kidx_hbm.at[pos_v.at[pl.ds(0, npad16)]],
                             sem).wait()

    return compact


def _make_gather_sc(n, d, m, n_keep):
    slab = m // _NCH
    g = next(v for v in (72, 64, 48, 40, 24, 16, 8) if slab % v == 0)
    nb = slab // g
    mesh = plsc.VectorSubcoreMesh(core_axis_name="c", subcore_axis_name="s")

    @functools.partial(
        pl.kernel,
        mesh=mesh,
        out_type=jax.ShapeDtypeStruct((m, d), jnp.float32),
        scratch_types=[
            pltpu.VMEM((slab,), jnp.int32),
            pltpu.VMEM((g, d), jnp.float32),
            pltpu.VMEM((g, d), jnp.float32),
            pltpu.SemaphoreType.DMA,
            pltpu.SemaphoreType.DMA,
            pltpu.SemaphoreType.DMA,
            pltpu.SemaphoreType.DMA,
        ],
    )
    def gather(x_hbm, kidx_hbm, out_hbm, idxv,
               rows0, rows1, gs0, gs1, ws0, ws1):
        wid = lax.axis_index("s") * 2 + lax.axis_index("c")
        o0 = wid * slab
        pltpu.sync_copy(kidx_hbm.at[pl.ds(o0, slab)], idxv)
        bufs = (rows0, rows1)
        gsem = (gs0, gs1)
        wsem = (ws0, ws1)
        gcp = [None, None]
        wcp = [None, None]
        gcp[0] = pltpu.async_copy(
            x_hbm.at[idxv.at[pl.ds(0, g)]], bufs[0], gsem[0])
        for b in range(nb):
            cur = b & 1
            nxt = 1 - cur
            if b + 1 < nb:
                if wcp[nxt] is not None:
                    wcp[nxt].wait()
                gcp[nxt] = pltpu.async_copy(
                    x_hbm.at[idxv.at[pl.ds((b + 1) * g, g)]],
                    bufs[nxt], gsem[nxt])
            gcp[cur].wait()
            wcp[cur] = pltpu.async_copy(
                bufs[cur], out_hbm.at[pl.ds(o0 + b * g, g)], wsem[cur])
        wcp[(nb - 1) & 1].wait()
        if nb > 1:
            wcp[nb & 1].wait()

    return gather


def kernel(x):
    f, p, d = x.shape
    n = f * p
    k_merge = int(_COST * n / 2)
    k_prune = int(_COST * n) - k_merge
    n_keep = n - k_merge - k_prune
    n_keep = max(n_keep, math.ceil(_RATIO_LB * n))
    pad = (p - n_keep % p) % p
    m = n_keep + pad
    rf = m // p
    p_rows = p // 128
    trash = m + 4

    x3 = x.reshape(n // 128, 128, d)
    sq, dot = _phase_a(x3, p_rows)
    zrows = jnp.zeros((p_rows, 128), jnp.float32)
    sq_prev = jnp.concatenate([zrows, sq[:-p_rows]], axis=0)
    sq_next = jnp.concatenate([sq[p_rows:], zrows], axis=0)
    dot_next = jnp.concatenate([dot[p_rows:], zrows], axis=0)
    pos, wn = _phase_b(
        sq, sq_prev, sq_next, dot, dot_next, p_rows, k_merge, n_keep, trash)

    merged = _phase_m(x.reshape(n, d), wn.reshape(n, 1), p)

    compact = _make_compact_sc(n, m, n_keep, trash)
    kidx = compact(pos.reshape(n))
    gather = _make_gather_sc(n, d, m, n_keep)
    out = gather(merged, kidx)
    return out.reshape(rf, p, d)

# --- scband reference (transcript-rebuilt; emitter-appended) ---
"""Pipeline reference for scband-siglip-frame-fusion-86912958202531 (READ-ONLY COPY).

The authoritative reference and input builder live on the scoring server;
editing this copy changes nothing except your own understanding.
"""

import jax, jax.numpy as jnp
import numpy as np

COST = 0.3
SIM_LB = 0.6
RATIO_LB = 0.1


def setup_inputs(seed: int = 0) -> dict:
    key = jax.random.key(seed)
    x = jax.random.normal(key, (64, 1024, 768), dtype=jnp.float32)
    return {"x": x}


def reference(x):
    # x: [num_frames, patches_per_frame, hidden_dim] == siglip last_hidden_state
    F, P, D = x.shape
    N = F * P
    feats = x.reshape(N, D)
    eps = 1e-6
    # cosine similarity of each patch with the co-located patch in the previous frame
    normed = feats / (jnp.linalg.norm(feats, axis=-1, keepdims=True) + eps)
    sim_tail = jnp.sum(normed[P:] * normed[:-P], axis=-1)
    sim = jnp.concatenate([jnp.full((P,), -1.0, dtype=feats.dtype), sim_tail])
    # FrameFusion budgets (static, derived from cost / ratio_lower_bound)
    k_merge = int(COST * N / 2)
    k_prune = int(COST * N) - k_merge
    n_keep = N - k_merge - k_prune
    min_keep = int(np.ceil(RATIO_LB * N))
    n_keep = max(n_keep, min_keep)
    # merging: top-k most similar tokens (above similarity lower bound) merge into
    # their previous-frame counterpart
    top_vals, top_idx = jax.lax.top_k(sim, k_merge)
    merge_mask = jnp.zeros((N,), dtype=bool).at[top_idx].set(top_vals > SIM_LB)
    recv_mask = jnp.concatenate([merge_mask[P:], jnp.zeros((P,), dtype=bool)])
    shifted = jnp.concatenate([feats[P:], jnp.zeros((P, D), dtype=feats.dtype)])
    scale = jnp.where(recv_mask, 0.5, 1.0).astype(feats.dtype)
    merged = scale[:, None] * feats + 0.5 * recv_mask[:, None].astype(feats.dtype) * shifted
    # pruning: drop merged tokens and the least-important remaining tokens (L2-norm proxy)
    importance = jnp.linalg.norm(merged, axis=-1)
    keep_score = importance - 1e6 * merge_mask.astype(feats.dtype)
    _, keep_idx = jax.lax.top_k(keep_score, n_keep)
    keep_idx = jnp.sort(keep_idx)  # preserve original token order
    reduced = jnp.take(merged, keep_idx, axis=0)
    # pad to a multiple of patches_per_frame and reshape to [reduced_frames, P, D]
    pad = (P - n_keep % P) % P
    if pad > 0:
        reduced = jnp.concatenate([reduced, jnp.zeros((pad, D), dtype=reduced.dtype)])
    rf = (n_keep + pad) // P
    return reduced.reshape(rf, P, D)

if __name__ == "__main__":
    import jax
    _d = setup_inputs()
    print(jax.jit(kernel)(*tuple(_d.values())))

</pallas_src>

<mosaic_0001>
#map = affine_map<(d0, d1) -> (0)>
module attributes {stable_mosaic.version = 14 : i64} {
  func.func @compact(%arg0: i32, %arg1: i32, %arg2: memref<65536xi32, #tpu.memory_space<hbm>>, %arg3: memref<46088xi32, #tpu.memory_space<hbm>>, %arg4: memref<2048xi32, #tpu.memory_space<vmem>>, %arg5: memref<2048xi32, #tpu.memory_space<vmem>>, %arg6: memref<!tpu.dma_semaphore, #tpu.memory_space<semaphore_mem>>) attributes {dimension_semantics = [#tpu.dimension_semantics<core_parallel>, #tpu.dimension_semantics<subcore_parallel>], iteration_bounds = array<i64: 2, 16>, scalar_prefetch = 0 : i64, scratch_operands = 3 : i64, tpu.core_type = #tpu.core_type<sc_vector_subcore>, window_params = [{transform_indices = #map}, {transform_indices = #map}]} {
    %mul3A = arith.constant 2 : i32
    %mul3A_0 = arith.muli %arg1, %mul3A : i32
    %add3A = arith.addi %mul3A_0, %arg0 : i32
    %mul3A_1 = arith.constant 2048 : i32
    %mul3A_2 = arith.muli %add3A, %mul3A_1 : i32
    "tpu.region"() ({
      %run_scoped3A = tpu.sem_alloc : memref<!tpu.dma_semaphore, #tpu.memory_space<semaphore_mem>>
      %dma_start3A_13 = tpu.memref_slice %arg2[%mul3A_2] : memref<65536xi32, #tpu.memory_space<hbm>> -> memref<2048xi32, #tpu.memory_space<hbm>>
      %dma_start3A_14 = tpu.memref_slice %arg2[%mul3A_2] : memref<65536xi32, #tpu.memory_space<hbm>> -> memref<2048xi32, #tpu.memory_space<hbm>>
      tpu.enqueue_dma source(%dma_start3A_14 : memref<2048xi32, #tpu.memory_space<hbm>>) target(%arg4 : memref<2048xi32, #tpu.memory_space<vmem>>) target_semaphore(%run_scoped3A : memref<!tpu.dma_semaphore, #tpu.memory_space<semaphore_mem>>)
      %dma_wait3A_15 = tpu.memref_slice %arg2[%mul3A_2] : memref<65536xi32, #tpu.memory_space<hbm>> -> memref<2048xi32, #tpu.memory_space<hbm>>
      %dma_wait3A_16 = tpu.memref_slice %arg2[%mul3A_2] : memref<65536xi32, #tpu.memory_space<hbm>> -> memref<2048xi32, #tpu.memory_space<hbm>>
      tpu.wait_dma2 semaphore(%run_scoped3A : memref<!tpu.dma_semaphore, #tpu.memory_space<semaphore_mem>>) src(%dma_wait3A_16 : memref<2048xi32, #tpu.memory_space<hbm>>) dst(%arg4 : memref<2048xi32, #tpu.memory_space<vmem>>)
      tpu.yield
    }) : () -> ()
    %iota3A = tpu.iota {dimensions = array<i32: 0>} : vector<16xi32>
    %scan3A = arith.constant 0 : i32
    %scan3A_3 = arith.constant 0 : i32
    %scan3A_4 = arith.constant 128 : i32
    %scan3A_5 = arith.addi %scan3A_3, %scan3A_4 : i32
    %scan3A_6 = arith.constant 1 : i32
    %scan3A_7 = scf.for %scan3A_13 = %scan3A_3 to %scan3A_5 step %scan3A_6 iter_args(%scan3A_14 = %scan3A) -> (i32)  : i32 {
      %mul3A_15 = arith.constant 16 : i32
      %mul3A_16 = arith.muli %scan3A_13, %mul3A_15 : i32
      %add3A_17 = arith.addi %mul3A_2, %mul3A_16 : i32
      %add3A_18 = vector.broadcast %add3A_17 : i32 to vector<16xi32>
      %add3A_19 = arith.addi %iota3A, %add3A_18 : vector<16xi32>
      %mul3A_20 = arith.constant 16 : i32
      %mul3A_21 = arith.muli %scan3A_13, %mul3A_20 : i32
      %swap3A = arith.index_cast %mul3A_21 : i32 to index
      %swap3A_22 = tpu.vector_load %arg5[%swap3A] {strides = array<i32>} : memref<2048xi32, #tpu.memory_space<vmem>>, vector<16xi32>,
      %swap3A_23 = vector.shape_cast %swap3A_22 : vector<16xi32> to vector<16xi32>
      %swap3A_24 = vector.shape_cast %add3A_19 : vector<16xi32> to vector<16xi32>
      tpu.vector_store %arg5[%swap3A], %swap3A_24 {strides = array<i32>} : memref<2048xi32, #tpu.memory_space<vmem>>, vector<16xi32>,
      %scan3A_25 = arith.constant 0 : i32
      scf.yield %scan3A_25 : i32
    }
    %scan3A_8 = arith.constant 128 : i32
    %dma_start3A = arith.constant 0 : i32
    %dma_start3A_9 = tpu.memref_slice %arg3[%dma_start3A] : memref<46088xi32, #tpu.memory_space<hbm>> -> memref<46088xi32, #tpu.memory_space<hbm>>
    tpu.enqueue_indirect_dma source(%arg5 : memref<2048xi32, #tpu.memory_space<vmem>>) target(%dma_start3A_9 : memref<46088xi32, #tpu.memory_space<hbm>>) offsets(%arg4 : memref<2048xi32, #tpu.memory_space<vmem>>) semaphore(%arg6 : memref<!tpu.dma_semaphore, #tpu.memory_space<semaphore_mem>>)
    %dma_wait3A = arith.constant 0 : i32
    %dma_wait3A_10 = tpu.memref_slice %arg3[%dma_wait3A] : memref<46088xi32, #tpu.memory_space<hbm>> -> memref<46088xi32, #tpu.memory_space<hbm>>
    tpu.wait_indirect_dma semaphore(%arg6 : memref<!tpu.dma_semaphore, #tpu.memory_space<semaphore_mem>>) src(%arg5 : memref<2048xi32, #tpu.memory_space<vmem>>) dst(%dma_wait3A_10 : memref<46088xi32, #tpu.memory_space<hbm>>)
    %eq3A = arith.constant 31 : i32
    %eq3A_11 = arith.cmpi eq, %add3A, %eq3A : i32
    %convert_element_type3A = arith.extui %eq3A_11 : i1 to i32
    %cond3A = arith.constant 0 : i32
    %cond3A_12 = arith.cmpi ne, %convert_element_type3A, %cond3A : i32
    scf.if %cond3A_12 {
      %scan3A_13 = arith.constant 0 : i32
      %scan3A_14 = arith.constant 0 : i32
      %scan3A_15 = arith.constant 13 : i32
      %scan3A_16 = arith.addi %scan3A_14, %scan3A_15 : i32
      %scan3A_17 = arith.constant 1 : i32
      %scan3A_18 = scf.for %scan3A_32 = %scan3A_14 to %scan3A_16 step %scan3A_17 iter_args(%scan3A_33 = %scan3A_13) -> (i32)  : i32 {
        %mul3A_34 = arith.constant 16 : i32
        %mul3A_35 = arith.muli %scan3A_32, %mul3A_34 : i32
        %add3A_36 = vector.broadcast %mul3A_35 : i32 to vector<16xi32>
        %add3A_37 = arith.addi %iota3A, %add3A_36 : vector<16xi32>
        %broadcast_in_dim3A = arith.constant 65536 : i32
        %broadcast_in_dim3A_38 = vector.broadcast %broadcast_in_dim3A : i32 to vector<16xi32>
        %mul3A_39 = arith.constant 16 : i32
        %mul3A_40 = arith.muli %scan3A_32, %mul3A_39 : i32
        %swap3A = arith.index_cast %mul3A_40 : i32 to index
        %swap3A_41 = tpu.vector_load %arg5[%swap3A] {strides = array<i32>} : memref<2048xi32, #tpu.memory_space<vmem>>, vector<16xi32>,
        %swap3A_42 = vector.shape_cast %swap3A_41 : vector<16xi32> to vector<16xi32>
        %swap3A_43 = vector.shape_cast %broadcast_in_dim3A_38 : vector<16xi32> to vector<16xi32>
        tpu.vector_store %arg5[%swap3A], %swap3A_43 {strides = array<i32>} : memref<2048xi32, #tpu.memory_space<vmem>>, vector<16xi32>,
        %lt3A = arith.constant 204 : i32
        %lt3A_44 = vector.broadcast %lt3A : i32 to vector<16xi32>
        %lt3A_45 = arith.cmpi slt, %add3A_37, %lt3A_44 : vector<16xi32>
        %add3A_46 = arith.constant 45876 : i32
        %add3A_47 = vector.broadcast %add3A_46 : i32 to vector<16xi32>
        %add3A_48 = arith.addi %add3A_47, %add3A_37 : vector<16xi32>
        %jit3A = arith.constant 46084 : i32
        %broadcast_in_dim3A_49 = vector.broadcast %jit3A : i32 to vector<16xi32>
        %select_n3A = arith.select %lt3A_45, %add3A_48, %broadcast_in_dim3A_49 : vector<16xi1>, vector<16xi32>
        %mul3A_50 = arith.constant 16 : i32
        %mul3A_51 = arith.muli %scan3A_32, %mul3A_50 : i32
        %swap3A_52 = arith.index_cast %mul3A_51 : i32 to index
        %swap3A_53 = tpu.vector_load %arg4[%swap3A_52] {strides = array<i32>} : memref<2048xi32, #tpu.memory_space<vmem>>, vector<16xi32>,
        %swap3A_54 = vector.shape_cast %swap3A_53 : vector<16xi32> to vector<16xi32>
        %swap3A_55 = vector.shape_cast %select_n3A : vector<16xi32> to vector<16xi32>
        tpu.vector_store %arg4[%swap3A_52], %swap3A_55 {strides = array<i32>} : memref<2048xi32, #tpu.memory_space<vmem>>, vector<16xi32>,
        %scan3A_56 = arith.constant 0 : i32
        scf.yield %scan3A_56 : i32
      }
      %scan3A_19 = arith.constant 13 : i32
      %dma_start3A_20 = arith.constant 0 : i32
      %dma_start3A_21 = tpu.memref_slice %arg5[%dma_start3A_20] : memref<2048xi32, #tpu.memory_space<vmem>> -> memref<208xi32, #tpu.memory_space<vmem>>
      %dma_start3A_22 = arith.constant 0 : i32
      %dma_start3A_23 = tpu.memref_slice %arg4[%dma_start3A_22] : memref<2048xi32, #tpu.memory_space<vmem>> -> memref<208xi32, #tpu.memory_space<vmem>>
      %dma_start3A_24 = arith.constant 0 : i32
      %dma_start3A_25 = tpu.memref_slice %arg3[%dma_start3A_24] : memref<46088xi32, #tpu.memory_space<hbm>> -> memref<46088xi32, #tpu.memory_space<hbm>>
      tpu.enqueue_indirect_dma source(%dma_start3A_21 : memref<208xi32, #tpu.memory_space<vmem>>) target(%dma_start3A_25 : memref<46088xi32, #tpu.memory_space<hbm>>) offsets(%dma_start3A_23 : memref<208xi32, #tpu.memory_space<vmem>>) semaphore(%arg6 : memref<!tpu.dma_semaphore, #tpu.memory_space<semaphore_mem>>)
      %dma_wait3A_26 = arith.constant 0 : i32
      %dma_wait3A_27 = tpu.memref_slice %arg5[%dma_wait3A_26] : memref<2048xi32, #tpu.memory_space<vmem>> -> memref<208xi32, #tpu.memory_space<vmem>>
      %dma_wait3A_28 = arith.constant 0 : i32
      %dma_wait3A_29 = tpu.memref_slice %arg4[%dma_wait3A_28] : memref<2048xi32, #tpu.memory_space<vmem>> -> memref<208xi32, #tpu.memory_space<vmem>>
      %dma_wait3A_30 = arith.constant 0 : i32
      %dma_wait3A_31 = tpu.memref_slice %arg3[%dma_wait3A_30] : memref<46088xi32, #tpu.memory_space<hbm>> -> memref<46088xi32, #tpu.memory_space<hbm>>
      tpu.wait_indirect_dma semaphore(%arg6 : memref<!tpu.dma_semaphore, #tpu.memory_space<semaphore_mem>>) src(%dma_wait3A_27 : memref<208xi32, #tpu.memory_space<vmem>>) dst(%dma_wait3A_31 : memref<46088xi32, #tpu.memory_space<hbm>>)
    } else {
    }
    return
  }
}

#map = affine_map<(d0, d1) -> (0, 0)>
#map1 = affine_map<(d0, d1) -> (0)>
module attributes {stable_mosaic.version = 14 : i64} {
  func.func @gather(%arg0: i32, %arg1: i32, %arg2: memref<66560x768xf32, #tpu.memory_space<hbm>>, %arg3: memref<46088xi32, #tpu.memory_space<hbm>>, %arg4: memref<46080x768xf32, #tpu.memory_space<hbm>>, %arg5: memref<1440xi32, #tpu.memory_space<vmem>>, %arg6: memref<72x768xf32, #tpu.memory_space<vmem>>, %arg7: memref<72x768xf32, #tpu.memory_space<vmem>>, %arg8: memref<!tpu.dma_semaphore, #tpu.memory_space<semaphore_mem>>, %arg9: memref<!tpu.dma_semaphore, #tpu.memory_space<semaphore_mem>>, %arg10: memref<!tpu.dma_semaphore, #tpu.memory_space<semaphore_mem>>, %arg11: memref<!tpu.dma_semaphore, #tpu.memory_space<semaphore_mem>>) attributes {dimension_semantics = [#tpu.dimension_semantics<core_parallel>, #tpu.dimension_semantics<subcore_parallel>], iteration_bounds = array<i64: 2, 16>, scalar_prefetch = 0 : i64, scratch_operands = 7 : i64, tpu.core_type = #tpu.core_type<sc_vector_subcore>, window_params = [{transform_indices = #map}, {transform_indices = #map1}, {transform_indices = #map}]} {
    %mul3A = arith.constant 2 : i32
    %mul3A_0 = arith.muli %arg1, %mul3A : i32
    %add3A = arith.addi %mul3A_0, %arg0 : i32
    %mul3A_1 = arith.constant 1440 : i32
    %mul3A_2 = arith.muli %add3A, %mul3A_1 : i32
    "tpu.region"() ({
      %run_scoped3A = tpu.sem_alloc : memref<!tpu.dma_semaphore, #tpu.memory_space<semaphore_mem>>
      %dma_start3A_401 = tpu.memref_slice %arg3[%mul3A_2] : memref<46088xi32, #tpu.memory_space<hbm>> -> memref<1440xi32, #tpu.memory_space<hbm>>
      %dma_start3A_402 = tpu.memref_slice %arg3[%mul3A_2] : memref<46088xi32, #tpu.memory_space<hbm>> -> memref<1440xi32, #tpu.memory_space<hbm>>
      tpu.enqueue_dma source(%dma_start3A_402 : memref<1440xi32, #tpu.memory_space<hbm>>) target(%arg5 : memref<1440xi32, #tpu.memory_space<vmem>>) target_semaphore(%run_scoped3A : memref<!tpu.dma_semaphore, #tpu.memory_space<semaphore_mem>>)
      %dma_wait3A_403 = tpu.memref_slice %arg3[%mul3A_2] : memref<46088xi32, #tpu.memory_space<hbm>> -> memref<1440xi32, #tpu.memory_space<hbm>>
      %dma_wait3A_404 = tpu.memref_slice %arg3[%mul3A_2] : memref<46088xi32, #tpu.memory_space<hbm>> -> memref<1440xi32, #tpu.memory_space<hbm>>
      tpu.wait_dma2 semaphore(%run_scoped3A : memref<!tpu.dma_semaphore, #tpu.memory_space<semaphore_mem>>) src(%dma_wait3A_404 : memref<1440xi32, #tpu.memory_space<hbm>>) dst(%arg5 : memref<1440xi32, #tpu.memory_space<vmem>>)
      tpu.yield
    }) : () -> ()
    %dma_start3A = arith.constant 0 : i32
    %dma_start3A_3 = tpu.memref_slice %arg5[%dma_start3A] : memref<1440xi32, #tpu.memory_space<vmem>> -> memref<72xi32, #tpu.memory_space<vmem>>
    %dma_start3A_4 = arith.constant 0 : i32
    %dma_start3A_5 = arith.constant 0 : i32
    %dma_start3A_6 = tpu.memref_slice %arg2[%dma_start3A_4, %dma_start3A_5] : memref<66560x768xf32, #tpu.memory_space<hbm>> -> memref<66560x768xf32, #tpu.memory_space<hbm>>
    tpu.enqueue_indirect_dma source(%dma_start3A_6 : memref<66560x768xf32, #tpu.memory_space<hbm>>) target(%arg6 : memref<72x768xf32, #tpu.memory_space<vmem>>) offsets(%dma_start3A_3 : memref<72xi32, #tpu.memory_space<vmem>>) semaphore(%arg8 : memref<!tpu.dma_semaphore, #tpu.memory_space<semaphore_mem>>)
    %dma_start3A_7 = arith.constant 72 : i32
    %dma_start3A_8 = tpu.memref_slice %arg5[%dma_start3A_7] : memref<1440xi32, #tpu.memory_space<vmem>> -> memref<72xi32, #tpu.memory_space<vmem>>
    %dma_start3A_9 = arith.constant 0 : i32
    %dma_start3A_10 = arith.constant 0 : i32
    %dma_start3A_11 = tpu.memref_slice %arg2[%dma_start3A_9, %dma_start3A_10] : memref<66560x768xf32, #tpu.memory_space<hbm>> -> memref<66560x768xf32, #tpu.memory_space<hbm>>
    tpu.enqueue_indirect_dma source(%dma_start3A_11 : memref<66560x768xf32, #tpu.memory_space<hbm>>) target(%arg7 : memref<72x768xf32, #tpu.memory_space<vmem>>) offsets(%dma_start3A_8 : memref<72xi32, #tpu.memory_space<vmem>>) semaphore(%arg9 : memref<!tpu.dma_semaphore, #tpu.memory_space<semaphore_mem>>)
    %dma_wait3A = arith.constant 0 : i32
    %dma_wait3A_12 = tpu.memref_slice %arg5[%dma_wait3A] : memref<1440xi32, #tpu.memory_space<vmem>> -> memref<72xi32, #tpu.memory_space<vmem>>
    %dma_wait3A_13 = arith.constant 0 : i32
    %dma_wait3A_14 = arith.constant 0 : i32
    %dma_wait3A_15 = tpu.memref_slice %arg2[%dma_wait3A_13, %dma_wait3A_14] : memref<66560x768xf32, #tpu.memory_space<hbm>> -> memref<66560x768xf32, #tpu.memory_space<hbm>>
    tpu.wait_indirect_dma semaphore(%arg8 : memref<!tpu.dma_semaphore, #tpu.memory_space<semaphore_mem>>) src(%dma_wait3A_15 : memref<66560x768xf32, #tpu.memory_space<hbm>>) dst(%arg6 : memref<72x768xf32, #tpu.memory_space<vmem>>)
    %add3A_16 = arith.constant 0 : i32
    %add3A_17 = arith.addi %mul3A_2, %add3A_16 : i32
    %dma_start3A_18 = arith.constant 0 : i32
    %dma_start3A_19 = tpu.memref_slice %arg4[%add3A_17, %dma_start3A_18] : memref<46080x768xf32, #tpu.memory_space<hbm>> -> memref<72x768xf32, #tpu.memory_space<hbm>>
    %dma_start3A_20 = arith.constant 0 : i32
    %dma_start3A_21 = tpu.memref_slice %arg4[%add3A_17, %dma_start3A_20] : memref<46080x768xf32, #tpu.memory_space<hbm>> -> memref<72x768xf32, #tpu.memory_space<hbm>>
    tpu.enqueue_dma source(%arg6 : memref<72x768xf32, #tpu.memory_space<vmem>>) target(%dma_start3A_21 : memref<72x768xf32, #tpu.memory_space<hbm>>) target_semaphore(%arg10 : memref<!tpu.dma_semaphore, #tpu.memory_space<semaphore_mem>>)
    %dma_wait3A_22 = arith.constant 0 : i32
    %dma_wait3A_23 = tpu.memref_slice %arg4[%add3A_17, %dma_wait3A_22] : memref<46080x768xf32, #tpu.memory_space<hbm>> -> memref<72x768xf32, #tpu.memory_space<hbm>>
    %dma_wait3A_24 = arith.constant 0 : i32
    %dma_wait3A_25 = tpu.memref_slice %arg4[%add3A_17, %dma_wait3A_24] : memref<46080x768xf32, #tpu.memory_space<hbm>> -> memref<72x768xf32, #tpu.memory_space<hbm>>
    tpu.wait_dma2 semaphore(%arg10 : memref<!tpu.dma_semaphore, #tpu.memory_space<semaphore_mem>>) src(%arg6 : memref<72x768xf32, #tpu.memory_space<vmem>>) dst(%dma_wait3A_25 : memref<72x768xf32, #tpu.memory_space<hbm>>)
    %dma_start3A_26 = arith.constant 144 : i32
    %dma_start3A_27 = tpu.memref_slice %arg5[%dma_start3A_26] : memref<1440xi32, #tpu.memory_space<vmem>> -> memref<72xi32, #tpu.memory_space<vmem>>
    %dma_start3A_28 = arith.constant 0 : i32
    %dma_start3A_29 = arith.constant 0 : i32
    %dma_start3A_30 = tpu.memref_slice %arg2[%dma_start3A_28, %dma_start3A_29] : memref<66560x768xf32, #tpu.memory_space<hbm>> -> memref<66560x768xf32, #tpu.memory_space<hbm>>
    tpu.enqueue_indirect_dma source(%dma_start3A_30 : memref<66560x768xf32, #tpu.memory_space<hbm>>) target(%arg6 : memref<72x768xf32, #tpu.memory_space<vmem>>) offsets(%dma_start3A_27 : memref<72xi32, #tpu.memory_space<vmem>>) semaphore(%arg8 : memref<!tpu.dma_semaphore, #tpu.memory_space<semaphore_mem>>)
    %dma_wait3A_31 = arith.constant 72 : i32
    %dma_wait3A_32 = tpu.memref_slice %arg5[%dma_wait3A_31] : memref<1440xi32, #tpu.memory_space<vmem>> -> memref<72xi32, #tpu.memory_space<vmem>>
    %dma_wait3A_33 = arith.constant 0 : i32
    %dma_wait3A_34 = arith.constant 0 : i32
    %dma_wait3A_35 = tpu.memref_slice %arg2[%dma_wait3A_33, %dma_wait3A_34] : memref<66560x768xf32, #tpu.memory_space<hbm>> -> memref<66560x768xf32, #tpu.memory_space<hbm>>
    tpu.wait_indirect_dma semaphore(%arg9 : memref<!tpu.dma_semaphore, #tpu.memory_space<semaphore_mem>>) src(%dma_wait3A_35 : memref<66560x768xf32, #tpu.memory_space<hbm>>) dst(%arg7 : memref<72x768xf32, #tpu.memory_space<vmem>>)
    %add3A_36 = arith.constant 72 : i32
    %add3A_37 = arith.addi %mul3A_2, %add3A_36 : i32
    %dma_start3A_38 = arith.constant 0 : i32
    %dma_start3A_39 = tpu.memref_slice %arg4[%add3A_37, %dma_start3A_38] : memref<46080x768xf32, #tpu.memory_space<hbm>> -> memref<72x768xf32, #tpu.memory_space<hbm>>
    %dma_start3A_40 = arith.constant 0 : i32
    %dma_start3A_41 = tpu.memref_slice %arg4[%add3A_37, %dma_start3A_40] : memref<46080x768xf32, #tpu.memory_space<hbm>> -> memref<72x768xf32, #tpu.memory_space<hbm>>
    tpu.enqueue_dma source(%arg7 : memref<72x768xf32, #tpu.memory_space<vmem>>) target(%dma_start3A_41 : memref<72x768xf32, #tpu.memory_space<hbm>>) target_semaphore(%arg11 : memref<!tpu.dma_semaphore, #tpu.memory_space<semaphore_mem>>)
    %dma_wait3A_42 = arith.constant 0 : i32
    %dma_wait3A_43 = tpu.memref_slice %arg4[%add3A_37, %dma_wait3A_42] : memref<46080x768xf32, #tpu.memory_space<hbm>> -> memref<72x768xf32, #tpu.memory_space<hbm>>
    %dma_wait3A_44 = arith.constant 0 : i32
    %dma_wait3A_45 = tpu.memref_slice %arg4[%add3A_37, %dma_wait3A_44] : memref<46080x768xf32, #tpu.memory_space<hbm>> -> memref<72x768xf32, #tpu.memory_space<hbm>>
    tpu.wait_dma2 semaphore(%arg11 : memref<!tpu.dma_semaphore, #tpu.memory_space<semaphore_mem>>) src(%arg7 : memref<72x768xf32, #tpu.memory_space<vmem>>) dst(%dma_wait3A_45 : memref<72x768xf32, #tpu.memory_space<hbm>>)
    %dma_start3A_46 = arith.constant 216 : i32
    %dma_start3A_47 = tpu.memref_slice %arg5[%dma_start3A_46] : memref<1440xi32, #tpu.memory_space<vmem>> -> memref<72xi32, #tpu.memory_space<vmem>>
    %dma_start3A_48 = arith.constant 0 : i32
    %dma_start3A_49 = arith.constant 0 : i32
    %dma_start3A_50 = tpu.memref_slice %arg2[%dma_start3A_48, %dma_start3A_49] : memref<66560x768xf32, #tpu.memory_space<hbm>> -> memref<66560x768xf32, #tpu.memory_space<hbm>>
    tpu.enqueue_indirect_dma source(%dma_start3A_50 : memref<66560x768xf32, #tpu.memory_space<hbm>>) target(%arg7 : memref<72x768xf32, #tpu.memory_space<vmem>>) offsets(%dma_start3A_47 : memref<72xi32, #tpu.memory_space<vmem>>) semaphore(%arg9 : memref<!tpu.dma_semaphore, #tpu.memory_space<semaphore_mem>>)
    %dma_wait3A_51 = arith.constant 144 : i32
    %dma_wait3A_52 = tpu.memref_slice %arg5[%dma_wait3A_51] : memref<1440xi32, #tpu.memory_space<vmem>> -> memref<72xi32, #tpu.memory_space<vmem>>
    %dma_wait3A_53 = arith.constant 0 : i32
    %dma_wait3A_54 = arith.constant 0 : i32
    %dma_wait3A_55 = tpu.memref_slice %arg2[%dma_wait3A_53, %dma_wait3A_54] : memref<66560x768xf32, #tpu.memory_space<hbm>> -> memref<66560x768xf32, #tpu.memory_space<hbm>>
    tpu.wait_indirect_dma semaphore(%arg8 : memref<!tpu.dma_semaphore, #tpu.memory_space<semaphore_mem>>) src(%dma_wait3A_55 : memref<66560x768xf32, #tpu.memory_space<hbm>>) dst(%arg6 : memref<72x768xf32, #tpu.memory_space<vmem>>)
    %add3A_56 = arith.constant 144 : i32
    %add3A_57 = arith.addi %mul3A_2, %add3A_56 : i32
    %dma_start3A_58 = arith.constant 0 : i32
    %dma_start3A_59 = tpu.memref_slice %arg4[%add3A_57, %dma_start3A_58] : memref<46080x768xf32, #tpu.memory_space<hbm>> -> memref<72x768xf32, #tpu.memory_space<hbm>>
    %dma_start3A_60 = arith.constant 0 : i32
    %dma_start3A_61 = tpu.memref_slice %arg4[%add3A_57, %dma_start3A_60] : memref<46080x768xf32, #tpu.memory_space<hbm>> -> memref<72x768xf32, #tpu.memory_space<hbm>>
    tpu.enqueue_dma source(%arg6 : memref<72x768xf32, #tpu.memory_space<vmem>>) target(%dma_start3A_61 : memref<72x768xf32, #tpu.memory_space<hbm>>) target_semaphore(%arg10 : memref<!tpu.dma_semaphore, #tpu.memory_space<semaphore_mem>>)
    %dma_wait3A_62 = arith.constant 0 : i32
    %dma_wait3A_63 = tpu.memref_slice %arg4[%add3A_57, %dma_wait3A_62] : memref<46080x768xf32, #tpu.memory_space<hbm>> -> memref<72x768xf32, #tpu.memory_space<hbm>>
    %dma_wait3A_64 = arith.constant 0 : i32
    %dma_wait3A_65 = tpu.memref_slice %arg4[%add3A_57, %dma_wait3A_64] : memref<46080x768xf32, #tpu.memory_space<hbm>> -> memref<72x768xf32, #tpu.memory_space<hbm>>
    tpu.wait_dma2 semaphore(%arg10 : memref<!tpu.dma_semaphore, #tpu.memory_space<semaphore_mem>>) src(%arg6 : memref<72x768xf32, #tpu.memory_space<vmem>>) dst(%dma_wait3A_65 : memref<72x768xf32, #tpu.memory_space<hbm>>)
    %dma_start3A_66 = arith.constant 288 : i32
    %dma_start3A_67 = tpu.memref_slice %arg5[%dma_start3A_66] : memref<1440xi32, #tpu.memory_space<vmem>> -> memref<72xi32, #tpu.memory_space<vmem>>
    %dma_start3A_68 = arith.constant 0 : i32
    %dma_start3A_69 = arith.constant 0 : i32
    %dma_start3A_70 = tpu.memref_slice %arg2[%dma_start3A_68, %dma_start3A_69] : memref<66560x768xf32, #tpu.memory_space<hbm>> -> memref<66560x768xf32, #tpu.memory_space<hbm>>
    tpu.enqueue_indirect_dma source(%dma_start3A_70 : memref<66560x768xf32, #tpu.memory_space<hbm>>) target(%arg6 : memref<72x768xf32, #tpu.memory_space<vmem>>) offsets(%dma_start3A_67 : memref<72xi32, #tpu.memory_space<vmem>>) semaphore(%arg8 : memref<!tpu.dma_semaphore, #tpu.memory_space<semaphore_mem>>)
    %dma_wait3A_71 = arith.constant 216 : i32
    %dma_wait3A_72 = tpu.memref_slice %arg5[%dma_wait3A_71] : memref<1440xi32, #tpu.memory_space<vmem>> -> memref<72xi32, #tpu.memory_space<vmem>>
    %dma_wait3A_73 = arith.constant 0 : i32
    %dma_wait3A_74 = arith.constant 0 : i32
    %dma_wait3A_75 = tpu.memref_slice %arg2[%dma_wait3A_73, %dma_wait3A_74] : memref<66560x768xf32, #tpu.memory_space<hbm>> -> memref<66560x768xf32, #tpu.memory_space<hbm>>
    tpu.wait_indirect_dma semaphore(%arg9 : memref<!tpu.dma_semaphore, #tpu.memory_space<semaphore_mem>>) src(%dma_wait3A_75 : memref<66560x768xf32, #tpu.memory_space<hbm>>) dst(%arg7 : memref<72x768xf32, #tpu.memory_space<vmem>>)
    %add3A_76 = arith.constant 216 : i32
    %add3A_77 = arith.addi %mul3A_2, %add3A_76 : i32
    %dma_start3A_78 = arith.constant 0 : i32
    %dma_start3A_79 = tpu.memref_slice %arg4[%add3A_77, %dma_start3A_78] : memref<46080x768xf32, #tpu.memory_space<hbm>> -> memref<72x768xf32, #tpu.memory_space<hbm>>
    %dma_start3A_80 = arith.constant 0 : i32
    %dma_start3A_81 = tpu.memref_slice %arg4[%add3A_77, %dma_start3A_80] : memref<46080x768xf32, #tpu.memory_space<hbm>> -> memref<72x768xf32, #tpu.memory_space<hbm>>
    tpu.enqueue_dma source(%arg7 : memref<72x768xf32, #tpu.memory_space<vmem>>) target(%dma_start3A_81 : memref<72x768xf32, #tpu.memory_space<hbm>>) target_semaphore(%arg11 : memref<!tpu.dma_semaphore, #tpu.memory_space<semaphore_mem>>)
    %dma_wait3A_82 = arith.constant 0 : i32
    %dma_wait3A_83 = tpu.memref_slice %arg4[%add3A_77, %dma_wait3A_82] : memref<46080x768xf32, #tpu.memory_space<hbm>> -> memref<72x768xf32, #tpu.memory_space<hbm>>
    %dma_wait3A_84 = arith.constant 0 : i32
    %dma_wait3A_85 = tpu.memref_slice %arg4[%add3A_77, %dma_wait3A_84] : memref<46080x768xf32, #tpu.memory_space<hbm>> -> memref<72x768xf32, #tpu.memory_space<hbm>>
    tpu.wait_dma2 semaphore(%arg11 : memref<!tpu.dma_semaphore, #tpu.memory_space<semaphore_mem>>) src(%arg7 : memref<72x768xf32, #tpu.memory_space<vmem>>) dst(%dma_wait3A_85 : memref<72x768xf32, #tpu.memory_space<hbm>>)
    %dma_start3A_86 = arith.constant 360 : i32
    %dma_start3A_87 = tpu.memref_slice %arg5[%dma_start3A_86] : memref<1440xi32, #tpu.memory_space<vmem>> -> memref<72xi32, #tpu.memory_space<vmem>>
    %dma_start3A_88 = arith.constant 0 : i32
    %dma_start3A_89 = arith.constant 0 : i32
    %dma_start3A_90 = tpu.memref_slice %arg2[%dma_start3A_88, %dma_start3A_89] : memref<66560x768xf32, #tpu.memory_space<hbm>> -> memref<66560x768xf32, #tpu.memory_space<hbm>>
    tpu.enqueue_indirect_dma source(%dma_start3A_90 : memref<66560x768xf32, #tpu.memory_space<hbm>>) target(%arg7 : memref<72x768xf32, #tpu.memory_space<vmem>>) offsets(%dma_start3A_87 : memref<72xi32, #tpu.memory_space<vmem>>) semaphore(%arg9 : memref<!tpu.dma_semaphore, #tpu.memory_space<semaphore_mem>>)
    %dma_wait3A_91 = arith.constant 288 : i32
    %dma_wait3A_92 = tpu.memref_slice %arg5[%dma_wait3A_91] : memref<1440xi32, #tpu.memory_space<vmem>> -> memref<72xi32, #tpu.memory_space<vmem>>
    %dma_wait3A_93 = arith.constant 0 : i32
    %dma_wait3A_94 = arith.constant 0 : i32
    %dma_wait3A_95 = tpu.memref_slice %arg2[%dma_wait3A_93, %dma_wait3A_94] : memref<66560x768xf32, #tpu.memory_space<hbm>> -> memref<66560x768xf32, #tpu.memory_space<hbm>>
    tpu.wait_indirect_dma semaphore(%arg8 : memref<!tpu.dma_semaphore, #tpu.memory_space<semaphore_mem>>) src(%dma_wait3A_95 : memref<66560x768xf32, #tpu.memory_space<hbm>>) dst(%arg6 : memref<72x768xf32, #tpu.memory_space<vmem>>)
    %add3A_96 = arith.constant 288 : i32
    %add3A_97 = arith.addi %mul3A_2, %add3A_96 : i32
    %dma_start3A_98 = arith.constant 0 : i32
    %dma_start3A_99 = tpu.memref_slice %arg4[%add3A_97, %dma_start3A_98] : memref<46080x768xf32, #tpu.memory_space<hbm>> -> memref<72x768xf32, #tpu.memory_space<hbm>>
    %dma_start3A_100 = arith.constant 0 : i32
    %dma_start3A_101 = tpu.memref_slice %arg4[%add3A_97, %dma_start3A_100] : memref<46080x768xf32, #tpu.memory_space<hbm>> -> memref<72x768xf32, #tpu.memory_space<hbm>>
    tpu.enqueue_dma source(%arg6 : memref<72x768xf32, #tpu.memory_space<vmem>>) target(%dma_start3A_101 : memref<72x768xf32, #tpu.memory_space<hbm>>) target_semaphore(%arg10 : memref<!tpu.dma_semaphore, #tpu.memory_space<semaphore_mem>>)
    %dma_wait3A_102 = arith.constant 0 : i32
    %dma_wait3A_103 = tpu.memref_slice %arg4[%add3A_97, %dma_wait3A_102] : memref<46080x768xf32, #tpu.memory_space<hbm>> -> memref<72x768xf32, #tpu.memory_space<hbm>>
    %dma_wait3A_104 = arith.constant 0 : i32
    %dma_wait3A_105 = tpu.memref_slice %arg4[%add3A_97, %dma_wait3A_104] : memref<46080x768xf32, #tpu.memory_space<hbm>> -> memref<72x768xf32, #tpu.memory_space<hbm>>
    tpu.wait_dma2 semaphore(%arg10 : memref<!tpu.dma_semaphore, #tpu.memory_space<semaphore_mem>>) src(%arg6 : memref<72x768xf32, #tpu.memory_space<vmem>>) dst(%dma_wait3A_105 : memref<72x768xf32, #tpu.memory_space<hbm>>)
    %dma_start3A_106 = arith.constant 432 : i32
    %dma_start3A_107 = tpu.memref_slice %arg5[%dma_start3A_106] : memref<1440xi32, #tpu.memory_space<vmem>> -> memref<72xi32, #tpu.memory_space<vmem>>
    %dma_start3A_108 = arith.constant 0 : i32
    %dma_start3A_109 = arith.constant 0 : i32
    %dma_start3A_110 = tpu.memref_slice %arg2[%dma_start3A_108, %dma_start3A_109] : memref<66560x768xf32, #tpu.memory_space<hbm>> -> memref<66560x768xf32, #tpu.memory_space<hbm>>
    tpu.enqueue_indirect_dma source(%dma_start3A_110 : memref<66560x768xf32, #tpu.memory_space<hbm>>) target(%arg6 : memref<72x768xf32, #tpu.memory_space<vmem>>) offsets(%dma_start3A_107 : memref<72xi32, #tpu.memory_space<vmem>>) semaphore(%arg8 : memref<!tpu.dma_semaphore, #tpu.memory_space<semaphore_mem>>)
    %dma_wait3A_111 = arith.constant 360 : i32
    %dma_wait3A_112 = tpu.memref_slice %arg5[%dma_wait3A_111] : memref<1440xi32, #tpu.memory_space<vmem>> -> memref<72xi32, #tpu.memory_space<vmem>>
    %dma_wait3A_113 = arith.constant 0 : i32
    %dma_wait3A_114 = arith.constant 0 : i32
    %dma_wait3A_115 = tpu.memref_slice %arg2[%dma_wait3A_113, %dma_wait3A_114] : memref<66560x768xf32, #tpu.memory_space<hbm>> -> memref<66560x768xf32, #tpu.memory_space<hbm>>
    tpu.wait_indirect_dma semaphore(%arg9 : memref<!tpu.dma_semaphore, #tpu.memory_space<semaphore_mem>>) src(%dma_wait3A_115 : memref<66560x768xf32, #tpu.memory_space<hbm>>) dst(%arg7 : memref<72x768xf32, #tpu.memory_space<vmem>>)
    %add3A_116 = arith.constant 360 : i32
    %add3A_117 = arith.addi %mul3A_2, %add3A_116 : i32
    %dma_start3A_118 = arith.constant 0 : i32
    %dma_start3A_119 = tpu.memref_slice %arg4[%add3A_117, %dma_start3A_118] : memref<46080x768xf32, #tpu.memory_space<hbm>> -> memref<72x768xf32, #tpu.memory_space<hbm>>
    %dma_start3A_120 = arith.constant 0 : i32
    %dma_start3A_121 = tpu.memref_slice %arg4[%add3A_117, %dma_start3A_120] : memref<46080x768xf32, #tpu.memory_space<hbm>> -> memref<72x768xf32, #tpu.memory_space<hbm>>
    tpu.enqueue_dma source(%arg7 : memref<72x768xf32, #tpu.memory_space<vmem>>) target(%dma_start3A_121 : memref<72x768xf32, #tpu.memory_space<hbm>>) target_semaphore(%arg11 : memref<!tpu.dma_semaphore, #tpu.memory_space<semaphore_mem>>)
    %dma_wait3A_122 = arith.constant 0 : i32
    %dma_wait3A_123 = tpu.memref_slice %arg4[%add3A_117, %dma_wait3A_122] : memref<46080x768xf32, #tpu.memory_space<hbm>> -> memref<72x768xf32, #tpu.memory_space<hbm>>
    %dma_wait3A_124 = arith.constant 0 : i32
    %dma_wait3A_125 = tpu.memref_slice %arg4[%add3A_117, %dma_wait3A_124] : memref<46080x768xf32, #tpu.memory_space<hbm>> -> memref<72x768xf32, #tpu.memory_space<hbm>>
    tpu.wait_dma2 semaphore(%arg11 : memref<!tpu.dma_semaphore, #tpu.memory_space<semaphore_mem>>) src(%arg7 : memref<72x768xf32, #tpu.memory_space<vmem>>) dst(%dma_wait3A_125 : memref<72x768xf32, #tpu.memory_space<hbm>>)
    %dma_start3A_126 = arith.constant 504 : i32
    %dma_start3A_127 = tpu.memref_slice %arg5[%dma_start3A_126] : memref<1440xi32, #tpu.memory_space<vmem>> -> memref<72xi32, #tpu.memory_space<vmem>>
    %dma_start3A_128 = arith.constant 0 : i32
    %dma_start3A_129 = arith.constant 0 : i32
    %dma_start3A_130 = tpu.memref_slice %arg2[%dma_start3A_128, %dma_start3A_129] : memref<66560x768xf32, #tpu.memory_space<hbm>> -> memref<66560x768xf32, #tpu.memory_space<hbm>>
    tpu.enqueue_indirect_dma source(%dma_start3A_130 : memref<66560x768xf32, #tpu.memory_space<hbm>>) target(%arg7 : memref<72x768xf32, #tpu.memory_space<vmem>>) offsets(%dma_start3A_127 : memref<72xi32, #tpu.memory_space<vmem>>) semaphore(%arg9 : memref<!tpu.dma_semaphore, #tpu.memory_space<semaphore_mem>>)
    %dma_wait3A_131 = arith.constant 432 : i32
    %dma_wait3A_132 = tpu.memref_slice %arg5[%dma_wait3A_131] : memref<1440xi32, #tpu.memory_space<vmem>> -> memref<72xi32, #tpu.memory_space<vmem>>
    %dma_wait3A_133 = arith.constant 0 : i32
    %dma_wait3A_134 = arith.constant 0 : i32
    %dma_wait3A_135 = tpu.memref_slice %arg2[%dma_wait3A_133, %dma_wait3A_134] : memref<66560x768xf32, #tpu.memory_space<hbm>> -> memref<66560x768xf32, #tpu.memory_space<hbm>>
    tpu.wait_indirect_dma semaphore(%arg8 : memref<!tpu.dma_semaphore, #tpu.memory_space<semaphore_mem>>) src(%dma_wait3A_135 : memref<66560x768xf32, #tpu.memory_space<hbm>>) dst(%arg6 : memref<72x768xf32, #tpu.memory_space<vmem>>)
    %add3A_136 = arith.constant 432 : i32
    %add3A_137 = arith.addi %mul3A_2, %add3A_136 : i32
    %dma_start3A_138 = arith.constant 0 : i32
    %dma_start3A_139 = tpu.memref_slice %arg4[%add3A_137, %dma_start3A_138] : memref<46080x768xf32, #tpu.memory_space<hbm>> -> memref<72x768xf32, #tpu.memory_space<hbm>>
    %dma_start3A_140 = arith.constant 0 : i32
    %dma_start3A_141 = tpu.memref_slice %arg4[%add3A_137, %dma_start3A_140] : memref<46080x768xf32, #tpu.memory_space<hbm>> -> memref<72x768xf32, #tpu.memory_space<hbm>>
    tpu.enqueue_dma source(%arg6 : memref<72x768xf32, #tpu.memory_space<vmem>>) target(%dma_start3A_141 : memref<72x768xf32, #tpu.memory_space<hbm>>) target_semaphore(%arg10 : memref<!tpu.dma_semaphore, #tpu.memory_space<semaphore_mem>>)
    %dma_wait3A_142 = arith.constant 0 : i32
    %dma_wait3A_143 = tpu.memref_slice %arg4[%add3A_137, %dma_wait3A_142] : memref<46080x768xf32, #tpu.memory_space<hbm>> -> memref<72x768xf32, #tpu.memory_space<hbm>>
    %dma_wait3A_144 = arith.constant 0 : i32
    %dma_wait3A_145 = tpu.memref_slice %arg4[%add3A_137, %dma_wait3A_144] : memref<46080x768xf32, #tpu.memory_space<hbm>> -> memref<72x768xf32, #tpu.memory_space<hbm>>
    tpu.wait_dma2 semaphore(%arg10 : memref<!tpu.dma_semaphore, #tpu.memory_space<semaphore_mem>>) src(%arg6 : memref<72x768xf32, #tpu.memory_space<vmem>>) dst(%dma_wait3A_145 : memref<72x768xf32, #tpu.memory_space<hbm>>)
    %dma_start3A_146 = arith.constant 576 : i32
    %dma_start3A_147 = tpu.memref_slice %arg5[%dma_start3A_146] : memref<1440xi32, #tpu.memory_space<vmem>> -> memref<72xi32, #tpu.memory_space<vmem>>
    %dma_start3A_148 = arith.constant 0 : i32
    %dma_start3A_149 = arith.constant 0 : i32
    %dma_start3A_150 = tpu.memref_slice %arg2[%dma_start3A_148, %dma_start3A_149] : memref<66560x768xf32, #tpu.memory_space<hbm>> -> memref<66560x768xf32, #tpu.memory_space<hbm>>
    tpu.enqueue_indirect_dma source(%dma_start3A_150 : memref<66560x768xf32, #tpu.memory_space<hbm>>) target(%arg6 : memref<72x768xf32, #tpu.memory_space<vmem>>) offsets(%dma_start3A_147 : memref<72xi32, #tpu.memory_space<vmem>>) semaphore(%arg8 : memref<!tpu.dma_semaphore, #tpu.memory_space<semaphore_mem>>)
    %dma_wait3A_151 = arith.constant 504 : i32
    %dma_wait3A_152 = tpu.memref_slice %arg5[%dma_wait3A_151] : memref<1440xi32, #tpu.memory_space<vmem>> -> memref<72xi32, #tpu.memory_space<vmem>>
    %dma_wait3A_153 = arith.constant 0 : i32
    %dma_wait3A_154 = arith.constant 0 : i32
    %dma_wait3A_155 = tpu.memref_slice %arg2[%dma_wait3A_153, %dma_wait3A_154] : memref<66560x768xf32, #tpu.memory_space<hbm>> -> memref<66560x768xf32, #tpu.memory_space<hbm>>
    tpu.wait_indirect_dma semaphore(%arg9 : memref<!tpu.dma_semaphore, #tpu.memory_space<semaphore_mem>>) src(%dma_wait3A_155 : memref<66560x768xf32, #tpu.memory_space<hbm>>) dst(%arg7 : memref<72x768xf32, #tpu.memory_space<vmem>>)
    %add3A_156 = arith.constant 504 : i32
    %add3A_157 = arith.addi %mul3A_2, %add3A_156 : i32
    %dma_start3A_158 = arith.constant 0 : i32
    %dma_start3A_159 = tpu.memref_slice %arg4[%add3A_157, %dma_start3A_158] : memref<46080x768xf32, #tpu.memory_space<hbm>> -> memref<72x768xf32, #tpu.memory_space<hbm>>
    %dma_start3A_160 = arith.constant 0 : i32
    %dma_start3A_161 = tpu.memref_slice %arg4[%add3A_157, %dma_start3A_160] : memref<46080x768xf32, #tpu.memory_space<hbm>> -> memref<72x768xf32, #tpu.memory_space<hbm>>
    tpu.enqueue_dma source(%arg7 : memref<72x768xf32, #tpu.memory_space<vmem>>) target(%dma_start3A_161 : memref<72x768xf32, #tpu.memory_space<hbm>>) target_semaphore(%arg11 : memref<!tpu.dma_semaphore, #tpu.memory_space<semaphore_mem>>)
    %dma_wait3A_162 = arith.constant 0 : i32
    %dma_wait3A_163 = tpu.memref_slice %arg4[%add3A_157, %dma_wait3A_162] : memref<46080x768xf32, #tpu.memory_space<hbm>> -> memref<72x768xf32, #tpu.memory_space<hbm>>
    %dma_wait3A_164 = arith.constant 0 : i32
    %dma_wait3A_165 = tpu.memref_slice %arg4[%add3A_157, %dma_wait3A_164] : memref<46080x768xf32, #tpu.memory_space<hbm>> -> memref<72x768xf32, #tpu.memory_space<hbm>>
    tpu.wait_dma2 semaphore(%arg11 : memref<!tpu.dma_semaphore, #tpu.memory_space<semaphore_mem>>) src(%arg7 : memref<72x768xf32, #tpu.memory_space<vmem>>) dst(%dma_wait3A_165 : memref<72x768xf32, #tpu.memory_space<hbm>>)
    %dma_start3A_166 = arith.constant 648 : i32
    %dma_start3A_167 = tpu.memref_slice %arg5[%dma_start3A_166] : memref<1440xi32, #tpu.memory_space<vmem>> -> memref<72xi32, #tpu.memory_space<vmem>>
    %dma_start3A_168 = arith.constant 0 : i32
    %dma_start3A_169 = arith.constant 0 : i32
    %dma_start3A_170 = tpu.memref_slice %arg2[%dma_start3A_168, %dma_start3A_169] : memref<66560x768xf32, #tpu.memory_space<hbm>> -> memref<66560x768xf32, #tpu.memory_space<hbm>>
    tpu.enqueue_indirect_dma source(%dma_start3A_170 : memref<66560x768xf32, #tpu.memory_space<hbm>>) target(%arg7 : memref<72x768xf32, #tpu.memory_space<vmem>>) offsets(%dma_start3A_167 : memref<72xi32, #tpu.memory_space<vmem>>) semaphore(%arg9 : memref<!tpu.dma_semaphore, #tpu.memory_space<semaphore_mem>>)
    %dma_wait3A_171 = arith.constant 576 : i32
    %dma_wait3A_172 = tpu.memref_slice %arg5[%dma_wait3A_171] : memref<1440xi32, #tpu.memory_space<vmem>> -> memref<72xi32, #tpu.memory_space<vmem>>
    %dma_wait3A_173 = arith.constant 0 : i32
    %dma_wait3A_174 = arith.constant 0 : i32
    %dma_wait3A_175 = tpu.memref_slice %arg2[%dma_wait3A_173, %dma_wait3A_174] : memref<66560x768xf32, #tpu.memory_space<hbm>> -> memref<66560x768xf32, #tpu.memory_space<hbm>>
    tpu.wait_indirect_dma semaphore(%arg8 : memref<!tpu.dma_semaphore, #tpu.memory_space<semaphore_mem>>) src(%dma_wait3A_175 : memref<66560x768xf32, #tpu.memory_space<hbm>>) dst(%arg6 : memref<72x768xf32, #tpu.memory_space<vmem>>)
    %add3A_176 = arith.constant 576 : i32
    %add3A_177 = arith.addi %mul3A_2, %add3A_176 : i32
    %dma_start3A_178 = arith.constant 0 : i32
    %dma_start3A_179 = tpu.memref_slice %arg4[%add3A_177, %dma_start3A_178] : memref<46080x768xf32, #tpu.memory_space<hbm>> -> memref<72x768xf32, #tpu.memory_space<hbm>>
    %dma_start3A_180 = arith.constant 0 : i32
    %dma_start3A_181 = tpu.memref_slice %arg4[%add3A_177, %dma_start3A_180] : memref<46080x768xf32, #tpu.memory_space<hbm>> -> memref<72x768xf32, #tpu.memory_space<hbm>>
    tpu.enqueue_dma source(%arg6 : memref<72x768xf32, #tpu.memory_space<vmem>>) target(%dma_start3A_181 : memref<72x768xf32, #tpu.memory_space<hbm>>) target_semaphore(%arg10 : memref<!tpu.dma_semaphore, #tpu.memory_space<semaphore_mem>>)
    %dma_wait3A_182 = arith.constant 0 : i32
    %dma_wait3A_183 = tpu.memref_slice %arg4[%add3A_177, %dma_wait3A_182] : memref<46080x768xf32, #tpu.memory_space<hbm>> -> memref<72x768xf32, #tpu.memory_space<hbm>>
    %dma_wait3A_184 = arith.constant 0 : i32
    %dma_wait3A_185 = tpu.memref_slice %arg4[%add3A_177, %dma_wait3A_184] : memref<46080x768xf32, #tpu.memory_space<hbm>> -> memref<72x768xf32, #tpu.memory_space<hbm>>
    tpu.wait_dma2 semaphore(%arg10 : memref<!tpu.dma_semaphore, #tpu.memory_space<semaphore_mem>>) src(%arg6 : memref<72x768xf32, #tpu.memory_space<vmem>>) dst(%dma_wait3A_185 : memref<72x768xf32, #tpu.memory_space<hbm>>)
    %dma_start3A_186 = arith.constant 720 : i32
    %dma_start3A_187 = tpu.memref_slice %arg5[%dma_start3A_186] : memref<1440xi32, #tpu.memory_space<vmem>> -> memref<72xi32, #tpu.memory_space<vmem>>
    %dma_start3A_188 = arith.constant 0 : i32
    %dma_start3A_189 = arith.constant 0 : i32
    %dma_start3A_190 = tpu.memref_slice %arg2[%dma_start3A_188, %dma_start3A_189] : memref<66560x768xf32, #tpu.memory_space<hbm>> -> memref<66560x768xf32, #tpu.memory_space<hbm>>
    tpu.enqueue_indirect_dma source(%dma_start3A_190 : memref<66560x768xf32, #tpu.memory_space<hbm>>) target(%arg6 : memref<72x768xf32, #tpu.memory_space<vmem>>) offsets(%dma_start3A_187 : memref<72xi32, #tpu.memory_space<vmem>>) semaphore(%arg8 : memref<!tpu.dma_semaphore, #tpu.memory_space<semaphore_mem>>)
    %dma_wait3A_191 = arith.constant 648 : i32
    %dma_wait3A_192 = tpu.memref_slice %arg5[%dma_wait3A_191] : memref<1440xi32, #tpu.memory_space<vmem>> -> memref<72xi32, #tpu.memory_space<vmem>>
    %dma_wait3A_193 = arith.constant 0 : i32
    %dma_wait3A_194 = arith.constant 0 : i32
    %dma_wait3A_195 = tpu.memref_slice %arg2[%dma_wait3A_193, %dma_wait3A_194] : memref<66560x768xf32, #tpu.memory_space<hbm>> -> memref<66560x768xf32, #tpu.memory_space<hbm>>
    tpu.wait_indirect_dma semaphore(%arg9 : memref<!tpu.dma_semaphore, #tpu.memory_space<semaphore_mem>>) src(%dma_wait3A_195 : memref<66560x768xf32, #tpu.memory_space<hbm>>) dst(%arg7 : memref<72x768xf32, #tpu.memory_space<vmem>>)
    %add3A_196 = arith.constant 648 : i32
    %add3A_197 = arith.addi %mul3A_2, %add3A_196 : i32
    %dma_start3A_198 = arith.constant 0 : i32
    %dma_start3A_199 = tpu.memref_slice %arg4[%add3A_197, %dma_start3A_198] : memref<46080x768xf32, #tpu.memory_space<hbm>> -> memref<72x768xf32, #tpu.memory_space<hbm>>
    %dma_start3A_200 = arith.constant 0 : i32
    %dma_start3A_201 = tpu.memref_slice %arg4[%add3A_197, %dma_start3A_200] : memref<46080x768xf32, #tpu.memory_space<hbm>> -> memref<72x768xf32, #tpu.memory_space<hbm>>
    tpu.enqueue_dma source(%arg7 : memref<72x768xf32, #tpu.memory_space<vmem>>) target(%dma_start3A_201 : memref<72x768xf32, #tpu.memory_space<hbm>>) target_semaphore(%arg11 : memref<!tpu.dma_semaphore, #tpu.memory_space<semaphore_mem>>)
    %dma_wait3A_202 = arith.constant 0 : i32
    %dma_wait3A_203 = tpu.memref_slice %arg4[%add3A_197, %dma_wait3A_202] : memref<46080x768xf32, #tpu.memory_space<hbm>> -> memref<72x768xf32, #tpu.memory_space<hbm>>
    %dma_wait3A_204 = arith.constant 0 : i32
    %dma_wait3A_205 = tpu.memref_slice %arg4[%add3A_197, %dma_wait3A_204] : memref<46080x768xf32, #tpu.memory_space<hbm>> -> memref<72x768xf32, #tpu.memory_space<hbm>>
    tpu.wait_dma2 semaphore(%arg11 : memref<!tpu.dma_semaphore, #tpu.memory_space<semaphore_mem>>) src(%arg7 : memref<72x768xf32, #tpu.memory_space<vmem>>) dst(%dma_wait3A_205 : memref<72x768xf32, #tpu.memory_space<hbm>>)
    %dma_start3A_206 = arith.constant 792 : i32
    %dma_start3A_207 = tpu.memref_slice %arg5[%dma_start3A_206] : memref<1440xi32, #tpu.memory_space<vmem>> -> memref<72xi32, #tpu.memory_space<vmem>>
    %dma_start3A_208 = arith.constant 0 : i32
    %dma_start3A_209 = arith.constant 0 : i32
    %dma_start3A_210 = tpu.memref_slice %arg2[%dma_start3A_208, %dma_start3A_209] : memref<66560x768xf32, #tpu.memory_space<hbm>> -> memref<66560x768xf32, #tpu.memory_space<hbm>>
    tpu.enqueue_indirect_dma source(%dma_start3A_210 : memref<66560x768xf32, #tpu.memory_space<hbm>>) target(%arg7 : memref<72x768xf32, #tpu.memory_space<vmem>>) offsets(%dma_start3A_207 : memref<72xi32, #tpu.memory_space<vmem>>) semaphore(%arg9 : memref<!tpu.dma_semaphore, #tpu.memory_space<semaphore_mem>>)
    %dma_wait3A_211 = arith.constant 720 : i32
    %dma_wait3A_212 = tpu.memref_slice %arg5[%dma_wait3A_211] : memref<1440xi32, #tpu.memory_space<vmem>> -> memref<72xi32, #tpu.memory_space<vmem>>
    %dma_wait3A_213 = arith.constant 0 : i32
    %dma_wait3A_214 = arith.constant 0 : i32
    %dma_wait3A_215 = tpu.memref_slice %arg2[%dma_wait3A_213, %dma_wait3A_214] : memref<66560x768xf32, #tpu.memory_space<hbm>> -> memref<66560x768xf32, #tpu.memory_space<hbm>>
    tpu.wait_indirect_dma semaphore(%arg8 : memref<!tpu.dma_semaphore, #tpu.memory_space<semaphore_mem>>) src(%dma_wait3A_215 : memref<66560x768xf32, #tpu.memory_space<hbm>>) dst(%arg6 : memref<72x768xf32, #tpu.memory_space<vmem>>)
    %add3A_216 = arith.constant 720 : i32
    %add3A_217 = arith.addi %mul3A_2, %add3A_216 : i32
    %dma_start3A_218 = arith.constant 0 : i32
    %dma_start3A_219 = tpu.memref_slice %arg4[%add3A_217, %dma_start3A_218] : memref<46080x768xf32, #tpu.memory_space<hbm>> -> memref<72x768xf32, #tpu.memory_space<hbm>>
    %dma_start3A_220 = arith.constant 0 : i32
    %dma_start3A_221 = tpu.memref_slice %arg4[%add3A_217, %dma_start3A_220] : memref<46080x768xf32, #tpu.memory_space<hbm>> -> memref<72x768xf32, #tpu.memory_space<hbm>>
    tpu.enqueue_dma source(%arg6 : memref<72x768xf32, #tpu.memory_space<vmem>>) target(%dma_start3A_221 : memref<72x768xf32, #tpu.memory_space<hbm>>) target_semaphore(%arg10 : memref<!tpu.dma_semaphore, #tpu.memory_space<semaphore_mem>>)
    %dma_wait3A_222 = arith.constant 0 : i32
    %dma_wait3A_223 = tpu.memref_slice %arg4[%add3A_217, %dma_wait3A_222] : memref<46080x768xf32, #tpu.memory_space<hbm>> -> memref<72x768xf32, #tpu.memory_space<hbm>>
    %dma_wait3A_224 = arith.constant 0 : i32
    %dma_wait3A_225 = tpu.memref_slice %arg4[%add3A_217, %dma_wait3A_224] : memref<46080x768xf32, #tpu.memory_space<hbm>> -> memref<72x768xf32, #tpu.memory_space<hbm>>
    tpu.wait_dma2 semaphore(%arg10 : memref<!tpu.dma_semaphore, #tpu.memory_space<semaphore_mem>>) src(%arg6 : memref<72x768xf32, #tpu.memory_space<vmem>>) dst(%dma_wait3A_225 : memref<72x768xf32, #tpu.memory_space<hbm>>)
    %dma_start3A_226 = arith.constant 864 : i32
    %dma_start3A_227 = tpu.memref_slice %arg5[%dma_start3A_226] : memref<1440xi32, #tpu.memory_space<vmem>> -> memref<72xi32, #tpu.memory_space<vmem>>
    %dma_start3A_228 = arith.constant 0 : i32
    %dma_start3A_229 = arith.constant 0 : i32
    %dma_start3A_230 = tpu.memref_slice %arg2[%dma_start3A_228, %dma_start3A_229] : memref<66560x768xf32, #tpu.memory_space<hbm>> -> memref<66560x768xf32, #tpu.memory_space<hbm>>
    tpu.enqueue_indirect_dma source(%dma_start3A_230 : memref<66560x768xf32, #tpu.memory_space<hbm>>) target(%arg6 : memref<72x768xf32, #tpu.memory_space<vmem>>) offsets(%dma_start3A_227 : memref<72xi32, #tpu.memory_space<vmem>>) semaphore(%arg8 : memref<!tpu.dma_semaphore, #tpu.memory_space<semaphore_mem>>)
    %dma_wait3A_231 = arith.constant 792 : i32
    %dma_wait3A_232 = tpu.memref_slice %arg5[%dma_wait3A_231] : memref<1440xi32, #tpu.memory_space<vmem>> -> memref<72xi32, #tpu.memory_space<vmem>>
    %dma_wait3A_233 = arith.constant 0 : i32
    %dma_wait3A_234 = arith.constant 0 : i32
    %dma_wait3A_235 = tpu.memref_slice %arg2[%dma_wait3A_233, %dma_wait3A_234] : memref<66560x768xf32, #tpu.memory_space<hbm>> -> memref<66560x768xf32, #tpu.memory_space<hbm>>
    tpu.wait_indirect_dma semaphore(%arg9 : memref<!tpu.dma_semaphore, #tpu.memory_space<semaphore_mem>>) src(%dma_wait3A_235 : memref<66560x768xf32, #tpu.memory_space<hbm>>) dst(%arg7 : memref<72x768xf32, #tpu.memory_space<vmem>>)
    %add3A_236 = arith.constant 792 : i32
    %add3A_237 = arith.addi %mul3A_2, %add3A_236 : i32
    %dma_start3A_238 = arith.constant 0 : i32
    %dma_start3A_239 = tpu.memref_slice %arg4[%add3A_237, %dma_start3A_238] : memref<46080x768xf32, #tpu.memory_space<hbm>> -> memref<72x768xf32, #tpu.memory_space<hbm>>
    %dma_start3A_240 = arith.constant 0 : i32
    %dma_start3A_241 = tpu.memref_slice %arg4[%add3A_237, %dma_start3A_240] : memref<46080x768xf32, #tpu.memory_space<hbm>> -> memref<72x768xf32, #tpu.memory_space<hbm>>
    tpu.enqueue_dma source(%arg7 : memref<72x768xf32, #tpu.memory_space<vmem>>) target(%dma_start3A_241 : memref<72x768xf32, #tpu.memory_space<hbm>>) target_semaphore(%arg11 : memref<!tpu.dma_semaphore, #tpu.memory_space<semaphore_mem>>)
    %dma_wait3A_242 = arith.constant 0 : i32
    %dma_wait3A_243 = tpu.memref_slice %arg4[%add3A_237, %dma_wait3A_242] : memref<46080x768xf32, #tpu.memory_space<hbm>> -> memref<72x768xf32, #tpu.memory_space<hbm>>
    %dma_wait3A_244 = arith.constant 0 : i32
    %dma_wait3A_245 = tpu.memref_slice %arg4[%add3A_237, %dma_wait3A_244] : memref<46080x768xf32, #tpu.memory_space<hbm>> -> memref<72x768xf32, #tpu.memory_space<hbm>>
    tpu.wait_dma2 semaphore(%arg11 : memref<!tpu.dma_semaphore, #tpu.memory_space<semaphore_mem>>) src(%arg7 : memref<72x768xf32, #tpu.memory_space<vmem>>) dst(%dma_wait3A_245 : memref<72x768xf32, #tpu.memory_space<hbm>>)
    %dma_start3A_246 = arith.constant 936 : i32
    %dma_start3A_247 = tpu.memref_slice %arg5[%dma_start3A_246] : memref<1440xi32, #tpu.memory_space<vmem>> -> memref<72xi32, #tpu.memory_space<vmem>>
    %dma_start3A_248 = arith.constant 0 : i32
    %dma_start3A_249 = arith.constant 0 : i32
    %dma_start3A_250 = tpu.memref_slice %arg2[%dma_start3A_248, %dma_start3A_249] : memref<66560x768xf32, #tpu.memory_space<hbm>> -> memref<66560x768xf32, #tpu.memory_space<hbm>>
    tpu.enqueue_indirect_dma source(%dma_start3A_250 : memref<66560x768xf32, #tpu.memory_space<hbm>>) target(%arg7 : memref<72x768xf32, #tpu.memory_space<vmem>>) offsets(%dma_start3A_247 : memref<72xi32, #tpu.memory_space<vmem>>) semaphore(%arg9 : memref<!tpu.dma_semaphore, #tpu.memory_space<semaphore_mem>>)
    %dma_wait3A_251 = arith.constant 864 : i32
    %dma_wait3A_252 = tpu.memref_slice %arg5[%dma_wait3A_251] : memref<1440xi32, #tpu.memory_space<vmem>> -> memref<72xi32, #tpu.memory_space<vmem>>
    %dma_wait3A_253 = arith.constant 0 : i32
    %dma_wait3A_254 = arith.constant 0 : i32
    %dma_wait3A_255 = tpu.memref_slice %arg2[%dma_wait3A_253, %dma_wait3A_254] : memref<66560x768xf32, #tpu.memory_space<hbm>> -> memref<66560x768xf32, #tpu.memory_space<hbm>>
    tpu.wait_indirect_dma semaphore(%arg8 : memref<!tpu.dma_semaphore, #tpu.memory_space<semaphore_mem>>) src(%dma_wait3A_255 : memref<66560x768xf32, #tpu.memory_space<hbm>>) dst(%arg6 : memref<72x768xf32, #tpu.memory_space<vmem>>)
    %add3A_256 = arith.constant 864 : i32
    %add3A_257 = arith.addi %mul3A_2, %add3A_256 : i32
    %dma_start3A_258 = arith.constant 0 : i32
    %dma_start3A_259 = tpu.memref_slice %arg4[%add3A_257, %dma_start3A_258] : memref<46080x768xf32, #tpu.memory_space<hbm>> -> memref<72x768xf32, #tpu.memory_space<hbm>>
    %dma_start3A_260 = arith.constant 0 : i32
    %dma_start3A_261 = tpu.memref_slice %arg4[%add3A_257, %dma_start3A_260] : memref<46080x768xf32, #tpu.memory_space<hbm>> -> memref<72x768xf32, #tpu.memory_space<hbm>>
    tpu.enqueue_dma source(%arg6 : memref<72x768xf32, #tpu.memory_space<vmem>>) target(%dma_start3A_261 : memref<72x768xf32, #tpu.memory_space<hbm>>) target_semaphore(%arg10 : memref<!tpu.dma_semaphore, #tpu.memory_space<semaphore_mem>>)
    %dma_wait3A_262 = arith.constant 0 : i32
    %dma_wait3A_263 = tpu.memref_slice %arg4[%add3A_257, %dma_wait3A_262] : memref<46080x768xf32, #tpu.memory_space<hbm>> -> memref<72x768xf32, #tpu.memory_space<hbm>>
    %dma_wait3A_264 = arith.constant 0 : i32
    %dma_wait3A_265 = tpu.memref_slice %arg4[%add3A_257, %dma_wait3A_264] : memref<46080x768xf32, #tpu.memory_space<hbm>> -> memref<72x768xf32, #tpu.memory_space<hbm>>
    tpu.wait_dma2 semaphore(%arg10 : memref<!tpu.dma_semaphore, #tpu.memory_space<semaphore_mem>>) src(%arg6 : memref<72x768xf32, #tpu.memory_space<vmem>>) dst(%dma_wait3A_265 : memref<72x768xf32, #tpu.memory_space<hbm>>)
    %dma_start3A_266 = arith.constant 1008 : i32
    %dma_start3A_267 = tpu.memref_slice %arg5[%dma_start3A_266] : memref<1440xi32, #tpu.memory_space<vmem>> -> memref<72xi32, #tpu.memory_space<vmem>>
    %dma_start3A_268 = arith.constant 0 : i32
    %dma_start3A_269 = arith.constant 0 : i32
    %dma_start3A_270 = tpu.memref_slice %arg2[%dma_start3A_268, %dma_start3A_269] : memref<66560x768xf32, #tpu.memory_space<hbm>> -> memref<66560x768xf32, #tpu.memory_space<hbm>>
    tpu.enqueue_indirect_dma source(%dma_start3A_270 : memref<66560x768xf32, #tpu.memory_space<hbm>>) target(%arg6 : memref<72x768xf32, #tpu.memory_space<vmem>>) offsets(%dma_start3A_267 : memref<72xi32, #tpu.memory_space<vmem>>) semaphore(%arg8 : memref<!tpu.dma_semaphore, #tpu.memory_space<semaphore_mem>>)
    %dma_wait3A_271 = arith.constant 936 : i32
    %dma_wait3A_272 = tpu.memref_slice %arg5[%dma_wait3A_271] : memref<1440xi32, #tpu.memory_space<vmem>> -> memref<72xi32, #tpu.memory_space<vmem>>
    %dma_wait3A_273 = arith.constant 0 : i32
    %dma_wait3A_274 = arith.constant 0 : i32
    %dma_wait3A_275 = tpu.memref_slice %arg2[%dma_wait3A_273, %dma_wait3A_274] : memref<66560x768xf32, #tpu.memory_space<hbm>> -> memref<66560x768xf32, #tpu.memory_space<hbm>>
    tpu.wait_indirect_dma semaphore(%arg9 : memref<!tpu.dma_semaphore, #tpu.memory_space<semaphore_mem>>) src(%dma_wait3A_275 : memref<66560x768xf32, #tpu.memory_space<hbm>>) dst(%arg7 : memref<72x768xf32, #tpu.memory_space<vmem>>)
    %add3A_276 = arith.constant 936 : i32
    %add3A_277 = arith.addi %mul3A_2, %add3A_276 : i32
    %dma_start3A_278 = arith.constant 0 : i32
    %dma_start3A_279 = tpu.memref_slice %arg4[%add3A_277, %dma_start3A_278] : memref<46080x768xf32, #tpu.memory_space<hbm>> -> memref<72x768xf32, #tpu.memory_space<hbm>>
    %dma_start3A_280 = arith.constant 0 : i32
    %dma_start3A_281 = tpu.memref_slice %arg4[%add3A_277, %dma_start3A_280] : memref<46080x768xf32, #tpu.memory_space<hbm>> -> memref<72x768xf32, #tpu.memory_space<hbm>>
    tpu.enqueue_dma source(%arg7 : memref<72x768xf32, #tpu.memory_space<vmem>>) target(%dma_start3A_281 : memref<72x768xf32, #tpu.memory_space<hbm>>) target_semaphore(%arg11 : memref<!tpu.dma_semaphore, #tpu.memory_space<semaphore_mem>>)
    %dma_wait3A_282 = arith.constant 0 : i32
    %dma_wait3A_283 = tpu.memref_slice %arg4[%add3A_277, %dma_wait3A_282] : memref<46080x768xf32, #tpu.memory_space<hbm>> -> memref<72x768xf32, #tpu.memory_space<hbm>>
    %dma_wait3A_284 = arith.constant 0 : i32
    %dma_wait3A_285 = tpu.memref_slice %arg4[%add3A_277, %dma_wait3A_284] : memref<46080x768xf32, #tpu.memory_space<hbm>> -> memref<72x768xf32, #tpu.memory_space<hbm>>
    tpu.wait_dma2 semaphore(%arg11 : memref<!tpu.dma_semaphore, #tpu.memory_space<semaphore_mem>>) src(%arg7 : memref<72x768xf32, #tpu.memory_space<vmem>>) dst(%dma_wait3A_285 : memref<72x768xf32, #tpu.memory_space<hbm>>)
    %dma_start3A_286 = arith.constant 1080 : i32
    %dma_start3A_287 = tpu.memref_slice %arg5[%dma_start3A_286] : memref<1440xi32, #tpu.memory_space<vmem>> -> memref<72xi32, #tpu.memory_space<vmem>>
    %dma_start3A_288 = arith.constant 0 : i32
    %dma_start3A_289 = arith.constant 0 : i32
    %dma_start3A_290 = tpu.memref_slice %arg2[%dma_start3A_288, %dma_start3A_289] : memref<66560x768xf32, #tpu.memory_space<hbm>> -> memref<66560x768xf32, #tpu.memory_space<hbm>>
    tpu.enqueue_indirect_dma source(%dma_start3A_290 : memref<66560x768xf32, #tpu.memory_space<hbm>>) target(%arg7 : memref<72x768xf32, #tpu.memory_space<vmem>>) offsets(%dma_start3A_287 : memref<72xi32, #tpu.memory_space<vmem>>) semaphore(%arg9 : memref<!tpu.dma_semaphore, #tpu.memory_space<semaphore_mem>>)
    %dma_wait3A_291 = arith.constant 1008 : i32
    %dma_wait3A_292 = tpu.memref_slice %arg5[%dma_wait3A_291] : memref<1440xi32, #tpu.memory_space<vmem>> -> memref<72xi32, #tpu.memory_space<vmem>>
    %dma_wait3A_293 = arith.constant 0 : i32
    %dma_wait3A_294 = arith.constant 0 : i32
    %dma_wait3A_295 = tpu.memref_slice %arg2[%dma_wait3A_293, %dma_wait3A_294] : memref<66560x768xf32, #tpu.memory_space<hbm>> -> memref<66560x768xf32, #tpu.memory_space<hbm>>
    tpu.wait_indirect_dma semaphore(%arg8 : memref<!tpu.dma_semaphore, #tpu.memory_space<semaphore_mem>>) src(%dma_wait3A_295 : memref<66560x768xf32, #tpu.memory_space<hbm>>) dst(%arg6 : memref<72x768xf32, #tpu.memory_space<vmem>>)
    %add3A_296 = arith.constant 1008 : i32
    %add3A_297 = arith.addi %mul3A_2, %add3A_296 : i32
    %dma_start3A_298 = arith.constant 0 : i32
    %dma_start3A_299 = tpu.memref_slice %arg4[%add3A_297, %dma_start3A_298] : memref<46080x768xf32, #tpu.memory_space<hbm>> -> memref<72x768xf32, #tpu.memory_space<hbm>>
    %dma_start3A_300 = arith.constant 0 : i32
    %dma_start3A_301 = tpu.memref_slice %arg4[%add3A_297, %dma_start3A_300] : memref<46080x768xf32, #tpu.memory_space<hbm>> -> memref<72x768xf32, #tpu.memory_space<hbm>>
    tpu.enqueue_dma source(%arg6 : memref<72x768xf32, #tpu.memory_space<vmem>>) target(%dma_start3A_301 : memref<72x768xf32, #tpu.memory_space<hbm>>) target_semaphore(%arg10 : memref<!tpu.dma_semaphore, #tpu.memory_space<semaphore_mem>>)
    %dma_wait3A_302 = arith.constant 0 : i32
    %dma_wait3A_303 = tpu.memref_slice %arg4[%add3A_297, %dma_wait3A_302] : memref<46080x768xf32, #tpu.memory_space<hbm>> -> memref<72x768xf32, #tpu.memory_space<hbm>>
    %dma_wait3A_304 = arith.constant 0 : i32
    %dma_wait3A_305 = tpu.memref_slice %arg4[%add3A_297, %dma_wait3A_304] : memref<46080x768xf32, #tpu.memory_space<hbm>> -> memref<72x768xf32, #tpu.memory_space<hbm>>
    tpu.wait_dma2 semaphore(%arg10 : memref<!tpu.dma_semaphore, #tpu.memory_space<semaphore_mem>>) src(%arg6 : memref<72x768xf32, #tpu.memory_space<vmem>>) dst(%dma_wait3A_305 : memref<72x768xf32, #tpu.memory_space<hbm>>)
    %dma_start3A_306 = arith.constant 1152 : i32
    %dma_start3A_307 = tpu.memref_slice %arg5[%dma_start3A_306] : memref<1440xi32, #tpu.memory_space<vmem>> -> memref<72xi32, #tpu.memory_space<vmem>>
    %dma_start3A_308 = arith.constant 0 : i32
    %dma_start3A_309 = arith.constant 0 : i32
    %dma_start3A_310 = tpu.memref_slice %arg2[%dma_start3A_308, %dma_start3A_309] : memref<66560x768xf32, #tpu.memory_space<hbm>> -> memref<66560x768xf32, #tpu.memory_space<hbm>>
    tpu.enqueue_indirect_dma source(%dma_start3A_310 : memref<66560x768xf32, #tpu.memory_space<hbm>>) target(%arg6 : memref<72x768xf32, #tpu.memory_space<vmem>>) offsets(%dma_start3A_307 : memref<72xi32, #tpu.memory_space<vmem>>) semaphore(%arg8 : memref<!tpu.dma_semaphore, #tpu.memory_space<semaphore_mem>>)
    %dma_wait3A_311 = arith.constant 1080 : i32
    %dma_wait3A_312 = tpu.memref_slice %arg5[%dma_wait3A_311] : memref<1440xi32, #tpu.memory_space<vmem>> -> memref<72xi32, #tpu.memory_space<vmem>>
    %dma_wait3A_313 = arith.constant 0 : i32
    %dma_wait3A_314 = arith.constant 0 : i32
    %dma_wait3A_315 = tpu.memref_slice %arg2[%dma_wait3A_313, %dma_wait3A_314] : memref<66560x768xf32, #tpu.memory_space<hbm>> -> memref<66560x768xf32, #tpu.memory_space<hbm>>
    tpu.wait_indirect_dma semaphore(%arg9 : memref<!tpu.dma_semaphore, #tpu.memory_space<semaphore_mem>>) src(%dma_wait3A_315 : memref<66560x768xf32, #tpu.memory_space<hbm>>) dst(%arg7 : memref<72x768xf32, #tpu.memory_space<vmem>>)
    %add3A_316 = arith.constant 1080 : i32
    %add3A_317 = arith.addi %mul3A_2, %add3A_316 : i32
    %dma_start3A_318 = arith.constant 0 : i32
    %dma_start3A_319 = tpu.memref_slice %arg4[%add3A_317, %dma_start3A_318] : memref<46080x768xf32, #tpu.memory_space<hbm>> -> memref<72x768xf32, #tpu.memory_space<hbm>>
    %dma_start3A_320 = arith.constant 0 : i32
    %dma_start3A_321 = tpu.memref_slice %arg4[%add3A_317, %dma_start3A_320] : memref<46080x768xf32, #tpu.memory_space<hbm>> -> memref<72x768xf32, #tpu.memory_space<hbm>>
    tpu.enqueue_dma source(%arg7 : memref<72x768xf32, #tpu.memory_space<vmem>>) target(%dma_start3A_321 : memref<72x768xf32, #tpu.memory_space<hbm>>) target_semaphore(%arg11 : memref<!tpu.dma_semaphore, #tpu.memory_space<semaphore_mem>>)
    %dma_wait3A_322 = arith.constant 0 : i32
    %dma_wait3A_323 = tpu.memref_slice %arg4[%add3A_317, %dma_wait3A_322] : memref<46080x768xf32, #tpu.memory_space<hbm>> -> memref<72x768xf32, #tpu.memory_space<hbm>>
    %dma_wait3A_324 = arith.constant 0 : i32
    %dma_wait3A_325 = tpu.memref_slice %arg4[%add3A_317, %dma_wait3A_324] : memref<46080x768xf32, #tpu.memory_space<hbm>> -> memref<72x768xf32, #tpu.memory_space<hbm>>
    tpu.wait_dma2 semaphore(%arg11 : memref<!tpu.dma_semaphore, #tpu.memory_space<semaphore_mem>>) src(%arg7 : memref<72x768xf32, #tpu.memory_space<vmem>>) dst(%dma_wait3A_325 : memref<72x768xf32, #tpu.memory_space<hbm>>)
    %dma_start3A_326 = arith.constant 1224 : i32
    %dma_start3A_327 = tpu.memref_slice %arg5[%dma_start3A_326] : memref<1440xi32, #tpu.memory_space<vmem>> -> memref<72xi32, #tpu.memory_space<vmem>>
    %dma_start3A_328 = arith.constant 0 : i32
    %dma_start3A_329 = arith.constant 0 : i32
    %dma_start3A_330 = tpu.memref_slice %arg2[%dma_start3A_328, %dma_start3A_329] : memref<66560x768xf32, #tpu.memory_space<hbm>> -> memref<66560x768xf32, #tpu.memory_space<hbm>>
    tpu.enqueue_indirect_dma source(%dma_start3A_330 : memref<66560x768xf32, #tpu.memory_space<hbm>>) target(%arg7 : memref<72x768xf32, #tpu.memory_space<vmem>>) offsets(%dma_start3A_327 : memref<72xi32, #tpu.memory_space<vmem>>) semaphore(%arg9 : memref<!tpu.dma_semaphore, #tpu.memory_space<semaphore_mem>>)
    %dma_wait3A_331 = arith.constant 1152 : i32
    %dma_wait3A_332 = tpu.memref_slice %arg5[%dma_wait3A_331] : memref<1440xi32, #tpu.memory_space<vmem>> -> memref<72xi32, #tpu.memory_space<vmem>>
    %dma_wait3A_333 = arith.constant 0 : i32
    %dma_wait3A_334 = arith.constant 0 : i32
    %dma_wait3A_335 = tpu.memref_slice %arg2[%dma_wait3A_333, %dma_wait3A_334] : memref<66560x768xf32, #tpu.memory_space<hbm>> -> memref<66560x768xf32, #tpu.memory_space<hbm>>
    tpu.wait_indirect_dma semaphore(%arg8 : memref<!tpu.dma_semaphore, #tpu.memory_space<semaphore_mem>>) src(%dma_wait3A_335 : memref<66560x768xf32, #tpu.memory_space<hbm>>) dst(%arg6 : memref<72x768xf32, #tpu.memory_space<vmem>>)
    %add3A_336 = arith.constant 1152 : i32
    %add3A_337 = arith.addi %mul3A_2, %add3A_336 : i32
    %dma_start3A_338 = arith.constant 0 : i32
    %dma_start3A_339 = tpu.memref_slice %arg4[%add3A_337, %dma_start3A_338] : memref<46080x768xf32, #tpu.memory_space<hbm>> -> memref<72x768xf32, #tpu.memory_space<hbm>>
    %dma_start3A_340 = arith.constant 0 : i32
    %dma_start3A_341 = tpu.memref_slice %arg4[%add3A_337, %dma_start3A_340] : memref<46080x768xf32, #tpu.memory_space<hbm>> -> memref<72x768xf32, #tpu.memory_space<hbm>>
    tpu.enqueue_dma source(%arg6 : memref<72x768xf32, #tpu.memory_space<vmem>>) target(%dma_start3A_341 : memref<72x768xf32, #tpu.memory_space<hbm>>) target_semaphore(%arg10 : memref<!tpu.dma_semaphore, #tpu.memory_space<semaphore_mem>>)
    %dma_wait3A_342 = arith.constant 0 : i32
    %dma_wait3A_343 = tpu.memref_slice %arg4[%add3A_337, %dma_wait3A_342] : memref<46080x768xf32, #tpu.memory_space<hbm>> -> memref<72x768xf32, #tpu.memory_space<hbm>>
    %dma_wait3A_344 = arith.constant 0 : i32
    %dma_wait3A_345 = tpu.memref_slice %arg4[%add3A_337, %dma_wait3A_344] : memref<46080x768xf32, #tpu.memory_space<hbm>> -> memref<72x768xf32, #tpu.memory_space<hbm>>
    tpu.wait_dma2 semaphore(%arg10 : memref<!tpu.dma_semaphore, #tpu.memory_space<semaphore_mem>>) src(%arg6 : memref<72x768xf32, #tpu.memory_space<vmem>>) dst(%dma_wait3A_345 : memref<72x768xf32, #tpu.memory_space<hbm>>)
    %dma_start3A_346 = arith.constant 1296 : i32
    %dma_start3A_347 = tpu.memref_slice %arg5[%dma_start3A_346] : memref<1440xi32, #tpu.memory_space<vmem>> -> memref<72xi32, #tpu.memory_space<vmem>>
    %dma_start3A_348 = arith.constant 0 : i32
    %dma_start3A_349 = arith.constant 0 : i32
    %dma_start3A_350 = tpu.memref_slice %arg2[%dma_start3A_348, %dma_start3A_349] : memref<66560x768xf32, #tpu.memory_space<hbm>> -> memref<66560x768xf32, #tpu.memory_space<hbm>>
    tpu.enqueue_indirect_dma source(%dma_start3A_350 : memref<66560x768xf32, #tpu.memory_space<hbm>>) target(%arg6 : memref<72x768xf32, #tpu.memory_space<vmem>>) offsets(%dma_start3A_347 : memref<72xi32, #tpu.memory_space<vmem>>) semaphore(%arg8 : memref<!tpu.dma_semaphore, #tpu.memory_space<semaphore_mem>>)
    %dma_wait3A_351 = arith.constant 1224 : i32
    %dma_wait3A_352 = tpu.memref_slice %arg5[%dma_wait3A_351] : memref<1440xi32, #tpu.memory_space<vmem>> -> memref<72xi32, #tpu.memory_space<vmem>>
    %dma_wait3A_353 = arith.constant 0 : i32
    %dma_wait3A_354 = arith.constant 0 : i32
    %dma_wait3A_355 = tpu.memref_slice %arg2[%dma_wait3A_353, %dma_wait3A_354] : memref<66560x768xf32, #tpu.memory_space<hbm>> -> memref<66560x768xf32, #tpu.memory_space<hbm>>
    tpu.wait_indirect_dma semaphore(%arg9 : memref<!tpu.dma_semaphore, #tpu.memory_space<semaphore_mem>>) src(%dma_wait3A_355 : memref<66560x768xf32, #tpu.memory_space<hbm>>) dst(%arg7 : memref<72x768xf32, #tpu.memory_space<vmem>>)
    %add3A_356 = arith.constant 1224 : i32
    %add3A_357 = arith.addi %mul3A_2, %add3A_356 : i32
    %dma_start3A_358 = arith.constant 0 : i32
    %dma_start3A_359 = tpu.memref_slice %arg4[%add3A_357, %dma_start3A_358] : memref<46080x768xf32, #tpu.memory_space<hbm>> -> memref<72x768xf32, #tpu.memory_space<hbm>>
    %dma_start3A_360 = arith.constant 0 : i32
    %dma_start3A_361 = tpu.memref_slice %arg4[%add3A_357, %dma_start3A_360] : memref<46080x768xf32, #tpu.memory_space<hbm>> -> memref<72x768xf32, #tpu.memory_space<hbm>>
    tpu.enqueue_dma source(%arg7 : memref<72x768xf32, #tpu.memory_space<vmem>>) target(%dma_start3A_361 : memref<72x768xf32, #tpu.memory_space<hbm>>) target_semaphore(%arg11 : memref<!tpu.dma_semaphore, #tpu.memory_space<semaphore_mem>>)
    %dma_wait3A_362 = arith.constant 0 : i32
    %dma_wait3A_363 = tpu.memref_slice %arg4[%add3A_357, %dma_wait3A_362] : memref<46080x768xf32, #tpu.memory_space<hbm>> -> memref<72x768xf32, #tpu.memory_space<hbm>>
    %dma_wait3A_364 = arith.constant 0 : i32
    %dma_wait3A_365 = tpu.memref_slice %arg4[%add3A_357, %dma_wait3A_364] : memref<46080x768xf32, #tpu.memory_space<hbm>> -> memref<72x768xf32, #tpu.memory_space<hbm>>
    tpu.wait_dma2 semaphore(%arg11 : memref<!tpu.dma_semaphore, #tpu.memory_space<semaphore_mem>>) src(%arg7 : memref<72x768xf32, #tpu.memory_space<vmem>>) dst(%dma_wait3A_365 : memref<72x768xf32, #tpu.memory_space<hbm>>)
    %dma_start3A_366 = arith.constant 1368 : i32
    %dma_start3A_367 = tpu.memref_slice %arg5[%dma_start3A_366] : memref<1440xi32, #tpu.memory_space<vmem>> -> memref<72xi32, #tpu.memory_space<vmem>>
    %dma_start3A_368 = arith.constant 0 : i32
    %dma_start3A_369 = arith.constant 0 : i32
    %dma_start3A_370 = tpu.memref_slice %arg2[%dma_start3A_368, %dma_start3A_369] : memref<66560x768xf32, #tpu.memory_space<hbm>> -> memref<66560x768xf32, #tpu.memory_space<hbm>>
    tpu.enqueue_indirect_dma source(%dma_start3A_370 : memref<66560x768xf32, #tpu.memory_space<hbm>>) target(%arg7 : memref<72x768xf32, #tpu.memory_space<vmem>>) offsets(%dma_start3A_367 : memref<72xi32, #tpu.memory_space<vmem>>) semaphore(%arg9 : memref<!tpu.dma_semaphore, #tpu.memory_space<semaphore_mem>>)
    %dma_wait3A_371 = arith.constant 1296 : i32
    %dma_wait3A_372 = tpu.memref_slice %arg5[%dma_wait3A_371] : memref<1440xi32, #tpu.memory_space<vmem>> -> memref<72xi32, #tpu.memory_space<vmem>>
    %dma_wait3A_373 = arith.constant 0 : i32
    %dma_wait3A_374 = arith.constant 0 : i32
    %dma_wait3A_375 = tpu.memref_slice %arg2[%dma_wait3A_373, %dma_wait3A_374] : memref<66560x768xf32, #tpu.memory_space<hbm>> -> memref<66560x768xf32, #tpu.memory_space<hbm>>
    tpu.wait_indirect_dma semaphore(%arg8 : memref<!tpu.dma_semaphore, #tpu.memory_space<semaphore_mem>>) src(%dma_wait3A_375 : memref<66560x768xf32, #tpu.memory_space<hbm>>) dst(%arg6 : memref<72x768xf32, #tpu.memory_space<vmem>>)
    %add3A_376 = arith.constant 1296 : i32
    %add3A_377 = arith.addi %mul3A_2, %add3A_376 : i32
    %dma_start3A_378 = arith.constant 0 : i32
    %dma_start3A_379 = tpu.memref_slice %arg4[%add3A_377, %dma_start3A_378] : memref<46080x768xf32, #tpu.memory_space<hbm>> -> memref<72x768xf32, #tpu.memory_space<hbm>>
    %dma_start3A_380 = arith.constant 0 : i32
    %dma_start3A_381 = tpu.memref_slice %arg4[%add3A_377, %dma_start3A_380] : memref<46080x768xf32, #tpu.memory_space<hbm>> -> memref<72x768xf32, #tpu.memory_space<hbm>>
    tpu.enqueue_dma source(%arg6 : memref<72x768xf32, #tpu.memory_space<vmem>>) target(%dma_start3A_381 : memref<72x768xf32, #tpu.memory_space<hbm>>) target_semaphore(%arg10 : memref<!tpu.dma_semaphore, #tpu.memory_space<semaphore_mem>>)
    %dma_wait3A_382 = arith.constant 1368 : i32
    %dma_wait3A_383 = tpu.memref_slice %arg5[%dma_wait3A_382] : memref<1440xi32, #tpu.memory_space<vmem>> -> memref<72xi32, #tpu.memory_space<vmem>>
    %dma_wait3A_384 = arith.constant 0 : i32
    %dma_wait3A_385 = arith.constant 0 : i32
    %dma_wait3A_386 = tpu.memref_slice %arg2[%dma_wait3A_384, %dma_wait3A_385] : memref<66560x768xf32, #tpu.memory_space<hbm>> -> memref<66560x768xf32, #tpu.memory_space<hbm>>
    tpu.wait_indirect_dma semaphore(%arg9 : memref<!tpu.dma_semaphore, #tpu.memory_space<semaphore_mem>>) src(%dma_wait3A_386 : memref<66560x768xf32, #tpu.memory_space<hbm>>) dst(%arg7 : memref<72x768xf32, #tpu.memory_space<vmem>>)
    %add3A_387 = arith.constant 1368 : i32
    %add3A_388 = arith.addi %mul3A_2, %add3A_387 : i32
    %dma_start3A_389 = arith.constant 0 : i32
    %dma_start3A_390 = tpu.memref_slice %arg4[%add3A_388, %dma_start3A_389] : memref<46080x768xf32, #tpu.memory_space<hbm>> -> memref<72x768xf32, #tpu.memory_space<hbm>>
    %dma_start3A_391 = arith.constant 0 : i32
    %dma_start3A_392 = tpu.memref_slice %arg4[%add3A_388, %dma_start3A_391] : memref<46080x768xf32, #tpu.memory_space<hbm>> -> memref<72x768xf32, #tpu.memory_space<hbm>>
    tpu.enqueue_dma source(%arg7 : memref<72x768xf32, #tpu.memory_space<vmem>>) target(%dma_start3A_392 : memref<72x768xf32, #tpu.memory_space<hbm>>) target_semaphore(%arg11 : memref<!tpu.dma_semaphore, #tpu.memory_space<semaphore_mem>>)
    %dma_wait3A_393 = arith.constant 0 : i32
    %dma_wait3A_394 = tpu.memref_slice %arg4[%add3A_388, %dma_wait3A_393] : memref<46080x768xf32, #tpu.memory_space<hbm>> -> memref<72x768xf32, #tpu.memory_space<hbm>>
    %dma_wait3A_395 = arith.constant 0 : i32
    %dma_wait3A_396 = tpu.memref_slice %arg4[%add3A_388, %dma_wait3A_395] : memref<46080x768xf32, #tpu.memory_space<hbm>> -> memref<72x768xf32, #tpu.memory_space<hbm>>
    tpu.wait_dma2 semaphore(%arg11 : memref<!tpu.dma_semaphore, #tpu.memory_space<semaphore_mem>>) src(%arg7 : memref<72x768xf32, #tpu.memory_space<vmem>>) dst(%dma_wait3A_396 : memref<72x768xf32, #tpu.memory_space<hbm>>)
    %dma_wait3A_397 = arith.constant 0 : i32
    %dma_wait3A_398 = tpu.memref_slice %arg4[%add3A_377, %dma_wait3A_397] : memref<46080x768xf32, #tpu.memory_space<hbm>> -> memref<72x768xf32, #tpu.memory_space<hbm>>
    %dma_wait3A_399 = arith.constant 0 : i32
    %dma_wait3A_400 = tpu.memref_slice %arg4[%add3A_377, %dma_wait3A_399] : memref<46080x768xf32, #tpu.memory_space<hbm>> -> memref<72x768xf32, #tpu.memory_space<hbm>>
    tpu.wait_dma2 semaphore(%arg10 : memref<!tpu.dma_semaphore, #tpu.memory_space<semaphore_mem>>) src(%arg6 : memref<72x768xf32, #tpu.memory_space<vmem>>) dst(%dma_wait3A_400 : memref<72x768xf32, #tpu.memory_space<hbm>>)
    return
  }
}

module attributes {stable_mosaic.version = 14 : i64} {
  func.func @body(%arg0: i32, %arg1: memref<8x128x768xf32, #tpu.memory_space<vmem>>, %arg2: memref<8x128xf32, #tpu.memory_space<vmem>>, %arg3: memref<8x128xf32, #tpu.memory_space<vmem>>, %arg4: memref<8x128x768xf32, #tpu.memory_space<vmem>>) attributes {dimension_semantics = [#tpu.dimension_semantics<arbitrary>], iteration_bounds = array<i64: 64>, scalar_prefetch = 0 : i64, scratch_operands = 1 : i64, tpu.core_type = #tpu.core_type<tc>, window_params = [{transform_indices = @transform_0, window_bounds = array<i64: 8, 128, 768>}, {transform_indices = @transform_1, window_bounds = array<i64: 8, 128>}, {transform_indices = @transform_2, window_bounds = array<i64: 8, 128>}]} {
    %get3A = arith.constant 0 : index
    %get3A_0 = arith.constant 0 : index
    %get3A_1 = arith.constant 0 : index
    %get3A_2 = vector.load %arg1[%get3A, %get3A_0, %get3A_1] : memref<8x128x768xf32, #tpu.memory_space<vmem>>, vector<8x128x768xf32>
    %mul3A = arith.mulf %get3A_2, %get3A_2 : vector<8x128x768xf32>
    %reduce_sum3A = arith.constant dense<0.000000e+00> : vector<8x128xf32>
    %reduce_sum3A_3 = vector.multi_reduction <add>, %mul3A, %reduce_sum3A [2] : vector<8x128x768xf32> to vector<8x128xf32>
    %swap3A = arith.constant 0 : index
    %swap3A_4 = arith.constant 0 : index
    %swap3A_5 = vector.load %arg2[%swap3A, %swap3A_4] : memref<8x128xf32, #tpu.memory_space<vmem>>, vector<8x128xf32>
    tpu.vector_store %arg2[%swap3A, %swap3A_4], %reduce_sum3A_3 {strides = array<i32>} : memref<8x128xf32, #tpu.memory_space<vmem>>, vector<8x128xf32>,
    %get3A_6 = arith.constant 0 : index
    %get3A_7 = arith.constant 0 : index
    %get3A_8 = arith.constant 0 : index
    %get3A_9 = vector.load %arg4[%get3A_6, %get3A_7, %get3A_8] : memref<8x128x768xf32, #tpu.memory_space<vmem>>, vector<8x128x768xf32>
    %mul3A_10 = arith.mulf %get3A_2, %get3A_9 : vector<8x128x768xf32>
    %reduce_sum3A_11 = arith.constant dense<0.000000e+00> : vector<8x128xf32>
    %reduce_sum3A_12 = vector.multi_reduction <add>, %mul3A_10, %reduce_sum3A_11 [2] : vector<8x128x768xf32> to vector<8x128xf32>
    %eq3A = arith.constant 0 : i32
    %eq3A_13 = arith.cmpi eq, %arg0, %eq3A : i32
    %jit3A = arith.constant 0.000000e+00 : f32
    %broadcast_in_dim3A = vector.broadcast %jit3A : f32 to vector<8x128xf32>
    %select_n3A = arith.select %eq3A_13, %broadcast_in_dim3A, %reduce_sum3A_12 : vector<8x128xf32>
    %swap3A_14 = arith.constant 0 : index
    %swap3A_15 = arith.constant 0 : index
    %swap3A_16 = vector.load %arg3[%swap3A_14, %swap3A_15] : memref<8x128xf32, #tpu.memory_space<vmem>>, vector<8x128xf32>
    tpu.vector_store %arg3[%swap3A_14, %swap3A_15], %select_n3A {strides = array<i32>} : memref<8x128xf32, #tpu.memory_space<vmem>>, vector<8x128xf32>,
    %swap3A_17 = arith.constant 0 : index
    %swap3A_18 = arith.constant 0 : index
    %swap3A_19 = arith.constant 0 : index
    %swap3A_20 = vector.load %arg4[%swap3A_17, %swap3A_18, %swap3A_19] : memref<8x128x768xf32, #tpu.memory_space<vmem>>, vector<8x128x768xf32>
    tpu.vector_store %arg4[%swap3A_17, %swap3A_18, %swap3A_19], %get3A_2 {strides = array<i32>} : memref<8x128x768xf32, #tpu.memory_space<vmem>>, vector<8x128x768xf32>,
    return
  }
  func.func @transform_0(%arg0: i32) -> (i32, i32, i32) {
    %c0_i32 = arith.constant 0 : i32
    %c0_i32_0 = arith.constant 0 : i32
    %c0_i32_1 = arith.constant 0 : i32
    return %arg0, %c0_i32, %c0_i32_0 : i32, i32, i32
  }
  func.func @transform_1(%arg0: i32) -> (i32, i32) {
    %c0_i32 = arith.constant 0 : i32
    %c0_i32_0 = arith.constant 0 : i32
    return %arg0, %c0_i32 : i32, i32
  }
  func.func @transform_2(%arg0: i32) -> (i32, i32) {
    %c0_i32 = arith.constant 0 : i32
    %c0_i32_0 = arith.constant 0 : i32
    return %arg0, %c0_i32 : i32, i32
  }
}

module attributes {stable_mosaic.version = 14 : i64} {
  func.func @body(%arg0: i32, %arg1: memref<1024x768xf32, #tpu.memory_space<vmem>>, %arg2: memref<1024x1xf32, #tpu.memory_space<vmem>>, %arg3: memref<1024x768xf32, #tpu.memory_space<vmem>>, %arg4: memref<1024x768xf32, #tpu.memory_space<vmem>>) attributes {dimension_semantics = [#tpu.dimension_semantics<arbitrary>], iteration_bounds = array<i64: 66>, scalar_prefetch = 0 : i64, scratch_operands = 1 : i64, tpu.core_type = #tpu.core_type<tc>, window_params = [{transform_indices = @transform_0, window_bounds = array<i64: 1024, 768>}, {transform_indices = @transform_1, window_bounds = array<i64: 1024, 1>}, {transform_indices = @transform_2, window_bounds = array<i64: 1024, 768>}]} {
    %get3A = arith.constant 0 : index
    %get3A_0 = arith.constant 0 : index
    %get3A_1 = vector.load %arg1[%get3A, %get3A_0] : memref<1024x768xf32, #tpu.memory_space<vmem>>, vector<1024x768xf32>
    %get3A_2 = arith.constant 0 : index
    %get3A_3 = arith.constant 0 : index
    %get3A_4 = vector.load %arg2[%get3A_2, %get3A_3] : memref<1024x1xf32, #tpu.memory_space<vmem>>, vector<1024x1xf32>
    %sub3A = arith.constant 1.000000e+00 : f32
    %sub3A_5 = vector.broadcast %sub3A : f32 to vector<1024x1xf32>
    %sub3A_6 = arith.subf %sub3A_5, %get3A_4 : vector<1024x1xf32>
    %get3A_7 = arith.constant 0 : index
    %get3A_8 = arith.constant 0 : index
    %get3A_9 = vector.load %arg4[%get3A_7, %get3A_8] : memref<1024x768xf32, #tpu.memory_space<vmem>>, vector<1024x768xf32>
    %mul3A = vector.broadcast %sub3A_6 : vector<1024x1xf32> to vector<1024x768xf32>
    %mul3A_10 = arith.mulf %mul3A, %get3A_9 : vector<1024x768xf32>
    %mul3A_11 = vector.broadcast %get3A_4 : vector<1024x1xf32> to vector<1024x768xf32>
    %mul3A_12 = arith.mulf %mul3A_11, %get3A_1 : vector<1024x768xf32>
    %add3A = arith.addf %mul3A_10, %mul3A_12 : vector<1024x768xf32>
    %eq3A = arith.constant 0 : i32
    %eq3A_13 = arith.cmpi eq, %arg0, %eq3A : i32
    %eq3A_14 = arith.constant 65 : i32
    %eq3A_15 = arith.cmpi eq, %arg0, %eq3A_14 : i32
    %or3A = arith.ori %eq3A_13, %eq3A_15 : i1
    %jit3A = arith.constant 0.000000e+00 : f32
    %broadcast_in_dim3A = vector.broadcast %jit3A : f32 to vector<1024x768xf32>
    %select_n3A = arith.select %or3A, %broadcast_in_dim3A, %add3A : vector<1024x768xf32>
    %swap3A = arith.constant 0 : index
    %swap3A_16 = arith.constant 0 : index
    %swap3A_17 = vector.load %arg3[%swap3A, %swap3A_16] : memref<1024x768xf32, #tpu.memory_space<vmem>>, vector<1024x768xf32>
    tpu.vector_store %arg3[%swap3A, %swap3A_16], %select_n3A {strides = array<i32>} : memref<1024x768xf32, #tpu.memory_space<vmem>>, vector<1024x768xf32>,
    %swap3A_18 = arith.constant 0 : index
    %swap3A_19 = arith.constant 0 : index
    %swap3A_20 = vector.load %arg4[%swap3A_18, %swap3A_19] : memref<1024x768xf32, #tpu.memory_space<vmem>>, vector<1024x768xf32>
    tpu.vector_store %arg4[%swap3A_18, %swap3A_19], %get3A_1 {strides = array<i32>} : memref<1024x768xf32, #tpu.memory_space<vmem>>, vector<1024x768xf32>,
    return
  }
  func.func @transform_0(%arg0: i32) -> (i32, i32) {
    %min3A = arith.constant 63 : i32
    %min3A_0 = arith.minsi %arg0, %min3A : i32
    %c0_i32 = arith.constant 0 : i32
    %c0_i32_1 = arith.constant 0 : i32
    return %min3A_0, %c0_i32 : i32, i32
  }
  func.func @transform_1(%arg0: i32) -> (i32, i32) {
    %sub3A = arith.constant 1 : i32
    %sub3A_0 = arith.subi %arg0, %sub3A : i32
    %jit3A = arith.constant 0 : i32
    %jit3A_1 = arith.constant 63 : i32
    %max3A = arith.maxsi %jit3A, %sub3A_0 : i32
    %min3A = arith.minsi %jit3A_1, %max3A : i32
    %c0_i32 = arith.constant 0 : i32
    %c0_i32_2 = arith.constant 0 : i32
    return %min3A, %c0_i32 : i32, i32
  }
  func.func @transform_2(%arg0: i32) -> (i32, i32) {
    %sub3A = arith.constant 1 : i32
    %sub3A_0 = arith.subi %arg0, %sub3A : i32
    %jit3A = arith.constant 0 : i32
    %jit3A_1 = arith.constant 64 : i32
    %max3A = arith.maxsi %jit3A, %sub3A_0 : i32
    %min3A = arith.minsi %jit3A_1, %max3A : i32
    %c0_i32 = arith.constant 0 : i32
    %c0_i32_2 = arith.constant 0 : i32
    return %min3A, %c0_i32 : i32, i32
  }
}

module attributes {stable_mosaic.version = 14 : i64} {
  func.func @body(%arg0: memref<512x128xf32, #tpu.memory_space<vmem>>, %arg1: memref<512x128xf32, #tpu.memory_space<vmem>>, %arg2: memref<512x128xf32, #tpu.memory_space<vmem>>, %arg3: memref<512x128xf32, #tpu.memory_space<vmem>>, %arg4: memref<512x128xf32, #tpu.memory_space<vmem>>, %arg5: memref<512x128xi32, #tpu.memory_space<vmem>>, %arg6: memref<512x128xf32, #tpu.memory_space<vmem>>) attributes {dimension_semantics = [], scalar_prefetch = 0 : i64, scratch_operands = 0 : i64, tpu.core_type = #tpu.core_type<tc>} {
    %get3A = arith.constant 0 : index
    %get3A_0 = arith.constant 0 : index
    %get3A_1 = vector.load %arg0[%get3A, %get3A_0] : memref<512x128xf32, #tpu.memory_space<vmem>>, vector<512x128xf32>
    %sqrt3A = math.sqrt %get3A_1 : vector<512x128xf32>
    %get3A_2 = arith.constant 0 : index
    %get3A_3 = arith.constant 0 : index
    %get3A_4 = vector.load %arg1[%get3A_2, %get3A_3] : memref<512x128xf32, #tpu.memory_space<vmem>>, vector<512x128xf32>
    %sqrt3A_5 = math.sqrt %get3A_4 : vector<512x128xf32>
    %iota3A = tpu.iota {dimensions = array<i32: 0>} : vector<512x128xi32>
    %mul3A = arith.constant 128 : i32
    %mul3A_6 = vector.broadcast %mul3A : i32 to vector<512x128xi32>
    %mul3A_7 = arith.muli %iota3A, %mul3A_6 : vector<512x128xi32>
    %iota3A_8 = tpu.iota {dimensions = array<i32: 1>} : vector<512x128xi32>
    %add3A = arith.addi %mul3A_7, %iota3A_8 : vector<512x128xi32>
    %lt3A = arith.constant 1024 : i32
    %lt3A_9 = vector.broadcast %lt3A : i32 to vector<512x128xi32>
    %lt3A_10 = arith.cmpi slt, %add3A, %lt3A_9 : vector<512x128xi32>
    %get3A_11 = arith.constant 0 : index
    %get3A_12 = arith.constant 0 : index
    %get3A_13 = vector.load %arg3[%get3A_11, %get3A_12] : memref<512x128xf32, #tpu.memory_space<vmem>>, vector<512x128xf32>
    %add3A_14 = arith.constant 9.99999997E-7 : f32
    %add3A_15 = vector.broadcast %add3A_14 : f32 to vector<512x128xf32>
    %add3A_16 = arith.addf %sqrt3A, %add3A_15 : vector<512x128xf32>
    %add3A_17 = arith.constant 9.99999997E-7 : f32
    %add3A_18 = vector.broadcast %add3A_17 : f32 to vector<512x128xf32>
    %add3A_19 = arith.addf %sqrt3A_5, %add3A_18 : vector<512x128xf32>
    %mul3A_20 = arith.mulf %add3A_16, %add3A_19 : vector<512x128xf32>
    %div3A = arith.divf %get3A_13, %mul3A_20 : vector<512x128xf32>
    %jit3A = arith.constant -1.000000e+00 : f32
    %broadcast_in_dim3A = vector.broadcast %jit3A : f32 to vector<512x128xf32>
    %select_n3A = arith.select %lt3A_10, %broadcast_in_dim3A, %div3A : vector<512x128xi1>, vector<512x128xf32>
    %bitcast_convert_type3A = tpu.bitcast %select_n3A : vector<512x128xf32> -> vector<512x128xi32>
    %shift_right_arithmetic3A = arith.constant 31 : i32
    %shift_right_arithmetic3A_21 = vector.broadcast %shift_right_arithmetic3A : i32 to vector<512x128xi32>
    %shift_right_arithmetic3A_22 = arith.shrsi %bitcast_convert_type3A, %shift_right_arithmetic3A_21 : vector<512x128xi32>
    %and3A = arith.constant 2147483647 : i32
    %and3A_23 = vector.broadcast %and3A : i32 to vector<512x128xi32>
    %and3A_24 = arith.andi %shift_right_arithmetic3A_22, %and3A_23 : vector<512x128xi32>
    %xor3A = arith.xori %bitcast_convert_type3A, %and3A_24 : vector<512x128xi32>
    %scan3A = arith.constant -2147483648 : i32
    %scan3A_25 = arith.constant 2147483647 : i32
    %scan3A_26 = arith.constant 0 : i32
    %scan3A_27 = arith.constant 33 : i32
    %scan3A_28 = arith.addi %scan3A_26, %scan3A_27 : i32
    %scan3A_29 = arith.constant 1 : i32
    %scan3A_30:2 = scf.for %scan3A_156 = %scan3A_26 to %scan3A_28 step %scan3A_29 iter_args(%scan3A_157 = %scan3A, %scan3A_158 = %scan3A_25) -> (i32, i32)  : i32 {
      %shift_right_arithmetic3A_159 = arith.constant 1 : i32
      %shift_right_arithmetic3A_160 = arith.shrsi %scan3A_157, %shift_right_arithmetic3A_159 : i32
      %shift_right_arithmetic3A_161 = arith.constant 1 : i32
      %shift_right_arithmetic3A_162 = arith.shrsi %scan3A_158, %shift_right_arithmetic3A_161 : i32
      %add3A_163 = arith.addi %shift_right_arithmetic3A_160, %shift_right_arithmetic3A_162 : i32
      %and3A_164 = arith.andi %scan3A_157, %scan3A_158 : i32
      %and3A_165 = arith.constant 1 : i32
      %and3A_166 = arith.andi %and3A_164, %and3A_165 : i32
      %add3A_167 = arith.addi %add3A_163, %and3A_166 : i32
      %gt3A_168 = vector.broadcast %add3A_167 : i32 to vector<512x128xi32>
      %gt3A_169 = arith.cmpi sgt, %xor3A, %gt3A_168 : vector<512x128xi32>
      %convert_element_type3A_170 = arith.extui %gt3A_169 : vector<512x128xi1> to vector<512x128xi32>
      %reduce_sum3A_171 = vector.shape_cast %convert_element_type3A_170 : vector<512x128xi32> to vector<1x512x128xi32>
      %reduce_sum3A_172 = arith.constant dense<0> : vector<1xi32>
      %reduce_sum3A_173 = vector.multi_reduction <add>, %reduce_sum3A_171, %reduce_sum3A_172 [1, 2] : vector<1x512x128xi32> to vector<1xi32>
      %reduce_sum3A_174 = vector.shape_cast %reduce_sum3A_173 : vector<1xi32> to vector<1x1x1xi32>
      %reduce_sum3A_175 = vector.extract %reduce_sum3A_174[0, 0, 0] : i32 from vector<1x1x1xi32>
      %ge3A = arith.constant 9830 : i32
      %ge3A_176 = arith.cmpi sge, %reduce_sum3A_175, %ge3A : i32
      %select_n3A_177 = arith.select %ge3A_176, %add3A_167, %scan3A_157 : i32
      %select_n3A_178 = arith.select %ge3A_176, %scan3A_158, %add3A_167 : i32
      scf.yield %select_n3A_177, %select_n3A_178 : i32, i32
    }
    %gt3A = vector.broadcast %scan3A_30#1 : i32 to vector<512x128xi32>
    %gt3A_31 = arith.cmpi sgt, %xor3A, %gt3A : vector<512x128xi32>
    %convert_element_type3A = arith.extui %gt3A_31 : vector<512x128xi1> to vector<512x128xi32>
    %reduce_sum3A = vector.shape_cast %convert_element_type3A : vector<512x128xi32> to vector<1x512x128xi32>
    %reduce_sum3A_32 = arith.constant dense<0> : vector<1xi32>
    %reduce_sum3A_33 = vector.multi_reduction <add>, %reduce_sum3A, %reduce_sum3A_32 [1, 2] : vector<1x512x128xi32> to vector<1xi32>
    %reduce_sum3A_34 = vector.shape_cast %reduce_sum3A_33 : vector<1xi32> to vector<1x1x1xi32>
    %reduce_sum3A_35 = vector.extract %reduce_sum3A_34[0, 0, 0] : i32 from vector<1x1x1xi32>
    %sub3A = arith.constant 9830 : i32
    %sub3A_36 = arith.subi %sub3A, %reduce_sum3A_35 : i32
    %eq3A = vector.broadcast %scan3A_30#1 : i32 to vector<512x128xi32>
    %eq3A_37 = arith.cmpi eq, %xor3A, %eq3A : vector<512x128xi32>
    %scan3A_38 = arith.constant 0 : i32
    %scan3A_39 = arith.constant 65536 : i32
    %scan3A_40 = arith.constant 0 : i32
    %scan3A_41 = arith.constant 17 : i32
    %scan3A_42 = arith.addi %scan3A_40, %scan3A_41 : i32
    %scan3A_43 = arith.constant 1 : i32
    %scan3A_44:2 = scf.for %scan3A_156 = %scan3A_40 to %scan3A_42 step %scan3A_43 iter_args(%scan3A_157 = %scan3A_38, %scan3A_158 = %scan3A_39) -> (i32, i32)  : i32 {
      %add3A_159 = arith.addi %scan3A_157, %scan3A_158 : i32
      %shift_right_arithmetic3A_160 = arith.constant 1 : i32
      %shift_right_arithmetic3A_161 = arith.shrsi %add3A_159, %shift_right_arithmetic3A_160 : i32
      %lt3A_162 = vector.broadcast %shift_right_arithmetic3A_161 : i32 to vector<512x128xi32>
      %lt3A_163 = arith.cmpi slt, %add3A, %lt3A_162 : vector<512x128xi32>
      %and3A_164 = arith.andi %eq3A_37, %lt3A_163 : vector<512x128xi1>
      %convert_element_type3A_165 = arith.extui %and3A_164 : vector<512x128xi1> to vector<512x128xi32>
      %reduce_sum3A_166 = vector.shape_cast %convert_element_type3A_165 : vector<512x128xi32> to vector<1x512x128xi32>
      %reduce_sum3A_167 = arith.constant dense<0> : vector<1xi32>
      %reduce_sum3A_168 = vector.multi_reduction <add>, %reduce_sum3A_166, %reduce_sum3A_167 [1, 2] : vector<1x512x128xi32> to vector<1xi32>
      %reduce_sum3A_169 = vector.shape_cast %reduce_sum3A_168 : vector<1xi32> to vector<1x1x1xi32>
      %reduce_sum3A_170 = vector.extract %reduce_sum3A_169[0, 0, 0] : i32 from vector<1x1x1xi32>
      %ge3A = arith.cmpi sge, %reduce_sum3A_170, %sub3A_36 : i32
      %select_n3A_171 = arith.select %ge3A, %scan3A_157, %shift_right_arithmetic3A_161 : i32
      %select_n3A_172 = arith.select %ge3A, %shift_right_arithmetic3A_161, %scan3A_158 : i32
      scf.yield %select_n3A_171, %select_n3A_172 : i32, i32
    }
    %gt3A_45 = vector.broadcast %scan3A_30#1 : i32 to vector<512x128xi32>
    %gt3A_46 = arith.cmpi sgt, %xor3A, %gt3A_45 : vector<512x128xi32>
    %lt3A_47 = vector.broadcast %scan3A_44#1 : i32 to vector<512x128xi32>
    %lt3A_48 = arith.cmpi slt, %add3A, %lt3A_47 : vector<512x128xi32>
    %and3A_49 = arith.andi %eq3A_37, %lt3A_48 : vector<512x128xi1>
    %or3A = arith.ori %gt3A_46, %and3A_49 : vector<512x128xi1>
    %gt3A_50 = arith.constant 6.000000e-01 : f32
    %gt3A_51 = vector.broadcast %gt3A_50 : f32 to vector<512x128xf32>
    %gt3A_52 = arith.cmpf ogt, %select_n3A, %gt3A_51 : vector<512x128xf32>
    %and3A_53 = arith.andi %or3A, %gt3A_52 : vector<512x128xi1>
    %convert_element_type3A_54 = arith.extui %and3A_53 : vector<512x128xi1> to vector<512x128xi32>
    %convert_element_type3A_55 = arith.sitofp %convert_element_type3A_54 : vector<512x128xi32> to vector<512x128xf32>
    %slice3A = vector.extract_strided_slice %convert_element_type3A_55 {offsets = [8, 0], sizes = [504, 128], strides = [1, 1]} : vector<512x128xf32> to vector<504x128xf32>
    %broadcast_in_dim3A_56 = arith.constant 0.000000e+00 : f32
    %broadcast_in_dim3A_57 = vector.broadcast %broadcast_in_dim3A_56 : f32 to vector<8x128xf32>
    %concatenate3A = tpu.concatenate %slice3A, %broadcast_in_dim3A_57 in 0 : vector<504x128xf32>, vector<8x128xf32> -> vector<512x128xf32>
    %gt3A_58 = arith.constant 5.000000e-01 : f32
    %gt3A_59 = vector.broadcast %gt3A_58 : f32 to vector<512x128xf32>
    %gt3A_60 = arith.cmpf ogt, %concatenate3A, %gt3A_59 : vector<512x128xf32>
    %get3A_61 = arith.constant 0 : index
    %get3A_62 = arith.constant 0 : index
    %get3A_63 = vector.load %arg2[%get3A_61, %get3A_62] : memref<512x128xf32, #tpu.memory_space<vmem>>, vector<512x128xf32>
    %add3A_64 = arith.addf %get3A_1, %get3A_63 : vector<512x128xf32>
    %get3A_65 = arith.constant 0 : index
    %get3A_66 = arith.constant 0 : index
    %get3A_67 = vector.load %arg4[%get3A_65, %get3A_66] : memref<512x128xf32, #tpu.memory_space<vmem>>, vector<512x128xf32>
    %mul3A_68 = arith.constant 2.000000e+00 : f32
    %mul3A_69 = vector.broadcast %mul3A_68 : f32 to vector<512x128xf32>
    %mul3A_70 = arith.mulf %mul3A_69, %get3A_67 : vector<512x128xf32>
    %add3A_71 = arith.addf %add3A_64, %mul3A_70 : vector<512x128xf32>
    %mul3A_72 = arith.constant 2.500000e-01 : f32
    %mul3A_73 = vector.broadcast %mul3A_72 : f32 to vector<512x128xf32>
    %mul3A_74 = arith.mulf %mul3A_73, %add3A_71 : vector<512x128xf32>
    %max3A = arith.constant 0.000000e+00 : f32
    %max3A_75 = vector.broadcast %max3A : f32 to vector<512x128xf32>
    %max3A_76 = arith.maximumf %mul3A_74, %max3A_75 : vector<512x128xf32>
    %select_n3A_77 = arith.select %gt3A_60, %max3A_76, %get3A_1 : vector<512x128xi1>, vector<512x128xf32>
    %sqrt3A_78 = math.sqrt %select_n3A_77 : vector<512x128xf32>
    %jit3A_79 = arith.constant 0xFF800000 : f32
    %broadcast_in_dim3A_80 = vector.broadcast %jit3A_79 : f32 to vector<512x128xf32>
    %select_n3A_81 = arith.select %and3A_53, %broadcast_in_dim3A_80, %sqrt3A_78 : vector<512x128xi1>, vector<512x128xf32>
    %bitcast_convert_type3A_82 = tpu.bitcast %select_n3A_81 : vector<512x128xf32> -> vector<512x128xi32>
    %shift_right_arithmetic3A_83 = arith.constant 31 : i32
    %shift_right_arithmetic3A_84 = vector.broadcast %shift_right_arithmetic3A_83 : i32 to vector<512x128xi32>
    %shift_right_arithmetic3A_85 = arith.shrsi %bitcast_convert_type3A_82, %shift_right_arithmetic3A_84 : vector<512x128xi32>
    %and3A_86 = arith.constant 2147483647 : i32
    %and3A_87 = vector.broadcast %and3A_86 : i32 to vector<512x128xi32>
    %and3A_88 = arith.andi %shift_right_arithmetic3A_85, %and3A_87 : vector<512x128xi32>
    %xor3A_89 = arith.xori %bitcast_convert_type3A_82, %and3A_88 : vector<512x128xi32>
    %scan3A_90 = arith.constant -2147483648 : i32
    %scan3A_91 = arith.constant 2147483647 : i32
    %scan3A_92 = arith.constant 0 : i32
    %scan3A_93 = arith.constant 33 : i32
    %scan3A_94 = arith.addi %scan3A_92, %scan3A_93 : i32
    %scan3A_95 = arith.constant 1 : i32
    %scan3A_96:2 = scf.for %scan3A_156 = %scan3A_92 to %scan3A_94 step %scan3A_95 iter_args(%scan3A_157 = %scan3A_90, %scan3A_158 = %scan3A_91) -> (i32, i32)  : i32 {
      %shift_right_arithmetic3A_159 = arith.constant 1 : i32
      %shift_right_arithmetic3A_160 = arith.shrsi %scan3A_157, %shift_right_arithmetic3A_159 : i32
      %shift_right_arithmetic3A_161 = arith.constant 1 : i32
      %shift_right_arithmetic3A_162 = arith.shrsi %scan3A_158, %shift_right_arithmetic3A_161 : i32
      %add3A_163 = arith.addi %shift_right_arithmetic3A_160, %shift_right_arithmetic3A_162 : i32
      %and3A_164 = arith.andi %scan3A_157, %scan3A_158 : i32
      %and3A_165 = arith.constant 1 : i32
      %and3A_166 = arith.andi %and3A_164, %and3A_165 : i32
      %add3A_167 = arith.addi %add3A_163, %and3A_166 : i32
      %gt3A_168 = vector.broadcast %add3A_167 : i32 to vector<512x128xi32>
      %gt3A_169 = arith.cmpi sgt, %xor3A_89, %gt3A_168 : vector<512x128xi32>
      %convert_element_type3A_170 = arith.extui %gt3A_169 : vector<512x128xi1> to vector<512x128xi32>
      %reduce_sum3A_171 = vector.shape_cast %convert_element_type3A_170 : vector<512x128xi32> to vector<1x512x128xi32>
      %reduce_sum3A_172 = arith.constant dense<0> : vector<1xi32>
      %reduce_sum3A_173 = vector.multi_reduction <add>, %reduce_sum3A_171, %reduce_sum3A_172 [1, 2] : vector<1x512x128xi32> to vector<1xi32>
      %reduce_sum3A_174 = vector.shape_cast %reduce_sum3A_173 : vector<1xi32> to vector<1x1x1xi32>
      %reduce_sum3A_175 = vector.extract %reduce_sum3A_174[0, 0, 0] : i32 from vector<1x1x1xi32>
      %ge3A = arith.constant 45876 : i32
      %ge3A_176 = arith.cmpi sge, %reduce_sum3A_175, %ge3A : i32
      %select_n3A_177 = arith.select %ge3A_176, %add3A_167, %scan3A_157 : i32
      %select_n3A_178 = arith.select %ge3A_176, %scan3A_158, %add3A_167 : i32
      scf.yield %select_n3A_177, %select_n3A_178 : i32, i32
    }
    %gt3A_97 = vector.broadcast %scan3A_96#1 : i32 to vector<512x128xi32>
    %gt3A_98 = arith.cmpi sgt, %xor3A_89, %gt3A_97 : vector<512x128xi32>
    %convert_element_type3A_99 = arith.extui %gt3A_98 : vector<512x128xi1> to vector<512x128xi32>
    %reduce_sum3A_100 = vector.shape_cast %convert_element_type3A_99 : vector<512x128xi32> to vector<1x512x128xi32>
    %reduce_sum3A_101 = arith.constant dense<0> : vector<1xi32>
    %reduce_sum3A_102 = vector.multi_reduction <add>, %reduce_sum3A_100, %reduce_sum3A_101 [1, 2] : vector<1x512x128xi32> to vector<1xi32>
    %reduce_sum3A_103 = vector.shape_cast %reduce_sum3A_102 : vector<1xi32> to vector<1x1x1xi32>
    %reduce_sum3A_104 = vector.extract %reduce_sum3A_103[0, 0, 0] : i32 from vector<1x1x1xi32>
    %sub3A_105 = arith.constant 45876 : i32
    %sub3A_106 = arith.subi %sub3A_105, %reduce_sum3A_104 : i32
    %eq3A_107 = vector.broadcast %scan3A_96#1 : i32 to vector<512x128xi32>
    %eq3A_108 = arith.cmpi eq, %xor3A_89, %eq3A_107 : vector<512x128xi32>
    %scan3A_109 = arith.constant 0 : i32
    %scan3A_110 = arith.constant 65536 : i32
    %scan3A_111 = arith.constant 0 : i32
    %scan3A_112 = arith.constant 17 : i32
    %scan3A_113 = arith.addi %scan3A_111, %scan3A_112 : i32
    %scan3A_114 = arith.constant 1 : i32
    %scan3A_115:2 = scf.for %scan3A_156 = %scan3A_111 to %scan3A_113 step %scan3A_114 iter_args(%scan3A_157 = %scan3A_109, %scan3A_158 = %scan3A_110) -> (i32, i32)  : i32 {
      %add3A_159 = arith.addi %scan3A_157, %scan3A_158 : i32
      %shift_right_arithmetic3A_160 = arith.constant 1 : i32
      %shift_right_arithmetic3A_161 = arith.shrsi %add3A_159, %shift_right_arithmetic3A_160 : i32
      %lt3A_162 = vector.broadcast %shift_right_arithmetic3A_161 : i32 to vector<512x128xi32>
      %lt3A_163 = arith.cmpi slt, %add3A, %lt3A_162 : vector<512x128xi32>
      %and3A_164 = arith.andi %eq3A_108, %lt3A_163 : vector<512x128xi1>
      %convert_element_type3A_165 = arith.extui %and3A_164 : vector<512x128xi1> to vector<512x128xi32>
      %reduce_sum3A_166 = vector.shape_cast %convert_element_type3A_165 : vector<512x128xi32> to vector<1x512x128xi32>
      %reduce_sum3A_167 = arith.constant dense<0> : vector<1xi32>
      %reduce_sum3A_168 = vector.multi_reduction <add>, %reduce_sum3A_166, %reduce_sum3A_167 [1, 2] : vector<1x512x128xi32> to vector<1xi32>
      %reduce_sum3A_169 = vector.shape_cast %reduce_sum3A_168 : vector<1xi32> to vector<1x1x1xi32>
      %reduce_sum3A_170 = vector.extract %reduce_sum3A_169[0, 0, 0] : i32 from vector<1x1x1xi32>
      %ge3A = arith.cmpi sge, %reduce_sum3A_170, %sub3A_106 : i32
      %select_n3A_171 = arith.select %ge3A, %scan3A_157, %shift_right_arithmetic3A_161 : i32
      %select_n3A_172 = arith.select %ge3A, %shift_right_arithmetic3A_161, %scan3A_158 : i32
      scf.yield %select_n3A_171, %select_n3A_172 : i32, i32
    }
    %gt3A_116 = vector.broadcast %scan3A_96#1 : i32 to vector<512x128xi32>
    %gt3A_117 = arith.cmpi sgt, %xor3A_89, %gt3A_116 : vector<512x128xi32>
    %lt3A_118 = vector.broadcast %scan3A_115#1 : i32 to vector<512x128xi32>
    %lt3A_119 = arith.cmpi slt, %add3A, %lt3A_118 : vector<512x128xi32>
    %and3A_120 = arith.andi %eq3A_108, %lt3A_119 : vector<512x128xi1>
    %or3A_121 = arith.ori %gt3A_117, %and3A_120 : vector<512x128xi1>
    %jit3A_122 = arith.constant 5.000000e-01 : f32
    %jit3A_123 = arith.constant 0.000000e+00 : f32
    %broadcast_in_dim3A_124 = vector.broadcast %jit3A_122 : f32 to vector<512x128xf32>
    %broadcast_in_dim3A_125 = vector.broadcast %jit3A_123 : f32 to vector<512x128xf32>
    %select_n3A_126 = arith.select %gt3A_60, %broadcast_in_dim3A_124, %broadcast_in_dim3A_125 : vector<512x128xi1>, vector<512x128xf32>
    %swap3A = arith.constant 0 : index
    %swap3A_127 = arith.constant 0 : index
    %swap3A_128 = vector.load %arg6[%swap3A, %swap3A_127] : memref<512x128xf32, #tpu.memory_space<vmem>>, vector<512x128xf32>
    tpu.vector_store %arg6[%swap3A, %swap3A_127], %select_n3A_126 {strides = array<i32>} : memref<512x128xf32, #tpu.memory_space<vmem>>, vector<512x128xf32>,
    %convert_element_type3A_129 = arith.extui %or3A_121 : vector<512x128xi1> to vector<512x128xi32>
    %convert_element_type3A_130 = arith.sitofp %convert_element_type3A_129 : vector<512x128xi32> to vector<512x128xf32>
    %iota3A_131 = tpu.iota {dimensions = array<i32: 0>} : vector<128x128xi32>
    %iota3A_132 = tpu.iota {dimensions = array<i32: 1>} : vector<128x128xi32>
    %lt3A_133 = arith.cmpi slt, %iota3A_131, %iota3A_132 : vector<128x128xi32>
    %convert_element_type3A_134 = arith.extui %lt3A_133 : vector<128x128xi1> to vector<128x128xi32>
    %convert_element_type3A_135 = arith.sitofp %convert_element_type3A_134 : vector<128x128xi32> to vector<128x128xf32>
    %dot_general3A = arith.constant dense<0.000000e+00> : vector<512x128xf32>
    %dot_general3A_136 = tpu.matmul %convert_element_type3A_130, %convert_element_type3A_135, %dot_general3A {dimension_numbers = #tpu.dot_dimension_numbers<[1], [0], [0], [1], [0, 0, 1, 1], [], []>, transpose_lhs_hint = false} : vector<512x128xf32>, vector<128x128xf32>, vector<512x128xf32> -> vector<512x128xf32>
    %broadcast_in_dim3A_137 = arith.constant 1.000000e+00 : f32
    %broadcast_in_dim3A_138 = vector.broadcast %broadcast_in_dim3A_137 : f32 to vector<128x128xf32>
    %dot_general3A_139 = arith.constant dense<0.000000e+00> : vector<512x128xf32>
    %dot_general3A_140 = tpu.matmul %convert_element_type3A_130, %broadcast_in_dim3A_138, %dot_general3A_139 {dimension_numbers = #tpu.dot_dimension_numbers<[1], [0], [0], [1], [0, 0, 1, 1], [], []>, transpose_lhs_hint = false} : vector<512x128xf32>, vector<128x128xf32>, vector<512x128xf32> -> vector<512x128xf32>
    %iota3A_141 = tpu.iota {dimensions = array<i32: 0>} : vector<512x512xi32>
    %iota3A_142 = tpu.iota {dimensions = array<i32: 1>} : vector<512x512xi32>
    %lt3A_143 = arith.cmpi slt, %iota3A_142, %iota3A_141 : vector<512x512xi32>
    %convert_element_type3A_144 = arith.extui %lt3A_143 : vector<512x512xi1> to vector<512x512xi32>
    %convert_element_type3A_145 = arith.sitofp %convert_element_type3A_144 : vector<512x512xi32> to vector<512x512xf32>
    %dot_general3A_146 = arith.constant dense<0.000000e+00> : vector<512x128xf32>
    %dot_general3A_147 = tpu.matmul %convert_element_type3A_145, %dot_general3A_140, %dot_general3A_146 {dimension_numbers = #tpu.dot_dimension_numbers<[1], [0], [0], [1], [0, 0, 1, 1], [], []>, transpose_lhs_hint = false} : vector<512x512xf32>, vector<512x128xf32>, vector<512x128xf32> -> vector<512x128xf32>
    %add3A_148 = arith.addf %dot_general3A_147, %dot_general3A_136 : vector<512x128xf32>
    %convert_element_type3A_149 = arith.fptosi %add3A_148 : vector<512x128xf32> to vector<512x128xi32>
    %jit3A_150 = arith.constant 46084 : i32
    %broadcast_in_dim3A_151 = vector.broadcast %jit3A_150 : i32 to vector<512x128xi32>
    %select_n3A_152 = arith.select %or3A_121, %convert_element_type3A_149, %broadcast_in_dim3A_151 : vector<512x128xi1>, vector<512x128xi32>
    %swap3A_153 = arith.constant 0 : index
    %swap3A_154 = arith.constant 0 : index
    %swap3A_155 = vector.load %arg5[%swap3A_153, %swap3A_154] : memref<512x128xi32, #tpu.memory_space<vmem>>, vector<512x128xi32>
    tpu.vector_store %arg5[%swap3A_153, %swap3A_154], %select_n3A_152 {strides = array<i32>} : memref<512x128xi32, #tpu.memory_space<vmem>>, vector<512x128xi32>,
    return
  }
}

</mosaic_0001>

<sc_bundles>
// kernel: kernel.10.cloned.1.call-start
scs
__scs_entry_jumppad:
0x0: {  	(pc) =	sbr.rel $0x88, $3  }
0x1: {  	(tag) =	ssettag $0x0;
	lr =	simm.s32 $0x1  }
0x2: {  	[smem:$0x3FA0] =	sst lr;
	_ =	strace $0xD0000000  }
0x3: {  	_ = 	snop  }
0x4: {  	_ = 	snop  }
0x5: {  	_ = 	snop  }
0x6: {  	_ = 	snop  }
0x7: {  	_ = 	snop  }
__scs_overlays_trampoline_lowered:
0x8: {  	[smem:$0x3FAF] =	sst s0  }
0x9: {  	[smem:$0x3FB0] =	sst s1  }
0xa: {  	[smem:$0x3FB1] =	sst s2  }
0xb: {  	[smem:$0x3FB2] =	sst s3  }
0xc: {  	[smem:$0x3FB3] =	sst s4  }
0xd: {  	[smem:$0x3FB4] =	sst s5  }
0xe: {  	[smem:$0x3FB5] =	sst s6  }
0xf: {  	[smem:$0x3FB6] =	sst s7  }
0x10: {  	[smem:$0x3FB7] =	sst s8  }
0x11: {  	[smem:$0x3FB8] =	sst s9;
	s0 =	simm.s32 @!p0 $0x0  }
0x12: {  	s1 =	sld [smem:$0x3F9E];
	s0 =	simm.s32 @p0 $0x1  }
0x13: {  	[smem:$0x3FB9] =	sst s0;
	s0 =	simm.s32 @!p1 $0x0  }
0x14: {  	s2 =	sld [smem:$0x3F9D];
	s0 =	simm.s32 @p1 $0x1  }
0x15: {  	[smem:$0x3FBA] =	sst s0;
	s0 =	simm.s32 @!p2 $0x0  }
0x16: {  	s3 =	sld [smem:$0x3FDB];
	s0 =	simm.s32 @p2 $0x1  }
0x17: {  	s4 =	simm.s32 $0x1BF5;
	[smem:$0x3FBC] =	sst s0  }
0x18: {  	s0 =	sld [smem:$0x3F9F];
	_ =	swait.ge [sflag:s4], $0x0  }
0x19: {  	s7 =	sld [smem:$0x3FA0]  }
0x1a: {  	s8 =	sadd.s32 $0xFFFFE003, lr  }
0x1b: {  	s9 =	sadd.s32 $0xFFFFFEF7, lr;
	s5 =	simm.s32 $0xFFFFFFFF;
	p2 =	slt.u32 s8, $0xFFFFF086  }
0x1c: {  	p1 =	slt.u32 s9, $0xF7A;
	s5 =	simm.s32 @!p2 $0x0  }
0x1d: {  	s5 =	simm.s32 @p1 $0x1;
	p0 =	seq.s32 s7, s2  }
0x1e: {  	s7 =	smul.u32 @!p0 $0xF7A, s2;
	p2 =	seq.s32 @!p0 s5, $0x0  }
0x1f: {  	s9 =	smul.u32 $0xF7A, s1;
	s8 =	simm.s32 @!p0 $0x1BF5;
	p2 =	por !p2, p0  }
0x20: {  	[sflag:s8] =	ssyncset.s32 @!p0 $0xFFFFF086;
	s6 =	sadd.s32 @!p0 s3, s7;
	s7 =	simm.s32 @!p0 $0x108  }
0x21: {  	s3 =	sadd.s32 s3, s9;
	s6 =	sadd.s32 @!p0 $0x88, s6;
	s7 =	simm.s32 @p2 $0x1082  }
0x22: {  	[simem:s7], [sflag:s8] =	dma.local @!p0 [hbm:s6], $0xF7A  }
0x23: {  	s9 =	sor.u32 $0xD0000000, s2;
	s6 =	simm.s32 $0x108;
	_ =	swait.ge @!p0 [sflag:s8], $0x0  }
0x24: {  	s3 =	sadd.s32 $0x88, s3;
	s6 =	simm.s32 @!p1 $0x1082;
	[sflag:s4] =	ssyncset.s32 $0xFFFFF086  }
0x25: {  	[simem:s6], [sflag:s4] =	dma.local [hbm:s3], $0xF7A  }
0x26: {  	[smem:$0x3FA0] =	sst s1;
	(tag) =	ssettag s2;
	_ =	strace s9  }
0x27: {  	s1 =	sld [smem:$0x3FB0]  }
0x28: {  	s2 =	sld [smem:$0x3FB1]  }
0x29: {  	s4 =	sld [smem:$0x3FB3]  }
0x2a: {  	p0 =	seq.s32 s5, $0x0;
	s5 =	sld [smem:$0x3FB4]  }
0x2b: {  	s6 =	sld [smem:$0x3FB5]  }
0x2c: {  	s7 =	sld [smem:$0x3FB6]  }
0x2d: {  	s3 =	simm.s32 $0x108;
	s8 =	sld [smem:$0x3FB7]  }
0x2e: {  	s3 =	simm.s32 @!p0 $0x1082;
	s9 =	sld [smem:$0x3FB8]  }
0x2f: {  	lr =	sadd.s32 s0, s3;
	s0 =	sld [smem:$0x3FAF]  }
0x30: {  	s3 =	sld [smem:$0x3FB2]  }
0x31: {  	[smem:$0x3FBB] =	sst s10  }
0x32: {  	s10 =	sld [smem:$0x3FB9];
	_ =	sdelay $0x3  }
0x33: {  	p0 =	seq.s32 s10, $0x1;
	s10 =	sld [smem:$0x3FBB];
	_ =	sdelay $0x3  }
0x34: {  	[smem:$0x3FBB] =	sst s10  }
0x35: {  	s10 =	sld [smem:$0x3FBA];
	_ =	sdelay $0x3  }
0x36: {  	p1 =	seq.s32 s10, $0x1;
	s10 =	sld [smem:$0x3FBB];
	_ =	sdelay $0x3  }
0x37: {  	[smem:$0x3FBB] =	sst s10  }
0x38: {  	s10 =	sld [smem:$0x3FBC]  }
0x39: {  	_ = 	snop;
	(pc) =	sbr.ind lr, $3  }
0x3a: {  	_ = 	snop  }
0x3b: {  	_ = 	snop  }
0x3c: {  	p2 =	seq.s32 s10, $0x1;
	s10 =	sld [smem:$0x3FBB]  }
0x3d: {  	_ =	shalt  }
0x3e: {  	_ =	shalt  }
0x3f: {  	_ =	shalt  }
0x40: {  	_ =	shalt  }
0x41: {  	_ =	shalt  }
0x42: {  	_ =	shalt  }
0x43: {  	_ =	shalt  }
0x44: {  	_ =	shalt  }
0x45: {  	_ =	shalt  }
0x46: {  	_ =	shalt  }
0x47: {  	_ =	shalt  }
0x48: {  	_ =	shalt  }
0x49: {  	_ =	shalt  }
0x4a: {  	_ =	shalt  }
0x4b: {  	_ =	shalt  }
0x4c: {  	_ =	shalt  }
0x4d: {  	_ =	shalt  }
0x4e: {  	_ =	shalt  }
0x4f: {  	_ =	shalt  }
0x50: {  	_ =	shalt  }
0x51: {  	_ =	shalt  }
0x52: {  	_ =	shalt  }
0x53: {  	_ =	shalt  }
0x54: {  	_ =	shalt  }
0x55: {  	_ =	shalt  }
0x56: {  	_ =	shalt  }
0x57: {  	_ =	shalt  }
0x58: {  	_ =	shalt  }
0x59: {  	_ =	shalt  }
0x5a: {  	_ =	shalt  }
0x5b: {  	_ =	shalt  }
0x5c: {  	_ =	shalt  }
0x5d: {  	_ =	shalt  }
0x5e: {  	_ =	shalt  }
0x5f: {  	_ =	shalt  }
0x60: {  	_ =	shalt  }
0x61: {  	_ =	shalt  }
0x62: {  	_ =	shalt  }
0x63: {  	_ =	shalt  }
0x64: {  	_ =	shalt  }
0x65: {  	_ =	shalt  }
0x66: {  	_ =	shalt  }
0x67: {  	_ =	shalt  }
0x68: {  	_ =	shalt  }
0x69: {  	_ =	shalt  }
0x6a: {  	_ =	shalt  }
0x6b: {  	_ =	shalt  }
0x6c: {  	_ =	shalt  }
0x6d: {  	_ =	shalt  }
0x6e: {  	_ =	shalt  }
0x6f: {  	_ =	shalt  }
0x70: {  	_ =	shalt  }
0x71: {  	_ =	shalt  }
0x72: {  	_ =	shalt  }
0x73: {  	_ =	shalt  }
0x74: {  	_ =	shalt  }
0x75: {  	_ =	shalt  }
0x76: {  	_ =	shalt  }
0x77: {  	_ =	shalt  }
0x78: {  	_ =	shalt  }
0x79: {  	_ =	shalt  }
0x7a: {  	_ =	shalt  }
0x7b: {  	_ =	shalt  }
0x7c: {  	_ =	shalt  }
0x7d: {  	_ =	shalt  }
0x7e: {  	_ =	shalt  }
0x7f: {  	_ =	shalt  }
0x80: {  	_ =	shalt  }
0x81: {  	_ =	shalt  }
0x82: {  	_ =	shalt  }
0x83: {  	_ =	shalt  }
0x84: {  	_ =	shalt  }
0x85: {  	_ =	shalt  }
0x86: {  	_ =	shalt  }
0x87: {  	_ =	shalt  }
.Lfunc_end0:
.L_simem_size_0:
called_computation.1_lowered:
.L_overlay_start_0:
0x88: {  	s2 =	sld [smem:$0x3FD9]  }
0x89: {  	s3 =	sld [smem:$0x3FFE];
	_ =	sdelay $0x1  }
0x8a: {  	s1 =	srdreg.scid  }
0x8b: {  	s0 =	sand.u32 $0x1, s1  }
0x8c: {  	s17 =	sshll.u32 s0, $0xA;
	s2 =	sadd.s32 s3, s2  }
0x8d: {  	s2 =	sadd.s32 s2, s17  }
0x8e: {  	[smem:$0x3FC7] =	sst s2  }
0x8f: {  	_ = 	snop  }
0x90: {  	s2 =	sld [smem:$0x3FD0];
	(tm) =	ssettm $0x1  }
0x91: {  	s18 =	sld [smem:$0x3FFB];
	_ =	sdelay $0x3  }
0x92: {  	_ =	strace s18  }
0x93: {  	s3 =	sld [smem:$0x3FFC];
	_ =	sdelay $0x3  }
0x94: {  	_ =	strace s3  }
0x95: {  	s3 =	sld [smem:$0x3FFD];
	_ =	sdelay $0x3  }
0x96: {  	_ =	strace s3  }
0x97: {  	_ =	strace $0x8FFFFFFF  }
0x98: {  	s19 =	sld [smem:$0x3FDB];
	_ =	sdelay $0x1  }
0x99: {  	s4 =	simm.s32 $_scs_section_size  }
0x9a: {  	s5 =	simm.s32 $_size__tile_overlayer_lowered;
	s6 =	simm.s32 $_tile_overlayer_lowered  }
0x9b: {  	s22 =	simm.s32 $0x1BFF;
	s21 =	sshll.u32 s6, $0x1;
	s3 =	sadd.s32 s4, s19  }
0x9c: {  	s7 =	simm.s32 $0x0;
	s20 =	sshll.u32 s5, $0x1;
	s5 =	sadd.s32 s21, s3  }
0x9d: {  	[timem:s7], [sflag:s22] =	dma.local [hbm:s5], s20  }
0x9e: {  	_ =	swait.ge [sflag:s22], s20  }
0x9f: {  	s4 =	ssub.s32 $0x0, s20;
	[sflag:s22] =	ssyncset.done $0x0  }
0xa0: {  	[sflag:s22] =	ssyncadd.s32 s4;
	_ =	sdelay $0x1  }
0xa1: {  	s23 =	simm.s32 $0x1B8B  }
0xa2: {  	_ =	swait.ge [sflag:s23], $0x1  }
0xa3: {  	[sflag:s23] =	ssyncset.done $0x0  }
0xa4: {  	s25 =	simm.s32 $0x1B8E;
	s24 =	sld [smem:$0x3FFE];
	[sflag:s23] =	ssyncadd.s32 $0xFFFFFFFF  }
0xa5: {  	s26 =	simm.s32 $execute0_lowered;
	[smem:$0x3FD2] =	sst s25  }
0xa6: {  	s5 =	sshll.u32 s26, $0x1;
	_ =	strace $0x80000049;
	[dreg:$0x1] =	wrdreg $0xFFFFFFFF  }
0xa7: {  	s28 =	simm.s32 $_size_execute0_lowered;
	s3 =	sadd.s32 s3, s5;
	[dreg:$0x0] =	wrdreg $0x0  }
0xa8: {  	s5 =	sshll.u32 s28, $0x1;
	[dreg:$0x2] =	wrdreg s3  }
0xa9: {  	[dreg:$0x3] =	wrdreg s5  }
0xaa: {  	[dreg:$0x4] =	wrdreg $0xC0  }
0xab: {  	_ =	task [dreg:s7], $0x5FFFF  }
0xac: {  	[dreg:$0x1] =	wrdreg $0xFFFFFFFF  }
0xad: {  	[dreg:$0x0] =	wrdreg $0x60  }
0xae: {  	[dreg:$0x2] =	wrdreg s24  }
0xaf: {  	[dreg:$0x3] =	wrdreg s2  }
0xb0: {  	[dreg:$0x4] =	wrdreg $0x9  }
0xb1: {  	_ =	task.clear_ibuf [dreg:s7], $0x5FFFF;
	_ =	strace $0x90000049  }
0xb2: {  	s29 =	simm.s32 $0x9;
	_ =	strace $0x8000004B  }
0xb3: {  	_ =	swait.ge [sflag:s29], $0x1  }
0xb4: {  	[sflag:s29] =	ssyncadd.s32 $0xFFFFFFFF  }
0xb5: {  	_ =	strace $0x9000004B  }
0xb6: {  	_ =	sfence  }
0xb7: {  	s30 =	sld [smem:$0x0];
	_ =	sdelay $0x2  }
0xb8: {  	s31 =	sshll.u32 s1, $0xD;
	s1 =	sshrl.u32 s1, $0x2  }
0xb9: {  	s3 =	sand.u32 $0x4000, s31;
	s1 =	sadd.s32 s1, s30  }
0xba: {  	s0 =	sor.u32 s3, s0;
	s1 =	sshll.u32 s1, $0x11  }
0xbb: {  	s0 =	sor.u32 s1, s0  }
0xbc: {  	s0 =	sadd.s32 $0x8F2B, s0  }
0xbd: {  	[sflag:s0] =	ssyncadd.remote.s32 $0x1  }
0xbe: {  	_ =	sfence.sel $0xFFFF  }
0xbf: {  	[dreg:$0x0] =	wrdreg $0xFFFFFFFF;
	(pc) =	sbr.abs _section_cstart, $3  }
0xc0: {  	[dreg:$0x1] =	wrdreg $0xFFFFFFFF  }
0xc1: {  	_ =	task.clear_ibuf [dreg:s7], $0x2FFFF;
	_ =	strace $0x9FFFFFFF  }
0xc2: {  	(tm) =	ssettm $0x7FFFFFFF  }
0xc3: {  	_ =	shalt  }
tec
execute0_lowered:
.L_overlay_start_1:
0x0: {  	(tag) =	ssettag $0x1  }
0x1: {  	s0 =	srdreg.scid;
	s1 =	stileid.u32  }
0x2: {  	s5 =	sand.u32 $0x1, s0;
	s24 =	sshll.u32 s1, $0x1  }
0x3: {  	s2 =	simm.s32 $0x0;
	s0 =	rddreg [dreg:$0x0];
	s1 =	sor.u32 s5, s24  }
0x4: {  	[smem:$0x7FF] =	sst s2;
	s3 =	smul.u32 $0x5A0, s1  }
0x5: {  	s5 =	ssub.s32 $0x2, s5;
	s1 =	rddreg [dreg:$0x1];
	_ =	strace $0x8000004A  }
0x6: {  	s4 =	sadd.s32 $0x48, s3;
	s6 =	sshrl.u32 s3, $0x3;
	s25 =	sadd.s32 $0xD8, s3  }
0x7: {  	s28 =	sadd.s32 $0x168, s3;
	s30 =	sadd.s32 $0x1F8, s3;
	s13 =	sadd.s32 $0x288, s3  }
0x8: {  	s16 =	sadd.s32 $0x318, s3;
	s18 =	sadd.s32 $0x3A8, s3;
	s23 =	sadd.s32 $0x438, s3  }
0x9: {  	s4 =	sshrl.u32 s4, $0x3;
	s7 =	sadd.s32 s6, s0;
	s6 =	smul.u32 $0x300, s6  }
0xa: {  	s26 =	sshrl.u32 s25, $0x3;
	s29 =	sshrl.u32 s28, $0x3;
	s14 =	sshrl.u32 s13, $0x3  }
0xb: {  	s17 =	sshrl.u32 s16, $0x3;
	s4 =	smul.u32 $0x300, s4;
	s7 =	sadd.s32 $0x3000, s7  }
0xc: {  	s24 =	sshrl.u32 s23, $0x3;
	[dreg:$0x3] =	wrdreg s7;
	s9 =	sadd.s32 s1, s6  }
0xd: {  	s23 =	simm.s32 $0x600;
	s4 =	sadd.s32 s1, s4;
	[dreg:$0x17] =	wrdreg s9  }
0xe: {  	s16 =	simm.s32 $0x2;
	s6 =	sadd.s32 $0x3600, s9;
	[dreg:$0x4] =	wrdreg s4  }
0xf: {  	s7 =	sshrl.u32 s30, $0x3;
	s31 =	sadd.s32 $0x6C00, s9;
	[dreg:$0x5] =	wrdreg s6  }
0x10: {  	s30 =	sshrl.u32 s5, $0x1;
	s11 =	sadd.s32 $0xA200, s9;
	[dreg:$0x7] =	wrdreg s31  }
0x11: {  	s10 =	smul.u32 $0x300, s7;
	s15 =	sadd.s32 $0xD800, s9;
	[dreg:$0x9] =	wrdreg s11  }
0x12: {  	s19 =	sadd.s32 $0x10E00, s9;
	s7 =	sshrl.u32 s18, $0x3;
	[dreg:$0xb] =	wrdreg s15  }
0x13: {  	s22 =	sadd.s32 $0x14400, s9;
	s4 =	smul.u32 $0x300, s26;
	[dreg:$0xd] =	wrdreg s19  }
0x14: {  	s25 =	sadd.s32 $0x17A00, s9;
	s6 =	smul.u32 $0x300, s29;
	[dreg:$0xf] =	wrdreg s22  }
0x15: {  	s28 =	sadd.s32 $0x1B000, s9;
	s21 =	smul.u32 $0x300, s7;
	[dreg:$0x11] =	wrdreg s25  }
0x16: {  	[dreg:$0x13] =	wrdreg s28;
	s31 =	sadd.s32 $0x1E600, s9;
	s11 =	simm.s32 $0xDE00  }
0x17: {  	s15 =	simm.s32 $0x3;
	s12 =	sadd.s32 s1, s10;
	[dreg:$0x15] =	wrdreg s31  }
0x18: {  	s4 =	sadd.s32 s1, s4;
	s8 =	sadd.s32 s1, s6;
	[dreg:$0xa] =	wrdreg s12  }
0x19: {  	s6 =	smul.u32 $0x300, s17;
	s17 =	simm.s32 $0x4;
	[dreg:$0x6] =	wrdreg s4  }
0x1a: {  	[dreg:$0x8] =	wrdreg s8;
	s4 =	smul.u32 $0x300, s14;
	s8 =	sadd.s32 $0x4C8, s3  }
0x1b: {  	s3 =	sadd.s32 $0x558, s3;
	s20 =	sadd.s32 s1, s6;
	s6 =	sadd.s32 s1, s21  }
0x1c: {  	s26 =	sshrl.u32 s8, $0x3;
	[dreg:$0x10] =	wrdreg s6;
	s6 =	smul.u32 $0x300, s24  }
0x1d: {  	s14 =	simm.s32 $0x1;
	s3 =	sshrl.u32 s3, $0x3;
	s7 =	smul.u32 $0x300, s26  }
0x1e: {  	s4 =	sadd.s32 s1, s4;
	[dreg:$0xe] =	wrdreg s20;
	s3 =	smul.u32 $0x300, s3  }
0x1f: {  	[dreg:$0xc] =	wrdreg s4;
	s4 =	sadd.s32 $0x4800, s0;
	s6 =	sadd.s32 s1, s6  }
0x20: {  	v2 =	vlaneseq.u32;
	s29 =	sadd.s32 s1, s7;
	s7 =	ssub.s32 s5, s30;
	[dreg:$0x12] =	wrdreg s6  }
0x21: {  	vm0 =	vmmov $0xffff;
	v1 =	vshrl.u32 v2, $0x3;
	s1 =	sadd.s32 s1, s3;
	s5 =	sadd.s32 $0x4900, s0;
	[dreg:$0x14] =	wrdreg s29  }
0x22: {  	v0 =	vand.u32 $0x7, v2;
	v2 =	vor.u32 $0x8, v2;
	v1 =	vmul.u32 $0x8, v1;
	s6 =	sadd.s32 $0x4A00, s0;
	[dreg:$0x16] =	wrdreg s1;
	s0 =	smax.u32 s7, $0x1  }
.LBB2_1:
0x23: {  	[dreg:$0x18] =	wrdreg s0  }
0x24: {  	s18 =	rddreg [dreg:$0x3];
	s1 =	simm.s32 $0x5  }
0x25: {  	[tilespmem:s2], [sflag:$0x5] =	stream.linear.gather [hbm4b:s18+s2], $0x5A0, $0x38;
	[tilespmem:$0x1B600] =	vst v63  }
0x26: {  	_ =	swait.ge [sflag:s1], $0x5A0  }
0x27: {  	[sflag:s1] =	ssyncset.done $0x0  }
0x28: {  	[sflag:s1] =	ssyncadd.s32 $0xFFFFFA60  }
0x29: {  	v3 =	vld [tilespmem:$0x0];
	_ =	sdelay $0x4  }
0x2a: {  	v4 =	vshrl.u32 v3, $0x3  }
0x2b: {  	v4 =	vmul.u32 $0x30, v4  }
0x2c: {  	v3 =	vand.u32 $0x7, v3  }
0x2d: {  	v3 =	vor.u32 v3, v4  }
0x2e: {  	v4 =	vperm.xlane v3, v0;
	_ =	sdelay $0x1  }
0x2f: {  	v4 =	vadd.s32 v1, v4;
	_ =	sdelay $0x3  }
0x30: {  	v3 =	vperm.xlane v3, v2  }
0x31: {  	[tilespmem:s23], [sflag:$0x1] =	stream.indirect_vreg.gather [hbm4b:s4+s2], $0x80, v4, vm0, $0xb8;
	[tilespmem:$0x1B600] =	vst v63  }
0x32: {  	s3 =	simm.s32 $0xE00;
	v3 =	vadd.s32 v1, v3  }
0x33: {  	[tilespmem:s3], [sflag:$0x1] =	stream.indirect_vreg.gather [hbm4b:s5+s2], $0x80, v4, vm0, $0xb8;
	[tilespmem:$0x1B600] =	vst v63  }
0x34: {  	s7 =	simm.s32 $0x1600  }
0x35: {  	[tilespmem:s7], [sflag:$0x1] =	stream.indirect_vreg.gather [hbm4b:s6+s2], $0x80, v4, vm0, $0xb8;
	[tilespmem:$0x1B600] =	vst v63  }
0x36: {  	s8 =	simm.s32 $0x1E00  }
0x37: {  	[tilespmem:s8], [sflag:$0x1] =	stream.indirect_vreg.gather [hbm4b:s4+s2], $0x80, v3, vm0, $0xb8;
	[tilespmem:$0x1B600] =	vst v63  }
0x38: {  	s9 =	simm.s32 $0x2600  }
0x39: {  	[tilespmem:s9], [sflag:$0x1] =	stream.indirect_vreg.gather [hbm4b:s5+s2], $0x80, v3, vm0, $0xb8;
	[tilespmem:$0x1B600] =	vst v63  }
0x3a: {  	s10 =	simm.s32 $0x2E00  }
0x3b: {  	[tilespmem:s10], [sflag:$0x1] =	stream.indirect_vreg.gather [hbm4b:s6+s2], $0x80, v3, vm0, $0xb8;
	[tilespmem:$0x1B600] =	vst v63  }
0x3c: {  	v3 =	vld [tilespmem:$0x10];
	_ =	sdelay $0x4  }
0x3d: {  	v21 =	vshrl.u32 v3, $0x3  }
0x3e: {  	v4 =	vmul.u32 $0x30, v21  }
0x3f: {  	v3 =	vand.u32 $0x7, v3  }
0x40: {  	v3 =	vor.u32 v3, v4  }
0x41: {  	v4 =	vperm.xlane v3, v0;
	_ =	sdelay $0x1  }
0x42: {  	v4 =	vadd.s32 v1, v4;
	_ =	sdelay $0x3  }
0x43: {  	s12 =	simm.s32 $0x3600;
	v3 =	vperm.xlane v3, v2  }
0x44: {  	[tilespmem:s12], [sflag:$0x1] =	stream.indirect_vreg.gather [hbm4b:s4+s2], $0x80, v4, vm0, $0xb8;
	[tilespmem:$0x1B600] =	vst v63  }
0x45: {  	s13 =	simm.s32 $0x3E00;
	v3 =	vadd.s32 v1, v3  }
0x46: {  	[tilespmem:s13], [sflag:$0x1] =	stream.indirect_vreg.gather [hbm4b:s5+s2], $0x80, v4, vm0, $0xb8;
	[tilespmem:$0x1B600] =	vst v63  }
0x47: {  	s18 =	simm.s32 $0x4600  }
0x48: {  	[tilespmem:s18], [sflag:$0x1] =	stream.indirect_vreg.gather [hbm4b:s6+s2], $0x80, v4, vm0, $0xb8;
	[tilespmem:$0x1B600] =	vst v63  }
0x49: {  	s19 =	simm.s32 $0x4E00  }
0x4a: {  	[tilespmem:s19], [sflag:$0x1] =	stream.indirect_vreg.gather [hbm4b:s4+s2], $0x80, v3, vm0, $0xb8;
	[tilespmem:$0x1B600] =	vst v63  }
0x4b: {  	s20 =	simm.s32 $0x5600  }
0x4c: {  	[tilespmem:s20], [sflag:$0x1] =	stream.indirect_vreg.gather [hbm4b:s5+s2], $0x80, v3, vm0, $0xb8;
	[tilespmem:$0x1B600] =	vst v63  }
0x4d: {  	s21 =	simm.s32 $0x5E00  }
0x4e: {  	[tilespmem:s21], [sflag:$0x1] =	stream.indirect_vreg.gather [hbm4b:s6+s2], $0x80, v3, vm0, $0xb8;
	[tilespmem:$0x1B600] =	vst v63  }
0x4f: {  	v3 =	vld [tilespmem:$0x20];
	_ =	sdelay $0x4  }
0x50: {  	v22 =	vshrl.u32 v3, $0x3  }
0x51: {  	v4 =	vmul.u32 $0x30, v22  }
0x52: {  	v3 =	vand.u32 $0x7, v3  }
0x53: {  	v3 =	vor.u32 v3, v4  }
0x54: {  	v4 =	vperm.xlane v3, v0;
	_ =	sdelay $0x1  }
0x55: {  	v4 =	vadd.s32 v1, v4;
	_ =	sdelay $0x3  }
0x56: {  	s22 =	simm.s32 $0x6600;
	v3 =	vperm.xlane v3, v2  }
0x57: {  	[tilespmem:s22], [sflag:$0x1] =	stream.indirect_vreg.gather [hbm4b:s4+s2], $0x80, v4, vm0, $0xb8;
	[tilespmem:$0x1B600] =	vst v63  }
0x58: {  	s24 =	simm.s32 $0x6E00;
	v3 =	vadd.s32 v1, v3  }
0x59: {  	[tilespmem:s24], [sflag:$0x1] =	stream.indirect_vreg.gather [hbm4b:s5+s2], $0x80, v4, vm0, $0xb8;
	[tilespmem:$0x1B600] =	vst v63  }
0x5a: {  	s25 =	simm.s32 $0x7600  }
0x5b: {  	[tilespmem:s25], [sflag:$0x1] =	stream.indirect_vreg.gather [hbm4b:s6+s2], $0x80, v4, vm0, $0xb8;
	[tilespmem:$0x1B600] =	vst v63  }
0x5c: {  	s26 =	simm.s32 $0x7E00  }
0x5d: {  	[tilespmem:s26], [sflag:$0x1] =	stream.indirect_vreg.gather [hbm4b:s4+s2], $0x80, v3, vm0, $0xb8;
	[tilespmem:$0x1B600] =	vst v63  }
0x5e: {  	s28 =	simm.s32 $0x8600  }
0x5f: {  	[tilespmem:s28], [sflag:$0x1] =	stream.indirect_vreg.gather [hbm4b:s5+s2], $0x80, v3, vm0, $0xb8;
	[tilespmem:$0x1B600] =	vst v63  }
0x60: {  	s29 =	simm.s32 $0x8E00  }
0x61: {  	[tilespmem:s29], [sflag:$0x1] =	stream.indirect_vreg.gather [hbm4b:s6+s2], $0x80, v3, vm0, $0xb8;
	[tilespmem:$0x1B600] =	vst v63  }
0x62: {  	v3 =	vld [tilespmem:$0x30];
	_ =	sdelay $0x4  }
0x63: {  	v23 =	vshrl.u32 v3, $0x3  }
0x64: {  	v4 =	vmul.u32 $0x30, v23  }
0x65: {  	v3 =	vand.u32 $0x7, v3  }
0x66: {  	v3 =	vor.u32 v3, v4  }
0x67: {  	v4 =	vperm.xlane v3, v0;
	_ =	sdelay $0x1  }
0x68: {  	v4 =	vadd.s32 v1, v4;
	_ =	sdelay $0x3  }
0x69: {  	s30 =	simm.s32 $0x9600;
	v3 =	vperm.xlane v3, v2  }
0x6a: {  	[tilespmem:s30], [sflag:$0x1] =	stream.indirect_vreg.gather [hbm4b:s4+s2], $0x80, v4, vm0, $0xb8;
	[tilespmem:$0x1B600] =	vst v63  }
0x6b: {  	s31 =	simm.s32 $0x9E00;
	v3 =	vadd.s32 v1, v3  }
0x6c: {  	[tilespmem:s31], [sflag:$0x1] =	stream.indirect_vreg.gather [hbm4b:s5+s2], $0x80, v4, vm0, $0xb8;
	[tilespmem:$0x1B600] =	vst v63  }
0x6d: {  	s1 =	simm.s32 $0xA600  }
0x6e: {  	[tilespmem:s1], [sflag:$0x1] =	stream.indirect_vreg.gather [hbm4b:s6+s2], $0x80, v4, vm0, $0xb8;
	[tilespmem:$0x1B600] =	vst v63  }
0x6f: {  	s3 =	simm.s32 $0xAE00  }
0x70: {  	[tilespmem:s3], [sflag:$0x1] =	stream.indirect_vreg.gather [hbm4b:s4+s2], $0x80, v3, vm0, $0xb8;
	[tilespmem:$0x1B600] =	vst v63  }
0x71: {  	s7 =	simm.s32 $0xB600  }
0x72: {  	[tilespmem:s7], [sflag:$0x1] =	stream.indirect_vreg.gather [hbm4b:s5+s2], $0x80, v3, vm0, $0xb8;
	[tilespmem:$0x1B600] =	vst v63  }
0x73: {  	s10 =	simm.s32 $0xBE00  }
0x74: {  	[tilespmem:s10], [sflag:$0x1] =	stream.indirect_vreg.gather [hbm4b:s6+s2], $0x80, v3, vm0, $0xb8;
	[tilespmem:$0x1B600] =	vst v63  }
0x75: {  	v3 =	vld.msk [tilespmem:$0x40], $0xff;
	_ =	sdelay $0x4  }
0x76: {  	v24 =	vshrl.u32 v3, $0x3  }
0x77: {  	v4 =	vmul.u32 $0x30, v24  }
0x78: {  	v3 =	vand.u32 $0x7, v3  }
0x79: {  	v3 =	vor.u32 v3, v4  }
0x7a: {  	v3 =	vperm.xlane v3, v0;
	_ =	sdelay $0x1  }
0x7b: {  	v3 =	vadd.s32 v1, v3;
	_ =	sdelay $0x3  }
0x7c: {  	s18 =	simm.s32 $0xC600  }
0x7d: {  	[tilespmem:s18], [sflag:$0x1] =	stream.indirect_vreg.gather [hbm4b:s4+s2], $0x80, v3, vm0, $0xb8;
	[tilespmem:$0x1B600] =	vst v63  }
0x7e: {  	s22 =	simm.s32 $0xCE00  }
0x7f: {  	[tilespmem:s22], [sflag:$0x1] =	stream.indirect_vreg.gather [hbm4b:s5+s2], $0x80, v3, vm0, $0xb8;
	[tilespmem:$0x1B600] =	vst v63  }
0x80: {  	s24 =	simm.s32 $0xD600  }
0x81: {  	[tilespmem:s24], [sflag:$0x1] =	stream.indirect_vreg.gather [hbm4b:s6+s2], $0x80, v3, vm0, $0xb8;
	[tilespmem:$0x1B600] =	vst v63  }
0x82: {  	v3 =	vld [tilespmem:$0x48];
	_ =	sdelay $0x4  }
0x83: {  	v25 =	vshrl.u32 v3, $0x3  }
0x84: {  	v4 =	vmul.u32 $0x30, v25  }
0x85: {  	v3 =	vand.u32 $0x7, v3  }
0x86: {  	v3 =	vor.u32 v3, v4  }
0x87: {  	v4 =	vperm.xlane v3, v0;
	_ =	sdelay $0x1  }
0x88: {  	v4 =	vadd.s32 v1, v4;
	_ =	sdelay $0x3  }
0x89: {  	v3 =	vperm.xlane v3, v2  }
0x8a: {  	[tilespmem:s11], [sflag:$0x2] =	stream.indirect_vreg.gather [hbm4b:s4+s2], $0x80, v4, vm0, $0xb8;
	[tilespmem:$0x1B600] =	vst v63  }
0x8b: {  	s25 =	simm.s32 $0xE600;
	v3 =	vadd.s32 v1, v3  }
0x8c: {  	[tilespmem:s25], [sflag:$0x2] =	stream.indirect_vreg.gather [hbm4b:s5+s2], $0x80, v4, vm0, $0xb8;
	[tilespmem:$0x1B600] =	vst v63  }
0x8d: {  	s26 =	simm.s32 $0xEE00  }
0x8e: {  	[tilespmem:s26], [sflag:$0x2] =	stream.indirect_vreg.gather [hbm4b:s6+s2], $0x80, v4, vm0, $0xb8;
	[tilespmem:$0x1B600] =	vst v63  }
0x8f: {  	s28 =	simm.s32 $0xF600  }
0x90: {  	[tilespmem:s28], [sflag:$0x2] =	stream.indirect_vreg.gather [hbm4b:s4+s2], $0x80, v3, vm0, $0xb8;
	[tilespmem:$0x1B600] =	vst v63  }
0x91: {  	s29 =	simm.s32 $0xFE00  }
0x92: {  	[tilespmem:s29], [sflag:$0x2] =	stream.indirect_vreg.gather [hbm4b:s5+s2], $0x80, v3, vm0, $0xb8;
	[tilespmem:$0x1B600] =	vst v63  }
0x93: {  	s31 =	simm.s32 $0x10600  }
0x94: {  	[tilespmem:s31], [sflag:$0x2] =	stream.indirect_vreg.gather [hbm4b:s6+s2], $0x80, v3, vm0, $0xb8;
	[tilespmem:$0x1B600] =	vst v63  }
0x95: {  	v3 =	vld [tilespmem:$0x58];
	_ =	sdelay $0x4  }
0x96: {  	v26 =	vshrl.u32 v3, $0x3  }
0x97: {  	v4 =	vmul.u32 $0x30, v26  }
0x98: {  	v3 =	vand.u32 $0x7, v3  }
0x99: {  	v3 =	vor.u32 v3, v4  }
0x9a: {  	v4 =	vperm.xlane v3, v0;
	_ =	sdelay $0x1  }
0x9b: {  	v4 =	vadd.s32 v1, v4;
	_ =	sdelay $0x3  }
0x9c: {  	s0 =	simm.s32 $0x10E00;
	v3 =	vperm.xlane v3, v2  }
0x9d: {  	[tilespmem:s0], [sflag:$0x2] =	stream.indirect_vreg.gather [hbm4b:s4+s2], $0x80, v4, vm0, $0xb8;
	[tilespmem:$0x1B600] =	vst v63  }
0x9e: {  	s1 =	simm.s32 $0x11600;
	v3 =	vadd.s32 v1, v3  }
0x9f: {  	[tilespmem:s1], [sflag:$0x2] =	stream.indirect_vreg.gather [hbm4b:s5+s2], $0x80, v4, vm0, $0xb8;
	[tilespmem:$0x1B600] =	vst v63  }
0xa0: {  	s3 =	simm.s32 $0x11E00  }
0xa1: {  	[tilespmem:s3], [sflag:$0x2] =	stream.indirect_vreg.gather [hbm4b:s6+s2], $0x80, v4, vm0, $0xb8;
	[tilespmem:$0x1B600] =	vst v63  }
0xa2: {  	s7 =	simm.s32 $0x12600  }
0xa3: {  	[tilespmem:s7], [sflag:$0x2] =	stream.indirect_vreg.gather [hbm4b:s4+s2], $0x80, v3, vm0, $0xb8;
	[tilespmem:$0x1B600] =	vst v63  }
0xa4: {  	s10 =	simm.s32 $0x12E00  }
0xa5: {  	[tilespmem:s10], [sflag:$0x2] =	stream.indirect_vreg.gather [hbm4b:s5+s2], $0x80, v3, vm0, $0xb8;
	[tilespmem:$0x1B600] =	vst v63  }
0xa6: {  	s22 =	simm.s32 $0x13600  }
0xa7: {  	[tilespmem:s22], [sflag:$0x2] =	stream.indirect_vreg.gather [hbm4b:s6+s2], $0x80, v3, vm0, $0xb8;
	[tilespmem:$0x1B600] =	vst v63  }
0xa8: {  	v3 =	vld [tilespmem:$0x68];
	_ =	sdelay $0x4  }
0xa9: {  	v27 =	vshrl.u32 v3, $0x3  }
0xaa: {  	v4 =	vmul.u32 $0x30, v27  }
0xab: {  	v3 =	vand.u32 $0x7, v3  }
0xac: {  	v3 =	vor.u32 v3, v4  }
0xad: {  	v4 =	vperm.xlane v3, v0;
	_ =	sdelay $0x1  }
0xae: {  	v4 =	vadd.s32 v1, v4;
	_ =	sdelay $0x3  }
0xaf: {  	s24 =	simm.s32 $0x13E00;
	v3 =	vperm.xlane v3, v2  }
0xb0: {  	[tilespmem:s24], [sflag:$0x2] =	stream.indirect_vreg.gather [hbm4b:s4+s2], $0x80, v4, vm0, $0xb8;
	[tilespmem:$0x1B600] =	vst v63  }
0xb1: {  	s25 =	simm.s32 $0x14600;
	v3 =	vadd.s32 v1, v3  }
0xb2: {  	[tilespmem:s25], [sflag:$0x2] =	stream.indirect_vreg.gather [hbm4b:s5+s2], $0x80, v4, vm0, $0xb8;
	[tilespmem:$0x1B600] =	vst v63  }
0xb3: {  	s26 =	simm.s32 $0x14E00  }
0xb4: {  	[tilespmem:s26], [sflag:$0x2] =	stream.indirect_vreg.gather [hbm4b:s6+s2], $0x80, v4, vm0, $0xb8;
	[tilespmem:$0x1B600] =	vst v63  }
0xb5: {  	s28 =	simm.s32 $0x15600  }
0xb6: {  	[tilespmem:s28], [sflag:$0x2] =	stream.indirect_vreg.gather [hbm4b:s4+s2], $0x80, v3, vm0, $0xb8;
	[tilespmem:$0x1B600] =	vst v63  }
0xb7: {  	s29 =	simm.s32 $0x15E00  }
0xb8: {  	[tilespmem:s29], [sflag:$0x2] =	stream.indirect_vreg.gather [hbm4b:s5+s2], $0x80, v3, vm0, $0xb8;
	[tilespmem:$0x1B600] =	vst v63  }
0xb9: {  	s0 =	simm.s32 $0x16600  }
0xba: {  	[tilespmem:s0], [sflag:$0x2] =	stream.indirect_vreg.gather [hbm4b:s6+s2], $0x80, v3, vm0, $0xb8;
	[tilespmem:$0x1B600] =	vst v63  }
0xbb: {  	v3 =	vld [tilespmem:$0x78];
	_ =	sdelay $0x4  }
0xbc: {  	v28 =	vshrl.u32 v3, $0x3  }
0xbd: {  	v4 =	vmul.u32 $0x30, v28  }
0xbe: {  	v3 =	vand.u32 $0x7, v3  }
0xbf: {  	v3 =	vor.u32 v3, v4  }
0xc0: {  	v4 =	vperm.xlane v3, v0;
	_ =	sdelay $0x1  }
0xc1: {  	v4 =	vadd.s32 v1, v4;
	_ =	sdelay $0x3  }
0xc2: {  	s1 =	simm.s32 $0x16E00;
	v3 =	vperm.xlane v3, v2  }
0xc3: {  	[tilespmem:s1], [sflag:$0x2] =	stream.indirect_vreg.gather [hbm4b:s4+s2], $0x80, v4, vm0, $0xb8;
	[tilespmem:$0x1B600] =	vst v63  }
0xc4: {  	s3 =	simm.s32 $0x17600;
	v3 =	vadd.s32 v1, v3  }
0xc5: {  	[tilespmem:s3], [sflag:$0x2] =	stream.indirect_vreg.gather [hbm4b:s5+s2], $0x80, v4, vm0, $0xb8;
	[tilespmem:$0x1B600] =	vst v63  }
0xc6: {  	s7 =	simm.s32 $0x17E00  }
0xc7: {  	[tilespmem:s7], [sflag:$0x2] =	stream.indirect_vreg.gather [hbm4b:s6+s2], $0x80, v4, vm0, $0xb8;
	[tilespmem:$0x1B600] =	vst v63  }
0xc8: {  	s10 =	simm.s32 $0x18600  }
0xc9: {  	[tilespmem:s10], [sflag:$0x2] =	stream.indirect_vreg.gather [hbm4b:s4+s2], $0x80, v3, vm0, $0xb8;
	[tilespmem:$0x1B600] =	vst v63  }
0xca: {  	s22 =	simm.s32 $0x18E00  }
0xcb: {  	[tilespmem:s22], [sflag:$0x2] =	stream.indirect_vreg.gather [hbm4b:s5+s2], $0x80, v3, vm0, $0xb8;
	[tilespmem:$0x1B600] =	vst v63  }
0xcc: {  	s24 =	simm.s32 $0x19600  }
0xcd: {  	[tilespmem:s24], [sflag:$0x2] =	stream.indirect_vreg.gather [hbm4b:s6+s2], $0x80, v3, vm0, $0xb8;
	[tilespmem:$0x1B600] =	vst v63  }
0xce: {  	v3 =	vld.msk [tilespmem:$0x88], $0xff;
	_ =	sdelay $0x4  }
0xcf: {  	v29 =	vshrl.u32 v3, $0x3  }
0xd0: {  	v4 =	vmul.u32 $0x30, v29  }
0xd1: {  	v3 =	vand.u32 $0x7, v3  }
0xd2: {  	v3 =	vor.u32 v3, v4  }
0xd3: {  	v3 =	vperm.xlane v3, v0;
	_ =	sdelay $0x1  }
0xd4: {  	v3 =	vadd.s32 v1, v3;
	_ =	sdelay $0x3  }
0xd5: {  	s25 =	simm.s32 $0x19E00  }
0xd6: {  	[tilespmem:s25], [sflag:$0x2] =	stream.indirect_vreg.gather [hbm4b:s4+s2], $0x80, v3, vm0, $0xb8;
	[tilespmem:$0x1B600] =	vst v63  }
0xd7: {  	s26 =	simm.s32 $0x1A600  }
0xd8: {  	[tilespmem:s26], [sflag:$0x2] =	stream.indirect_vreg.gather [hbm4b:s5+s2], $0x80, v3, vm0, $0xb8;
	[tilespmem:$0x1B600] =	vst v63  }
0xd9: {  	s28 =	simm.s32 $0x1AE00  }
0xda: {  	[tilespmem:s28], [sflag:$0x2] =	stream.indirect_vreg.gather [hbm4b:s6+s2], $0x80, v3, vm0, $0xb8;
	[tilespmem:$0x1B600] =	vst v63  }
0xdb: {  	_ =	swait.ge [sflag:s14], $0xD800  }
0xdc: {  	[sflag:s14] =	ssyncset.done $0x0  }
0xdd: {  	s29 =	rddreg [dreg:$0x17];
	[sflag:s14] =	ssyncadd.s32 $0xFFFF2800  }
0xde: {  	[hbm4b:s29+s2] =	stream.linear.scatter [tilespmem:s23], [sflag:$0x3], $0xD800, $0x38;
	[tilespmem:$0x1B600] =	vst v63  }
0xdf: {  	_ =	swait.ge [sflag:s15], $0xD800  }
0xe0: {  	[sflag:s15] =	ssyncset.done $0x0  }
0xe1: {  	[sflag:s15] =	ssyncadd.s32 $0xFFFF2800  }
0xe2: {  	v3 =	vld [tilespmem:$0x90];
	_ =	sdelay $0x4  }
0xe3: {  	v30 =	vshrl.u32 v3, $0x3  }
0xe4: {  	v4 =	vmul.u32 $0x30, v30  }
0xe5: {  	v3 =	vand.u32 $0x7, v3  }
0xe6: {  	v3 =	vor.u32 v3, v4  }
0xe7: {  	v4 =	vperm.xlane v3, v0;
	_ =	sdelay $0x1  }
0xe8: {  	v4 =	vadd.s32 v1, v4;
	_ =	sdelay $0x3  }
0xe9: {  	v3 =	vperm.xlane v3, v2  }
0xea: {  	[tilespmem:s23], [sflag:$0x1] =	stream.indirect_vreg.gather [hbm4b:s4+s2], $0x80, v4, vm0, $0xb8;
	[tilespmem:$0x1B600] =	vst v63  }
0xeb: {  	s0 =	simm.s32 $0xE00;
	v3 =	vadd.s32 v1, v3  }
0xec: {  	[tilespmem:s0], [sflag:$0x1] =	stream.indirect_vreg.gather [hbm4b:s5+s2], $0x80, v4, vm0, $0xb8;
	[tilespmem:$0x1B600] =	vst v63  }
0xed: {  	s1 =	simm.s32 $0x1600  }
0xee: {  	[tilespmem:s1], [sflag:$0x1] =	stream.indirect_vreg.gather [hbm4b:s6+s2], $0x80, v4, vm0, $0xb8;
	[tilespmem:$0x1B600] =	vst v63  }
0xef: {  	s3 =	simm.s32 $0x1E00  }
0xf0: {  	[tilespmem:s3], [sflag:$0x1] =	stream.indirect_vreg.gather [hbm4b:s4+s2], $0x80, v3, vm0, $0xb8;
	[tilespmem:$0x1B600] =	vst v63  }
0xf1: {  	s7 =	simm.s32 $0x2600  }
0xf2: {  	[tilespmem:s7], [sflag:$0x1] =	stream.indirect_vreg.gather [hbm4b:s5+s2], $0x80, v3, vm0, $0xb8;
	[tilespmem:$0x1B600] =	vst v63  }
0xf3: {  	s8 =	simm.s32 $0x2E00  }
0xf4: {  	[tilespmem:s8], [sflag:$0x1] =	stream.indirect_vreg.gather [hbm4b:s6+s2], $0x80, v3, vm0, $0xb8;
	[tilespmem:$0x1B600] =	vst v63  }
0xf5: {  	v3 =	vld [tilespmem:$0xA0];
	_ =	sdelay $0x4  }
0xf6: {  	v31 =	vshrl.u32 v3, $0x3  }
0xf7: {  	v4 =	vmul.u32 $0x30, v31  }
0xf8: {  	v3 =	vand.u32 $0x7, v3  }
0xf9: {  	v3 =	vor.u32 v3, v4  }
0xfa: {  	v4 =	vperm.xlane v3, v0;
	_ =	sdelay $0x1  }
0xfb: {  	v4 =	vadd.s32 v1, v4;
	_ =	sdelay $0x3  }
0xfc: {  	s9 =	simm.s32 $0x3600;
	v3 =	vperm.xlane v3, v2  }
0xfd: {  	[tilespmem:s9], [sflag:$0x1] =	stream.indirect_vreg.gather [hbm4b:s4+s2], $0x80, v4, vm0, $0xb8;
	[tilespmem:$0x1B600] =	vst v63  }
0xfe: {  	s8 =	simm.s32 $0x3E00;
	v3 =	vadd.s32 v1, v3  }
0xff: {  	[tilespmem:s8], [sflag:$0x1] =	stream.indirect_vreg.gather [hbm4b:s5+s2], $0x80, v4, vm0, $0xb8;
	[tilespmem:$0x1B600] =	vst v63  }
0x100: {  	s9 =	simm.s32 $0x4600  }
0x101: {  	[tilespmem:s9], [sflag:$0x1] =	stream.indirect_vreg.gather [hbm4b:s6+s2], $0x80, v4, vm0, $0xb8;
	[tilespmem:$0x1B600] =	vst v63  }
0x102: {  	s10 =	simm.s32 $0x4E00  }
0x103: {  	[tilespmem:s10], [sflag:$0x1] =	stream.indirect_vreg.gather [hbm4b:s4+s2], $0x80, v3, vm0, $0xb8;
	[tilespmem:$0x1B600] =	vst v63  }
0x104: {  	s22 =	simm.s32 $0x5600  }
0x105: {  	[tilespmem:s22], [sflag:$0x1] =	stream.indirect_vreg.gather [hbm4b:s5+s2], $0x80, v3, vm0, $0xb8;
	[tilespmem:$0x1B600] =	vst v63  }
0x106: {  	s12 =	simm.s32 $0x5E00  }
0x107: {  	[tilespmem:s12], [sflag:$0x1] =	stream.indirect_vreg.gather [hbm4b:s6+s2], $0x80, v3, vm0, $0xb8;
	[tilespmem:$0x1B600] =	vst v63  }
0x108: {  	v3 =	vld [tilespmem:$0xB0];
	_ =	sdelay $0x4  }
0x109: {  	v32 =	vshrl.u32 v3, $0x3  }
0x10a: {  	v4 =	vmul.u32 $0x30, v32  }
0x10b: {  	v3 =	vand.u32 $0x7, v3  }
0x10c: {  	v3 =	vor.u32 v3, v4  }
0x10d: {  	v4 =	vperm.xlane v3, v0;
	_ =	sdelay $0x1  }
0x10e: {  	v4 =	vadd.s32 v1, v4;
	_ =	sdelay $0x3  }
0x10f: {  	s13 =	simm.s32 $0x6600;
	v3 =	vperm.xlane v3, v2  }
0x110: {  	[tilespmem:s13], [sflag:$0x1] =	stream.indirect_vreg.gather [hbm4b:s4+s2], $0x80, v4, vm0, $0xb8;
	[tilespmem:$0x1B600] =	vst v63  }
0x111: {  	s24 =	simm.s32 $0x6E00;
	v3 =	vadd.s32 v1, v3  }
0x112: {  	[tilespmem:s24], [sflag:$0x1] =	stream.indirect_vreg.gather [hbm4b:s5+s2], $0x80, v4, vm0, $0xb8;
	[tilespmem:$0x1B600] =	vst v63  }
0x113: {  	s25 =	simm.s32 $0x7600  }
0x114: {  	[tilespmem:s25], [sflag:$0x1] =	stream.indirect_vreg.gather [hbm4b:s6+s2], $0x80, v4, vm0, $0xb8;
	[tilespmem:$0x1B600] =	vst v63  }
0x115: {  	s26 =	simm.s32 $0x7E00  }
0x116: {  	[tilespmem:s26], [sflag:$0x1] =	stream.indirect_vreg.gather [hbm4b:s4+s2], $0x80, v3, vm0, $0xb8;
	[tilespmem:$0x1B600] =	vst v63  }
0x117: {  	s28 =	simm.s32 $0x8600  }
0x118: {  	[tilespmem:s28], [sflag:$0x1] =	stream.indirect_vreg.gather [hbm4b:s5+s2], $0x80, v3, vm0, $0xb8;
	[tilespmem:$0x1B600] =	vst v63  }
0x119: {  	s19 =	simm.s32 $0x8E00  }
0x11a: {  	[tilespmem:s19], [sflag:$0x1] =	stream.indirect_vreg.gather [hbm4b:s6+s2], $0x80, v3, vm0, $0xb8;
	[tilespmem:$0x1B600] =	vst v63  }
0x11b: {  	v3 =	vld [tilespmem:$0xC0];
	_ =	sdelay $0x4  }
0x11c: {  	v33 =	vshrl.u32 v3, $0x3  }
0x11d: {  	v4 =	vmul.u32 $0x30, v33  }
0x11e: {  	v3 =	vand.u32 $0x7, v3  }
0x11f: {  	v3 =	vor.u32 v3, v4  }
0x120: {  	v4 =	vperm.xlane v3, v0;
	_ =	sdelay $0x1  }
0x121: {  	v4 =	vadd.s32 v1, v4;
	_ =	sdelay $0x3  }
0x122: {  	s20 =	simm.s32 $0x9600;
	v3 =	vperm.xlane v3, v2  }
0x123: {  	[tilespmem:s20], [sflag:$0x1] =	stream.indirect_vreg.gather [hbm4b:s4+s2], $0x80, v4, vm0, $0xb8;
	[tilespmem:$0x1B600] =	vst v63  }
0x124: {  	s29 =	simm.s32 $0x9E00;
	v3 =	vadd.s32 v1, v3  }
0x125: {  	[tilespmem:s29], [sflag:$0x1] =	stream.indirect_vreg.gather [hbm4b:s5+s2], $0x80, v4, vm0, $0xb8;
	[tilespmem:$0x1B600] =	vst v63  }
0x126: {  	s12 =	simm.s32 $0xA600  }
0x127: {  	[tilespmem:s12], [sflag:$0x1] =	stream.indirect_vreg.gather [hbm4b:s6+s2], $0x80, v4, vm0, $0xb8;
	[tilespmem:$0x1B600] =	vst v63  }
0x128: {  	s13 =	simm.s32 $0xAE00  }
0x129: {  	[tilespmem:s13], [sflag:$0x1] =	stream.indirect_vreg.gather [hbm4b:s4+s2], $0x80, v3, vm0, $0xb8;
	[tilespmem:$0x1B600] =	vst v63  }
0x12a: {  	s19 =	simm.s32 $0xB600  }
0x12b: {  	[tilespmem:s19], [sflag:$0x1] =	stream.indirect_vreg.gather [hbm4b:s5+s2], $0x80, v3, vm0, $0xb8;
	[tilespmem:$0x1B600] =	vst v63  }
0x12c: {  	s21 =	simm.s32 $0xBE00  }
0x12d: {  	[tilespmem:s21], [sflag:$0x1] =	stream.indirect_vreg.gather [hbm4b:s6+s2], $0x80, v3, vm0, $0xb8;
	[tilespmem:$0x1B600] =	vst v63  }
0x12e: {  	v3 =	vld.msk [tilespmem:$0xD0], $0xff;
	_ =	sdelay $0x4  }
0x12f: {  	v34 =	vshrl.u32 v3, $0x3  }
0x130: {  	v4 =	vmul.u32 $0x30, v34  }
0x131: {  	v3 =	vand.u32 $0x7, v3  }
0x132: {  	v3 =	vor.u32 v3, v4  }
0x133: {  	v3 =	vperm.xlane v3, v0;
	_ =	sdelay $0x1  }
0x134: {  	v3 =	vadd.s32 v1, v3;
	_ =	sdelay $0x3  }
0x135: {  	s20 =	simm.s32 $0xC600  }
0x136: {  	[tilespmem:s20], [sflag:$0x1] =	stream.indirect_vreg.gather [hbm4b:s4+s2], $0x80, v3, vm0, $0xb8;
	[tilespmem:$0x1B600] =	vst v63  }
0x137: {  	s21 =	simm.s32 $0xCE00  }
0x138: {  	[tilespmem:s21], [sflag:$0x1] =	stream.indirect_vreg.gather [hbm4b:s5+s2], $0x80, v3, vm0, $0xb8;
	[tilespmem:$0x1B600] =	vst v63  }
0x139: {  	s30 =	simm.s32 $0xD600  }
0x13a: {  	[tilespmem:s30], [sflag:$0x1] =	stream.indirect_vreg.gather [hbm4b:s6+s2], $0x80, v3, vm0, $0xb8;
	[tilespmem:$0x1B600] =	vst v63  }
0x13b: {  	_ =	swait.ge [sflag:s16], $0xD800  }
0x13c: {  	[sflag:s16] =	ssyncset.done $0x0  }
0x13d: {  	s30 =	rddreg [dreg:$0x4];
	[sflag:s16] =	ssyncadd.s32 $0xFFFF2800  }
0x13e: {  	[hbm4b:s30+s2] =	stream.linear.scatter [tilespmem:s11], [sflag:$0x4], $0xD800, $0x38;
	[tilespmem:$0x1B600] =	vst v63  }
0x13f: {  	_ =	swait.ge [sflag:s17], $0xD800  }
0x140: {  	[sflag:s17] =	ssyncset.done $0x0  }
0x141: {  	[sflag:s17] =	ssyncadd.s32 $0xFFFF2800  }
0x142: {  	v3 =	vld [tilespmem:$0xD8];
	_ =	sdelay $0x4  }
0x143: {  	v35 =	vshrl.u32 v3, $0x3  }
0x144: {  	v4 =	vmul.u32 $0x30, v35  }
0x145: {  	v3 =	vand.u32 $0x7, v3  }
0x146: {  	v3 =	vor.u32 v3, v4  }
0x147: {  	v4 =	vperm.xlane v3, v0;
	_ =	sdelay $0x1  }
0x148: {  	v4 =	vadd.s32 v1, v4;
	_ =	sdelay $0x3  }
0x149: {  	v3 =	vperm.xlane v3, v2  }
0x14a: {  	[tilespmem:s11], [sflag:$0x2] =	stream.indirect_vreg.gather [hbm4b:s4+s2], $0x80, v4, vm0, $0xb8;
	[tilespmem:$0x1B600] =	vst v63  }
0x14b: {  	s30 =	simm.s32 $0xE600;
	v3 =	vadd.s32 v1, v3  }
0x14c: {  	[tilespmem:s30], [sflag:$0x2] =	stream.indirect_vreg.gather [hbm4b:s5+s2], $0x80, v4, vm0, $0xb8;
	[tilespmem:$0x1B600] =	vst v63  }
0x14d: {  	s18 =	simm.s32 $0xEE00  }
0x14e: {  	[tilespmem:s18], [sflag:$0x2] =	stream.indirect_vreg.gather [hbm4b:s6+s2], $0x80, v4, vm0, $0xb8;
	[tilespmem:$0x1B600] =	vst v63  }
0x14f: {  	s18 =	simm.s32 $0xF600  }
0x150: {  	[tilespmem:s18], [sflag:$0x2] =	stream.indirect_vreg.gather [hbm4b:s4+s2], $0x80, v3, vm0, $0xb8;
	[tilespmem:$0x1B600] =	vst v63  }
0x151: {  	s18 =	simm.s32 $0xFE00  }
0x152: {  	[tilespmem:s18], [sflag:$0x2] =	stream.indirect_vreg.gather [hbm4b:s5+s2], $0x80, v3, vm0, $0xb8;
	[tilespmem:$0x1B600] =	vst v63  }
0x153: {  	s18 =	simm.s32 $0x10600  }
0x154: {  	[tilespmem:s18], [sflag:$0x2] =	stream.indirect_vreg.gather [hbm4b:s6+s2], $0x80, v3, vm0, $0xb8;
	[tilespmem:$0x1B600] =	vst v63  }
0x155: {  	v3 =	vld [tilespmem:$0xE8];
	_ =	sdelay $0x4  }
0x156: {  	v36 =	vshrl.u32 v3, $0x3  }
0x157: {  	v4 =	vmul.u32 $0x30, v36  }
0x158: {  	v3 =	vand.u32 $0x7, v3  }
0x159: {  	v3 =	vor.u32 v3, v4  }
0x15a: {  	v4 =	vperm.xlane v3, v0;
	_ =	sdelay $0x1  }
0x15b: {  	v4 =	vadd.s32 v1, v4;
	_ =	sdelay $0x3  }
0x15c: {  	s31 =	simm.s32 $0x10E00;
	v3 =	vperm.xlane v3, v2  }
0x15d: {  	[tilespmem:s31], [sflag:$0x2] =	stream.indirect_vreg.gather [hbm4b:s4+s2], $0x80, v4, vm0, $0xb8;
	[tilespmem:$0x1B600] =	vst v63  }
0x15e: {  	v3 =	vadd.s32 v1, v3;
	s31 =	simm.s32 $0x11600  }
0x15f: {  	[tilespmem:s31], [sflag:$0x2] =	stream.indirect_vreg.gather [hbm4b:s5+s2], $0x80, v4, vm0, $0xb8;
	[tilespmem:$0x1B600] =	vst v63  }
0x160: {  	s18 =	simm.s32 $0x11E00  }
0x161: {  	[tilespmem:s18], [sflag:$0x2] =	stream.indirect_vreg.gather [hbm4b:s6+s2], $0x80, v4, vm0, $0xb8;
	[tilespmem:$0x1B600] =	vst v63  }
0x162: {  	s18 =	simm.s32 $0x12600  }
0x163: {  	[tilespmem:s18], [sflag:$0x2] =	stream.indirect_vreg.gather [hbm4b:s4+s2], $0x80, v3, vm0, $0xb8;
	[tilespmem:$0x1B600] =	vst v63  }
0x164: {  	s18 =	simm.s32 $0x12E00  }
0x165: {  	[tilespmem:s18], [sflag:$0x2] =	stream.indirect_vreg.gather [hbm4b:s5+s2], $0x80, v3, vm0, $0xb8;
	[tilespmem:$0x1B600] =	vst v63  }
0x166: {  	s18 =	simm.s32 $0x13600  }
0x167: {  	[tilespmem:s18], [sflag:$0x2] =	stream.indirect_vreg.gather [hbm4b:s6+s2], $0x80, v3, vm0, $0xb8;
	[tilespmem:$0x1B600] =	vst v63  }
0x168: {  	v3 =	vld [tilespmem:$0xF8];
	_ =	sdelay $0x4  }
0x169: {  	v37 =	vshrl.u32 v3, $0x3  }
0x16a: {  	v4 =	vmul.u32 $0x30, v37  }
0x16b: {  	v3 =	vand.u32 $0x7, v3  }
0x16c: {  	v3 =	vor.u32 v3, v4  }
0x16d: {  	v4 =	vperm.xlane v3, v0;
	_ =	sdelay $0x1  }
0x16e: {  	v4 =	vadd.s32 v1, v4;
	_ =	sdelay $0x3  }
0x16f: {  	s18 =	simm.s32 $0x13E00;
	v3 =	vperm.xlane v3, v2  }
0x170: {  	[tilespmem:s18], [sflag:$0x2] =	stream.indirect_vreg.gather [hbm4b:s4+s2], $0x80, v4, vm0, $0xb8;
	[tilespmem:$0x1B600] =	vst v63  }
0x171: {  	v3 =	vadd.s32 v1, v3;
	s18 =	simm.s32 $0x14600  }
0x172: {  	[tilespmem:s18], [sflag:$0x2] =	stream.indirect_vreg.gather [hbm4b:s5+s2], $0x80, v4, vm0, $0xb8;
	[tilespmem:$0x1B600] =	vst v63  }
0x173: {  	s18 =	simm.s32 $0x14E00  }
0x174: {  	[tilespmem:s18], [sflag:$0x2] =	stream.indirect_vreg.gather [hbm4b:s6+s2], $0x80, v4, vm0, $0xb8;
	[tilespmem:$0x1B600] =	vst v63  }
0x175: {  	s18 =	simm.s32 $0x15600  }
0x176: {  	[tilespmem:s18], [sflag:$0x2] =	stream.indirect_vreg.gather [hbm4b:s4+s2], $0x80, v3, vm0, $0xb8;
	[tilespmem:$0x1B600] =	vst v63  }
0x177: {  	s18 =	simm.s32 $0x15E00  }
0x178: {  	[tilespmem:s18], [sflag:$0x2] =	stream.indirect_vreg.gather [hbm4b:s5+s2], $0x80, v3, vm0, $0xb8;
	[tilespmem:$0x1B600] =	vst v63  }
0x179: {  	s18 =	simm.s32 $0x16600  }
0x17a: {  	[tilespmem:s18], [sflag:$0x2] =	stream.indirect_vreg.gather [hbm4b:s6+s2], $0x80, v3, vm0, $0xb8;
	[tilespmem:$0x1B600] =	vst v63  }
0x17b: {  	v3 =	vld [tilespmem:$0x108];
	_ =	sdelay $0x4  }
0x17c: {  	v38 =	vshrl.u32 v3, $0x3  }
0x17d: {  	v4 =	vmul.u32 $0x30, v38  }
0x17e: {  	v3 =	vand.u32 $0x7, v3  }
0x17f: {  	v3 =	vor.u32 v3, v4  }
0x180: {  	v4 =	vperm.xlane v3, v0;
	_ =	sdelay $0x1  }
0x181: {  	v4 =	vadd.s32 v1, v4;
	_ =	sdelay $0x3  }
0x182: {  	s18 =	simm.s32 $0x16E00;
	v3 =	vperm.xlane v3, v2  }
0x183: {  	[tilespmem:s18], [sflag:$0x2] =	stream.indirect_vreg.gather [hbm4b:s4+s2], $0x80, v4, vm0, $0xb8;
	[tilespmem:$0x1B600] =	vst v63  }
0x184: {  	v3 =	vadd.s32 v1, v3;
	s18 =	simm.s32 $0x17600  }
0x185: {  	[tilespmem:s18], [sflag:$0x2] =	stream.indirect_vreg.gather [hbm4b:s5+s2], $0x80, v4, vm0, $0xb8;
	[tilespmem:$0x1B600] =	vst v63  }
0x186: {  	s18 =	simm.s32 $0x17E00  }
0x187: {  	[tilespmem:s18], [sflag:$0x2] =	stream.indirect_vreg.gather [hbm4b:s6+s2], $0x80, v4, vm0, $0xb8;
	[tilespmem:$0x1B600] =	vst v63  }
0x188: {  	s18 =	simm.s32 $0x18600  }
0x189: {  	[tilespmem:s18], [sflag:$0x2] =	stream.indirect_vreg.gather [hbm4b:s4+s2], $0x80, v3, vm0, $0xb8;
	[tilespmem:$0x1B600] =	vst v63  }
0x18a: {  	s18 =	simm.s32 $0x18E00  }
0x18b: {  	[tilespmem:s18], [sflag:$0x2] =	stream.indirect_vreg.gather [hbm4b:s5+s2], $0x80, v3, vm0, $0xb8;
	[tilespmem:$0x1B600] =	vst v63  }
0x18c: {  	s18 =	simm.s32 $0x19600  }
0x18d: {  	[tilespmem:s18], [sflag:$0x2] =	stream.indirect_vreg.gather [hbm4b:s6+s2], $0x80, v3, vm0, $0xb8;
	[tilespmem:$0x1B600] =	vst v63  }
0x18e: {  	v3 =	vld.msk [tilespmem:$0x118], $0xff;
	_ =	sdelay $0x4  }
0x18f: {  	v39 =	vshrl.u32 v3, $0x3  }
0x190: {  	v4 =	vmul.u32 $0x30, v39  }
0x191: {  	v3 =	vand.u32 $0x7, v3  }
0x192: {  	v3 =	vor.u32 v3, v4  }
0x193: {  	v3 =	vperm.xlane v3, v0;
	_ =	sdelay $0x1  }
0x194: {  	v3 =	vadd.s32 v1, v3;
	_ =	sdelay $0x3  }
0x195: {  	s18 =	simm.s32 $0x19E00  }
0x196: {  	[tilespmem:s18], [sflag:$0x2] =	stream.indirect_vreg.gather [hbm4b:s4+s2], $0x80, v3, vm0, $0xb8;
	[tilespmem:$0x1B600] =	vst v63  }
0x197: {  	s18 =	simm.s32 $0x1A600  }
0x198: {  	[tilespmem:s18], [sflag:$0x2] =	stream.indirect_vreg.gather [hbm4b:s5+s2], $0x80, v3, vm0, $0xb8;
	[tilespmem:$0x1B600] =	vst v63  }
0x199: {  	s18 =	simm.s32 $0x1AE00  }
0x19a: {  	[tilespmem:s18], [sflag:$0x2] =	stream.indirect_vreg.gather [hbm4b:s6+s2], $0x80, v3, vm0, $0xb8;
	[tilespmem:$0x1B600] =	vst v63  }
0x19b: {  	_ =	swait.ge [sflag:s14], $0xD800  }
0x19c: {  	[sflag:s14] =	ssyncset.done $0x0  }
0x19d: {  	s18 =	rddreg [dreg:$0x5];
	[sflag:s14] =	ssyncadd.s32 $0xFFFF2800  }
0x19e: {  	[hbm4b:s18+s2] =	stream.linear.scatter [tilespmem:s23], [sflag:$0x3], $0xD800, $0x38;
	[tilespmem:$0x1B600] =	vst v63  }
0x19f: {  	_ =	swait.ge [sflag:s15], $0xD800  }
0x1a0: {  	[sflag:s15] =	ssyncset.done $0x0  }
0x1a1: {  	[sflag:s15] =	ssyncadd.s32 $0xFFFF2800  }
0x1a2: {  	v3 =	vld [tilespmem:$0x120];
	_ =	sdelay $0x4  }
0x1a3: {  	v40 =	vshrl.u32 v3, $0x3  }
0x1a4: {  	v4 =	vmul.u32 $0x30, v40  }
0x1a5: {  	v3 =	vand.u32 $0x7, v3  }
0x1a6: {  	v3 =	vor.u32 v3, v4  }
0x1a7: {  	v4 =	vperm.xlane v3, v0;
	_ =	sdelay $0x1  }
0x1a8: {  	v4 =	vadd.s32 v1, v4;
	_ =	sdelay $0x3  }
0x1a9: {  	v3 =	vperm.xlane v3, v2  }
0x1aa: {  	[tilespmem:s23], [sflag:$0x1] =	stream.indirect_vreg.gather [hbm4b:s4+s2], $0x80, v4, vm0, $0xb8;
	[tilespmem:$0x1B600] =	vst v63  }
0x1ab: {  	v3 =	vadd.s32 v1, v3  }
0x1ac: {  	[tilespmem:s0], [sflag:$0x1] =	stream.indirect_vreg.gather [hbm4b:s5+s2], $0x80, v4, vm0, $0xb8;
	[tilespmem:$0x1B600] =	vst v63  }
0x1ad: {  	_ = 	snop  }
0x1ae: {  	[tilespmem:s1], [sflag:$0x1] =	stream.indirect_vreg.gather [hbm4b:s6+s2], $0x80, v4, vm0, $0xb8;
	[tilespmem:$0x1B600] =	vst v63  }
0x1af: {  	_ = 	snop  }
0x1b0: {  	[tilespmem:s3], [sflag:$0x1] =	stream.indirect_vreg.gather [hbm4b:s4+s2], $0x80, v3, vm0, $0xb8;
	[tilespmem:$0x1B600] =	vst v63  }
0x1b1: {  	_ = 	snop  }
0x1b2: {  	[tilespmem:s7], [sflag:$0x1] =	stream.indirect_vreg.gather [hbm4b:s5+s2], $0x80, v3, vm0, $0xb8;
	[tilespmem:$0x1B600] =	vst v63  }
0x1b3: {  	s18 =	simm.s32 $0x2E00  }
0x1b4: {  	[tilespmem:s18], [sflag:$0x1] =	stream.indirect_vreg.gather [hbm4b:s6+s2], $0x80, v3, vm0, $0xb8;
	[tilespmem:$0x1B600] =	vst v63  }
0x1b5: {  	v3 =	vld [tilespmem:$0x130];
	_ =	sdelay $0x4  }
0x1b6: {  	v41 =	vshrl.u32 v3, $0x3  }
0x1b7: {  	v4 =	vmul.u32 $0x30, v41  }
0x1b8: {  	v3 =	vand.u32 $0x7, v3  }
0x1b9: {  	v3 =	vor.u32 v3, v4  }
0x1ba: {  	v4 =	vperm.xlane v3, v0;
	_ =	sdelay $0x1  }
0x1bb: {  	v4 =	vadd.s32 v1, v4;
	_ =	sdelay $0x3  }
0x1bc: {  	s18 =	simm.s32 $0x3600;
	v3 =	vperm.xlane v3, v2  }
0x1bd: {  	[tilespmem:s18], [sflag:$0x1] =	stream.indirect_vreg.gather [hbm4b:s4+s2], $0x80, v4, vm0, $0xb8;
	[tilespmem:$0x1B600] =	vst v63  }
0x1be: {  	v3 =	vadd.s32 v1, v3  }
0x1bf: {  	[tilespmem:s8], [sflag:$0x1] =	stream.indirect_vreg.gather [hbm4b:s5+s2], $0x80, v4, vm0, $0xb8;
	[tilespmem:$0x1B600] =	vst v63  }
0x1c0: {  	_ = 	snop  }
0x1c1: {  	[tilespmem:s9], [sflag:$0x1] =	stream.indirect_vreg.gather [hbm4b:s6+s2], $0x80, v4, vm0, $0xb8;
	[tilespmem:$0x1B600] =	vst v63  }
0x1c2: {  	_ = 	snop  }
0x1c3: {  	[tilespmem:s10], [sflag:$0x1] =	stream.indirect_vreg.gather [hbm4b:s4+s2], $0x80, v3, vm0, $0xb8;
	[tilespmem:$0x1B600] =	vst v63  }
0x1c4: {  	_ = 	snop  }
0x1c5: {  	[tilespmem:s22], [sflag:$0x1] =	stream.indirect_vreg.gather [hbm4b:s5+s2], $0x80, v3, vm0, $0xb8;
	[tilespmem:$0x1B600] =	vst v63  }
0x1c6: {  	s22 =	simm.s32 $0x5E00  }
0x1c7: {  	[tilespmem:s22], [sflag:$0x1] =	stream.indirect_vreg.gather [hbm4b:s6+s2], $0x80, v3, vm0, $0xb8;
	[tilespmem:$0x1B600] =	vst v63  }
0x1c8: {  	v3 =	vld [tilespmem:$0x140];
	_ =	sdelay $0x4  }
0x1c9: {  	v42 =	vshrl.u32 v3, $0x3  }
0x1ca: {  	v4 =	vmul.u32 $0x30, v42  }
0x1cb: {  	v3 =	vand.u32 $0x7, v3  }
0x1cc: {  	v3 =	vor.u32 v3, v4  }
0x1cd: {  	v4 =	vperm.xlane v3, v0;
	_ =	sdelay $0x1  }
0x1ce: {  	v4 =	vadd.s32 v1, v4;
	_ =	sdelay $0x3  }
0x1cf: {  	s22 =	simm.s32 $0x6600;
	v3 =	vperm.xlane v3, v2  }
0x1d0: {  	[tilespmem:s22], [sflag:$0x1] =	stream.indirect_vreg.gather [hbm4b:s4+s2], $0x80, v4, vm0, $0xb8;
	[tilespmem:$0x1B600] =	vst v63  }
0x1d1: {  	v3 =	vadd.s32 v1, v3  }
0x1d2: {  	[tilespmem:s24], [sflag:$0x1] =	stream.indirect_vreg.gather [hbm4b:s5+s2], $0x80, v4, vm0, $0xb8;
	[tilespmem:$0x1B600] =	vst v63  }
0x1d3: {  	_ = 	snop  }
0x1d4: {  	[tilespmem:s25], [sflag:$0x1] =	stream.indirect_vreg.gather [hbm4b:s6+s2], $0x80, v4, vm0, $0xb8;
	[tilespmem:$0x1B600] =	vst v63  }
0x1d5: {  	_ = 	snop  }
0x1d6: {  	[tilespmem:s26], [sflag:$0x1] =	stream.indirect_vreg.gather [hbm4b:s4+s2], $0x80, v3, vm0, $0xb8;
	[tilespmem:$0x1B600] =	vst v63  }
0x1d7: {  	_ = 	snop  }
0x1d8: {  	[tilespmem:s28], [sflag:$0x1] =	stream.indirect_vreg.gather [hbm4b:s5+s2], $0x80, v3, vm0, $0xb8;
	[tilespmem:$0x1B600] =	vst v63  }
0x1d9: {  	s28 =	simm.s32 $0x8E00  }
0x1da: {  	[tilespmem:s28], [sflag:$0x1] =	stream.indirect_vreg.gather [hbm4b:s6+s2], $0x80, v3, vm0, $0xb8;
	[tilespmem:$0x1B600] =	vst v63  }
0x1db: {  	v3 =	vld [tilespmem:$0x150];
	_ =	sdelay $0x4  }
0x1dc: {  	v43 =	vshrl.u32 v3, $0x3  }
0x1dd: {  	v4 =	vmul.u32 $0x30, v43  }
0x1de: {  	v3 =	vand.u32 $0x7, v3  }
0x1df: {  	v3 =	vor.u32 v3, v4  }
0x1e0: {  	v4 =	vperm.xlane v3, v0;
	_ =	sdelay $0x1  }
0x1e1: {  	v4 =	vadd.s32 v1, v4;
	_ =	sdelay $0x3  }
0x1e2: {  	s28 =	simm.s32 $0x9600;
	v3 =	vperm.xlane v3, v2  }
0x1e3: {  	[tilespmem:s28], [sflag:$0x1] =	stream.indirect_vreg.gather [hbm4b:s4+s2], $0x80, v4, vm0, $0xb8;
	[tilespmem:$0x1B600] =	vst v63  }
0x1e4: {  	v3 =	vadd.s32 v1, v3  }
0x1e5: {  	[tilespmem:s29], [sflag:$0x1] =	stream.indirect_vreg.gather [hbm4b:s5+s2], $0x80, v4, vm0, $0xb8;
	[tilespmem:$0x1B600] =	vst v63  }
0x1e6: {  	_ = 	snop  }
0x1e7: {  	[tilespmem:s12], [sflag:$0x1] =	stream.indirect_vreg.gather [hbm4b:s6+s2], $0x80, v4, vm0, $0xb8;
	[tilespmem:$0x1B600] =	vst v63  }
0x1e8: {  	_ = 	snop  }
0x1e9: {  	[tilespmem:s13], [sflag:$0x1] =	stream.indirect_vreg.gather [hbm4b:s4+s2], $0x80, v3, vm0, $0xb8;
	[tilespmem:$0x1B600] =	vst v63  }
0x1ea: {  	_ = 	snop  }
0x1eb: {  	[tilespmem:s19], [sflag:$0x1] =	stream.indirect_vreg.gather [hbm4b:s5+s2], $0x80, v3, vm0, $0xb8;
	[tilespmem:$0x1B600] =	vst v63  }
0x1ec: {  	s29 =	simm.s32 $0xBE00  }
0x1ed: {  	[tilespmem:s29], [sflag:$0x1] =	stream.indirect_vreg.gather [hbm4b:s6+s2], $0x80, v3, vm0, $0xb8;
	[tilespmem:$0x1B600] =	vst v63  }
0x1ee: {  	v3 =	vld.msk [tilespmem:$0x160], $0xff;
	_ =	sdelay $0x4  }
0x1ef: {  	v44 =	vshrl.u32 v3, $0x3  }
0x1f0: {  	v4 =	vmul.u32 $0x30, v44  }
0x1f1: {  	v3 =	vand.u32 $0x7, v3  }
0x1f2: {  	v3 =	vor.u32 v3, v4  }
0x1f3: {  	v3 =	vperm.xlane v3, v0;
	_ =	sdelay $0x1  }
0x1f4: {  	v3 =	vadd.s32 v1, v3;
	_ =	sdelay $0x4  }
0x1f5: {  	[tilespmem:s20], [sflag:$0x1] =	stream.indirect_vreg.gather [hbm4b:s4+s2], $0x80, v3, vm0, $0xb8;
	[tilespmem:$0x1B600] =	vst v63  }
0x1f6: {  	_ = 	snop  }
0x1f7: {  	[tilespmem:s21], [sflag:$0x1] =	stream.indirect_vreg.gather [hbm4b:s5+s2], $0x80, v3, vm0, $0xb8;
	[tilespmem:$0x1B600] =	vst v63  }
0x1f8: {  	s29 =	simm.s32 $0xD600  }
0x1f9: {  	[tilespmem:s29], [sflag:$0x1] =	stream.indirect_vreg.gather [hbm4b:s6+s2], $0x80, v3, vm0, $0xb8;
	[tilespmem:$0x1B600] =	vst v63  }
0x1fa: {  	_ =	swait.ge [sflag:s16], $0xD800  }
0x1fb: {  	[sflag:s16] =	ssyncset.done $0x0  }
0x1fc: {  	s29 =	rddreg [dreg:$0x6];
	[sflag:s16] =	ssyncadd.s32 $0xFFFF2800  }
0x1fd: {  	[hbm4b:s29+s2] =	stream.linear.scatter [tilespmem:s11], [sflag:$0x4], $0xD800, $0x38;
	[tilespmem:$0x1B600] =	vst v63  }
0x1fe: {  	_ =	swait.ge [sflag:s17], $0xD800  }
0x1ff: {  	[sflag:s17] =	ssyncset.done $0x0  }
0x200: {  	[sflag:s17] =	ssyncadd.s32 $0xFFFF2800  }
0x201: {  	v3 =	vld [tilespmem:$0x168];
	_ =	sdelay $0x4  }
0x202: {  	v45 =	vshrl.u32 v3, $0x3  }
0x203: {  	v4 =	vmul.u32 $0x30, v45  }
0x204: {  	v3 =	vand.u32 $0x7, v3  }
0x205: {  	v3 =	vor.u32 v3, v4  }
0x206: {  	v4 =	vperm.xlane v3, v0;
	_ =	sdelay $0x1  }
0x207: {  	v4 =	vadd.s32 v1, v4;
	_ =	sdelay $0x3  }
0x208: {  	v3 =	vperm.xlane v3, v2  }
0x209: {  	[tilespmem:s11], [sflag:$0x2] =	stream.indirect_vreg.gather [hbm4b:s4+s2], $0x80, v4, vm0, $0xb8;
	[tilespmem:$0x1B600] =	vst v63  }
0x20a: {  	s30 =	simm.s32 $0xE600;
	v3 =	vadd.s32 v1, v3  }
0x20b: {  	[tilespmem:s30], [sflag:$0x2] =	stream.indirect_vreg.gather [hbm4b:s5+s2], $0x80, v4, vm0, $0xb8;
	[tilespmem:$0x1B600] =	vst v63  }
0x20c: {  	s30 =	simm.s32 $0xEE00  }
0x20d: {  	[tilespmem:s30], [sflag:$0x2] =	stream.indirect_vreg.gather [hbm4b:s6+s2], $0x80, v4, vm0, $0xb8;
	[tilespmem:$0x1B600] =	vst v63  }
0x20e: {  	s18 =	simm.s32 $0xF600  }
0x20f: {  	[tilespmem:s18], [sflag:$0x2] =	stream.indirect_vreg.gather [hbm4b:s4+s2], $0x80, v3, vm0, $0xb8;
	[tilespmem:$0x1B600] =	vst v63  }
0x210: {  	s18 =	simm.s32 $0xFE00  }
0x211: {  	[tilespmem:s18], [sflag:$0x2] =	stream.indirect_vreg.gather [hbm4b:s5+s2], $0x80, v3, vm0, $0xb8;
	[tilespmem:$0x1B600] =	vst v63  }
0x212: {  	s18 =	simm.s32 $0x10600  }
0x213: {  	[tilespmem:s18], [sflag:$0x2] =	stream.indirect_vreg.gather [hbm4b:s6+s2], $0x80, v3, vm0, $0xb8;
	[tilespmem:$0x1B600] =	vst v63  }
0x214: {  	v3 =	vld [tilespmem:$0x178];
	_ =	sdelay $0x4  }
0x215: {  	v46 =	vshrl.u32 v3, $0x3  }
0x216: {  	v4 =	vmul.u32 $0x30, v46  }
0x217: {  	v3 =	vand.u32 $0x7, v3  }
0x218: {  	v3 =	vor.u32 v3, v4  }
0x219: {  	v4 =	vperm.xlane v3, v0;
	_ =	sdelay $0x1  }
0x21a: {  	v4 =	vadd.s32 v1, v4;
	_ =	sdelay $0x3  }
0x21b: {  	s18 =	simm.s32 $0x10E00;
	v3 =	vperm.xlane v3, v2  }
0x21c: {  	[tilespmem:s18], [sflag:$0x2] =	stream.indirect_vreg.gather [hbm4b:s4+s2], $0x80, v4, vm0, $0xb8;
	[tilespmem:$0x1B600] =	vst v63  }
0x21d: {  	s31 =	simm.s32 $0x11600;
	v3 =	vadd.s32 v1, v3  }
0x21e: {  	[tilespmem:s31], [sflag:$0x2] =	stream.indirect_vreg.gather [hbm4b:s5+s2], $0x80, v4, vm0, $0xb8;
	[tilespmem:$0x1B600] =	vst v63  }
0x21f: {  	s18 =	simm.s32 $0x11E00  }
0x220: {  	[tilespmem:s18], [sflag:$0x2] =	stream.indirect_vreg.gather [hbm4b:s6+s2], $0x80, v4, vm0, $0xb8;
	[tilespmem:$0x1B600] =	vst v63  }
0x221: {  	s18 =	simm.s32 $0x12600  }
0x222: {  	[tilespmem:s18], [sflag:$0x2] =	stream.indirect_vreg.gather [hbm4b:s4+s2], $0x80, v3, vm0, $0xb8;
	[tilespmem:$0x1B600] =	vst v63  }
0x223: {  	s18 =	simm.s32 $0x12E00  }
0x224: {  	[tilespmem:s18], [sflag:$0x2] =	stream.indirect_vreg.gather [hbm4b:s5+s2], $0x80, v3, vm0, $0xb8;
	[tilespmem:$0x1B600] =	vst v63  }
0x225: {  	s18 =	simm.s32 $0x13600  }
0x226: {  	[tilespmem:s18], [sflag:$0x2] =	stream.indirect_vreg.gather [hbm4b:s6+s2], $0x80, v3, vm0, $0xb8;
	[tilespmem:$0x1B600] =	vst v63  }
0x227: {  	v3 =	vld [tilespmem:$0x188];
	_ =	sdelay $0x4  }
0x228: {  	v47 =	vshrl.u32 v3, $0x3  }
0x229: {  	v4 =	vmul.u32 $0x30, v47  }
0x22a: {  	v3 =	vand.u32 $0x7, v3  }
0x22b: {  	v3 =	vor.u32 v3, v4  }
0x22c: {  	v4 =	vperm.xlane v3, v0;
	_ =	sdelay $0x1  }
0x22d: {  	v4 =	vadd.s32 v1, v4;
	_ =	sdelay $0x3  }
0x22e: {  	s18 =	simm.s32 $0x13E00;
	v3 =	vperm.xlane v3, v2  }
0x22f: {  	[tilespmem:s18], [sflag:$0x2] =	stream.indirect_vreg.gather [hbm4b:s4+s2], $0x80, v4, vm0, $0xb8;
	[tilespmem:$0x1B600] =	vst v63  }
0x230: {  	v3 =	vadd.s32 v1, v3;
	s18 =	simm.s32 $0x14600  }
0x231: {  	[tilespmem:s18], [sflag:$0x2] =	stream.indirect_vreg.gather [hbm4b:s5+s2], $0x80, v4, vm0, $0xb8;
	[tilespmem:$0x1B600] =	vst v63  }
0x232: {  	s18 =	simm.s32 $0x14E00  }
0x233: {  	[tilespmem:s18], [sflag:$0x2] =	stream.indirect_vreg.gather [hbm4b:s6+s2], $0x80, v4, vm0, $0xb8;
	[tilespmem:$0x1B600] =	vst v63  }
0x234: {  	s18 =	simm.s32 $0x15600  }
0x235: {  	[tilespmem:s18], [sflag:$0x2] =	stream.indirect_vreg.gather [hbm4b:s4+s2], $0x80, v3, vm0, $0xb8;
	[tilespmem:$0x1B600] =	vst v63  }
0x236: {  	s18 =	simm.s32 $0x15E00  }
0x237: {  	[tilespmem:s18], [sflag:$0x2] =	stream.indirect_vreg.gather [hbm4b:s5+s2], $0x80, v3, vm0, $0xb8;
	[tilespmem:$0x1B600] =	vst v63  }
0x238: {  	s18 =	simm.s32 $0x16600  }
0x239: {  	[tilespmem:s18], [sflag:$0x2] =	stream.indirect_vreg.gather [hbm4b:s6+s2], $0x80, v3, vm0, $0xb8;
	[tilespmem:$0x1B600] =	vst v63  }
0x23a: {  	v3 =	vld [tilespmem:$0x198];
	_ =	sdelay $0x4  }
0x23b: {  	v48 =	vshrl.u32 v3, $0x3  }
0x23c: {  	v4 =	vmul.u32 $0x30, v48  }
0x23d: {  	v3 =	vand.u32 $0x7, v3  }
0x23e: {  	v3 =	vor.u32 v3, v4  }
0x23f: {  	v4 =	vperm.xlane v3, v0;
	_ =	sdelay $0x1  }
0x240: {  	v4 =	vadd.s32 v1, v4;
	_ =	sdelay $0x3  }
0x241: {  	s18 =	simm.s32 $0x16E00;
	v3 =	vperm.xlane v3, v2  }
0x242: {  	[tilespmem:s18], [sflag:$0x2] =	stream.indirect_vreg.gather [hbm4b:s4+s2], $0x80, v4, vm0, $0xb8;
	[tilespmem:$0x1B600] =	vst v63  }
0x243: {  	v3 =	vadd.s32 v1, v3;
	s18 =	simm.s32 $0x17600  }
0x244: {  	[tilespmem:s18], [sflag:$0x2] =	stream.indirect_vreg.gather [hbm4b:s5+s2], $0x80, v4, vm0, $0xb8;
	[tilespmem:$0x1B600] =	vst v63  }
0x245: {  	s18 =	simm.s32 $0x17E00  }
0x246: {  	[tilespmem:s18], [sflag:$0x2] =	stream.indirect_vreg.gather [hbm4b:s6+s2], $0x80, v4, vm0, $0xb8;
	[tilespmem:$0x1B600] =	vst v63  }
0x247: {  	s18 =	simm.s32 $0x18600  }
0x248: {  	[tilespmem:s18], [sflag:$0x2] =	stream.indirect_vreg.gather [hbm4b:s4+s2], $0x80, v3, vm0, $0xb8;
	[tilespmem:$0x1B600] =	vst v63  }
0x249: {  	s18 =	simm.s32 $0x18E00  }
0x24a: {  	[tilespmem:s18], [sflag:$0x2] =	stream.indirect_vreg.gather [hbm4b:s5+s2], $0x80, v3, vm0, $0xb8;
	[tilespmem:$0x1B600] =	vst v63  }
0x24b: {  	s18 =	simm.s32 $0x19600  }
0x24c: {  	[tilespmem:s18], [sflag:$0x2] =	stream.indirect_vreg.gather [hbm4b:s6+s2], $0x80, v3, vm0, $0xb8;
	[tilespmem:$0x1B600] =	vst v63  }
0x24d: {  	v3 =	vld.msk [tilespmem:$0x1A8], $0xff;
	_ =	sdelay $0x4  }
0x24e: {  	v49 =	vshrl.u32 v3, $0x3  }
0x24f: {  	v4 =	vmul.u32 $0x30, v49  }
0x250: {  	v3 =	vand.u32 $0x7, v3  }
0x251: {  	v3 =	vor.u32 v3, v4  }
0x252: {  	v3 =	vperm.xlane v3, v0;
	_ =	sdelay $0x1  }
0x253: {  	v3 =	vadd.s32 v1, v3;
	_ =	sdelay $0x3  }
0x254: {  	s18 =	simm.s32 $0x19E00  }
0x255: {  	[tilespmem:s18], [sflag:$0x2] =	stream.indirect_vreg.gather [hbm4b:s4+s2], $0x80, v3, vm0, $0xb8;
	[tilespmem:$0x1B600] =	vst v63  }
0x256: {  	s18 =	simm.s32 $0x1A600  }
0x257: {  	[tilespmem:s18], [sflag:$0x2] =	stream.indirect_vreg.gather [hbm4b:s5+s2], $0x80, v3, vm0, $0xb8;
	[tilespmem:$0x1B600] =	vst v63  }
0x258: {  	s18 =	simm.s32 $0x1AE00  }
0x259: {  	[tilespmem:s18], [sflag:$0x2] =	stream.indirect_vreg.gather [hbm4b:s6+s2], $0x80, v3, vm0, $0xb8;
	[tilespmem:$0x1B600] =	vst v63  }
0x25a: {  	_ =	swait.ge [sflag:s14], $0xD800  }
0x25b: {  	[sflag:s14] =	ssyncset.done $0x0  }
0x25c: {  	s18 =	rddreg [dreg:$0x7];
	[sflag:s14] =	ssyncadd.s32 $0xFFFF2800  }
0x25d: {  	[hbm4b:s18+s2] =	stream.linear.scatter [tilespmem:s23], [sflag:$0x3], $0xD800, $0x38;
	[tilespmem:$0x1B600] =	vst v63  }
0x25e: {  	_ =	swait.ge [sflag:s15], $0xD800  }
0x25f: {  	[sflag:s15] =	ssyncset.done $0x0  }
0x260: {  	[sflag:s15] =	ssyncadd.s32 $0xFFFF2800  }
0x261: {  	v3 =	vld [tilespmem:$0x1B0];
	_ =	sdelay $0x4  }
0x262: {  	v50 =	vshrl.u32 v3, $0x3  }
0x263: {  	v4 =	vmul.u32 $0x30, v50  }
0x264: {  	v3 =	vand.u32 $0x7, v3  }
0x265: {  	v3 =	vor.u32 v3, v4  }
0x266: {  	v4 =	vperm.xlane v3, v0;
	_ =	sdelay $0x1  }
0x267: {  	v4 =	vadd.s32 v1, v4;
	_ =	sdelay $0x3  }
0x268: {  	v3 =	vperm.xlane v3, v2  }
0x269: {  	[tilespmem:s23], [sflag:$0x1] =	stream.indirect_vreg.gather [hbm4b:s4+s2], $0x80, v4, vm0, $0xb8;
	[tilespmem:$0x1B600] =	vst v63  }
0x26a: {  	s18 =	simm.s32 $0xE00;
	v3 =	vadd.s32 v1, v3  }
0x26b: {  	[tilespmem:s18], [sflag:$0x1] =	stream.indirect_vreg.gather [hbm4b:s5+s2], $0x80, v4, vm0, $0xb8;
	[tilespmem:$0x1B600] =	vst v63  }
0x26c: {  	s0 =	simm.s32 $0x1600  }
0x26d: {  	[tilespmem:s0], [sflag:$0x1] =	stream.indirect_vreg.gather [hbm4b:s6+s2], $0x80, v4, vm0, $0xb8;
	[tilespmem:$0x1B600] =	vst v63  }
0x26e: {  	s3 =	simm.s32 $0x1E00  }
0x26f: {  	[tilespmem:s3], [sflag:$0x1] =	stream.indirect_vreg.gather [hbm4b:s4+s2], $0x80, v3, vm0, $0xb8;
	[tilespmem:$0x1B600] =	vst v63  }
0x270: {  	s7 =	simm.s32 $0x2600  }
0x271: {  	[tilespmem:s7], [sflag:$0x1] =	stream.indirect_vreg.gather [hbm4b:s5+s2], $0x80, v3, vm0, $0xb8;
	[tilespmem:$0x1B600] =	vst v63  }
0x272: {  	s18 =	simm.s32 $0x2E00  }
0x273: {  	[tilespmem:s18], [sflag:$0x1] =	stream.indirect_vreg.gather [hbm4b:s6+s2], $0x80, v3, vm0, $0xb8;
	[tilespmem:$0x1B600] =	vst v63  }
0x274: {  	v3 =	vld [tilespmem:$0x1C0];
	_ =	sdelay $0x4  }
0x275: {  	v51 =	vshrl.u32 v3, $0x3  }
0x276: {  	v4 =	vmul.u32 $0x30, v51  }
0x277: {  	v3 =	vand.u32 $0x7, v3  }
0x278: {  	v3 =	vor.u32 v3, v4  }
0x279: {  	v4 =	vperm.xlane v3, v0;
	_ =	sdelay $0x1  }
0x27a: {  	v4 =	vadd.s32 v1, v4;
	_ =	sdelay $0x3  }
0x27b: {  	s18 =	simm.s32 $0x3600;
	v3 =	vperm.xlane v3, v2  }
0x27c: {  	[tilespmem:s18], [sflag:$0x1] =	stream.indirect_vreg.gather [hbm4b:s4+s2], $0x80, v4, vm0, $0xb8;
	[tilespmem:$0x1B600] =	vst v63  }
0x27d: {  	s8 =	simm.s32 $0x3E00;
	v3 =	vadd.s32 v1, v3  }
0x27e: {  	[tilespmem:s8], [sflag:$0x1] =	stream.indirect_vreg.gather [hbm4b:s5+s2], $0x80, v4, vm0, $0xb8;
	[tilespmem:$0x1B600] =	vst v63  }
0x27f: {  	s9 =	simm.s32 $0x4600  }
0x280: {  	[tilespmem:s9], [sflag:$0x1] =	stream.indirect_vreg.gather [hbm4b:s6+s2], $0x80, v4, vm0, $0xb8;
	[tilespmem:$0x1B600] =	vst v63  }
0x281: {  	s10 =	simm.s32 $0x4E00  }
0x282: {  	[tilespmem:s10], [sflag:$0x1] =	stream.indirect_vreg.gather [hbm4b:s4+s2], $0x80, v3, vm0, $0xb8;
	[tilespmem:$0x1B600] =	vst v63  }
0x283: {  	s1 =	simm.s32 $0x5600  }
0x284: {  	[tilespmem:s1], [sflag:$0x1] =	stream.indirect_vreg.gather [hbm4b:s5+s2], $0x80, v3, vm0, $0xb8;
	[tilespmem:$0x1B600] =	vst v63  }
0x285: {  	s18 =	simm.s32 $0x5E00  }
0x286: {  	[tilespmem:s18], [sflag:$0x1] =	stream.indirect_vreg.gather [hbm4b:s6+s2], $0x80, v3, vm0, $0xb8;
	[tilespmem:$0x1B600] =	vst v63  }
0x287: {  	v3 =	vld [tilespmem:$0x1D0];
	_ =	sdelay $0x4  }
0x288: {  	v52 =	vshrl.u32 v3, $0x3  }
0x289: {  	v4 =	vmul.u32 $0x30, v52  }
0x28a: {  	v3 =	vand.u32 $0x7, v3  }
0x28b: {  	v3 =	vor.u32 v3, v4  }
0x28c: {  	v4 =	vperm.xlane v3, v0;
	_ =	sdelay $0x1  }
0x28d: {  	v4 =	vadd.s32 v1, v4;
	_ =	sdelay $0x3  }
0x28e: {  	s18 =	simm.s32 $0x6600;
	v3 =	vperm.xlane v3, v2  }
0x28f: {  	[tilespmem:s18], [sflag:$0x1] =	stream.indirect_vreg.gather [hbm4b:s4+s2], $0x80, v4, vm0, $0xb8;
	[tilespmem:$0x1B600] =	vst v63  }
0x290: {  	s24 =	simm.s32 $0x6E00;
	v3 =	vadd.s32 v1, v3  }
0x291: {  	[tilespmem:s24], [sflag:$0x1] =	stream.indirect_vreg.gather [hbm4b:s5+s2], $0x80, v4, vm0, $0xb8;
	[tilespmem:$0x1B600] =	vst v63  }
0x292: {  	s22 =	simm.s32 $0x7600  }
0x293: {  	[tilespmem:s22], [sflag:$0x1] =	stream.indirect_vreg.gather [hbm4b:s6+s2], $0x80, v4, vm0, $0xb8;
	[tilespmem:$0x1B600] =	vst v63  }
0x294: {  	s25 =	simm.s32 $0x7E00  }
0x295: {  	[tilespmem:s25], [sflag:$0x1] =	stream.indirect_vreg.gather [hbm4b:s4+s2], $0x80, v3, vm0, $0xb8;
	[tilespmem:$0x1B600] =	vst v63  }
0x296: {  	s26 =	simm.s32 $0x8600  }
0x297: {  	[tilespmem:s26], [sflag:$0x1] =	stream.indirect_vreg.gather [hbm4b:s5+s2], $0x80, v3, vm0, $0xb8;
	[tilespmem:$0x1B600] =	vst v63  }
0x298: {  	s18 =	simm.s32 $0x8E00  }
0x299: {  	[tilespmem:s18], [sflag:$0x1] =	stream.indirect_vreg.gather [hbm4b:s6+s2], $0x80, v3, vm0, $0xb8;
	[tilespmem:$0x1B600] =	vst v63  }
0x29a: {  	v3 =	vld [tilespmem:$0x1E0];
	_ =	sdelay $0x4  }
0x29b: {  	v53 =	vshrl.u32 v3, $0x3  }
0x29c: {  	v4 =	vmul.u32 $0x30, v53  }
0x29d: {  	v3 =	vand.u32 $0x7, v3  }
0x29e: {  	v3 =	vor.u32 v3, v4  }
0x29f: {  	v4 =	vperm.xlane v3, v0;
	_ =	sdelay $0x1  }
0x2a0: {  	v4 =	vadd.s32 v1, v4;
	_ =	sdelay $0x3  }
0x2a1: {  	s18 =	simm.s32 $0x9600;
	v3 =	vperm.xlane v3, v2  }
0x2a2: {  	[tilespmem:s18], [sflag:$0x1] =	stream.indirect_vreg.gather [hbm4b:s4+s2], $0x80, v4, vm0, $0xb8;
	[tilespmem:$0x1B600] =	vst v63  }
0x2a3: {  	s28 =	simm.s32 $0x9E00;
	v3 =	vadd.s32 v1, v3  }
0x2a4: {  	[tilespmem:s28], [sflag:$0x1] =	stream.indirect_vreg.gather [hbm4b:s5+s2], $0x80, v4, vm0, $0xb8;
	[tilespmem:$0x1B600] =	vst v63  }
0x2a5: {  	s12 =	simm.s32 $0xA600  }
0x2a6: {  	[tilespmem:s12], [sflag:$0x1] =	stream.indirect_vreg.gather [hbm4b:s6+s2], $0x80, v4, vm0, $0xb8;
	[tilespmem:$0x1B600] =	vst v63  }
0x2a7: {  	s13 =	simm.s32 $0xAE00  }
0x2a8: {  	[tilespmem:s13], [sflag:$0x1] =	stream.indirect_vreg.gather [hbm4b:s4+s2], $0x80, v3, vm0, $0xb8;
	[tilespmem:$0x1B600] =	vst v63  }
0x2a9: {  	s19 =	simm.s32 $0xB600  }
0x2aa: {  	[tilespmem:s19], [sflag:$0x1] =	stream.indirect_vreg.gather [hbm4b:s5+s2], $0x80, v3, vm0, $0xb8;
	[tilespmem:$0x1B600] =	vst v63  }
0x2ab: {  	s18 =	simm.s32 $0xBE00  }
0x2ac: {  	[tilespmem:s18], [sflag:$0x1] =	stream.indirect_vreg.gather [hbm4b:s6+s2], $0x80, v3, vm0, $0xb8;
	[tilespmem:$0x1B600] =	vst v63  }
0x2ad: {  	v3 =	vld.msk [tilespmem:$0x1F0], $0xff;
	_ =	sdelay $0x4  }
0x2ae: {  	v54 =	vshrl.u32 v3, $0x3  }
0x2af: {  	v4 =	vmul.u32 $0x30, v54  }
0x2b0: {  	v3 =	vand.u32 $0x7, v3  }
0x2b1: {  	v3 =	vor.u32 v3, v4  }
0x2b2: {  	v3 =	vperm.xlane v3, v0;
	_ =	sdelay $0x1  }
0x2b3: {  	v3 =	vadd.s32 v1, v3;
	_ =	sdelay $0x3  }
0x2b4: {  	s20 =	simm.s32 $0xC600  }
0x2b5: {  	[tilespmem:s20], [sflag:$0x1] =	stream.indirect_vreg.gather [hbm4b:s4+s2], $0x80, v3, vm0, $0xb8;
	[tilespmem:$0x1B600] =	vst v63  }
0x2b6: {  	s21 =	simm.s32 $0xCE00  }
0x2b7: {  	[tilespmem:s21], [sflag:$0x1] =	stream.indirect_vreg.gather [hbm4b:s5+s2], $0x80, v3, vm0, $0xb8;
	[tilespmem:$0x1B600] =	vst v63  }
0x2b8: {  	s18 =	simm.s32 $0xD600  }
0x2b9: {  	[tilespmem:s18], [sflag:$0x1] =	stream.indirect_vreg.gather [hbm4b:s6+s2], $0x80, v3, vm0, $0xb8;
	[tilespmem:$0x1B600] =	vst v63  }
0x2ba: {  	_ =	swait.ge [sflag:s16], $0xD800  }
0x2bb: {  	[sflag:s16] =	ssyncset.done $0x0  }
0x2bc: {  	s18 =	rddreg [dreg:$0x8];
	[sflag:s16] =	ssyncadd.s32 $0xFFFF2800  }
0x2bd: {  	[hbm4b:s18+s2] =	stream.linear.scatter [tilespmem:s11], [sflag:$0x4], $0xD800, $0x38;
	[tilespmem:$0x1B600] =	vst v63  }
0x2be: {  	_ =	swait.ge [sflag:s17], $0xD800  }
0x2bf: {  	[sflag:s17] =	ssyncset.done $0x0  }
0x2c0: {  	[sflag:s17] =	ssyncadd.s32 $0xFFFF2800  }
0x2c1: {  	v3 =	vld [tilespmem:$0x1F8];
	_ =	sdelay $0x4  }
0x2c2: {  	v55 =	vshrl.u32 v3, $0x3  }
0x2c3: {  	v4 =	vmul.u32 $0x30, v55  }
0x2c4: {  	v3 =	vand.u32 $0x7, v3  }
0x2c5: {  	v3 =	vor.u32 v3, v4  }
0x2c6: {  	v4 =	vperm.xlane v3, v0;
	_ =	sdelay $0x1  }
0x2c7: {  	v4 =	vadd.s32 v1, v4;
	_ =	sdelay $0x3  }
0x2c8: {  	v3 =	vperm.xlane v3, v2  }
0x2c9: {  	[tilespmem:s11], [sflag:$0x2] =	stream.indirect_vreg.gather [hbm4b:s4+s2], $0x80, v4, vm0, $0xb8;
	[tilespmem:$0x1B600] =	vst v63  }
0x2ca: {  	s29 =	simm.s32 $0xE600;
	v3 =	vadd.s32 v1, v3  }
0x2cb: {  	[tilespmem:s29], [sflag:$0x2] =	stream.indirect_vreg.gather [hbm4b:s5+s2], $0x80, v4, vm0, $0xb8;
	[tilespmem:$0x1B600] =	vst v63  }
0x2cc: {  	s30 =	simm.s32 $0xEE00  }
0x2cd: {  	[tilespmem:s30], [sflag:$0x2] =	stream.indirect_vreg.gather [hbm4b:s6+s2], $0x80, v4, vm0, $0xb8;
	[tilespmem:$0x1B600] =	vst v63  }
0x2ce: {  	s18 =	simm.s32 $0xF600  }
0x2cf: {  	[tilespmem:s18], [sflag:$0x2] =	stream.indirect_vreg.gather [hbm4b:s4+s2], $0x80, v3, vm0, $0xb8;
	[tilespmem:$0x1B600] =	vst v63  }
0x2d0: {  	s18 =	simm.s32 $0xFE00  }
0x2d1: {  	[tilespmem:s18], [sflag:$0x2] =	stream.indirect_vreg.gather [hbm4b:s5+s2], $0x80, v3, vm0, $0xb8;
	[tilespmem:$0x1B600] =	vst v63  }
0x2d2: {  	s18 =	simm.s32 $0x10600  }
0x2d3: {  	[tilespmem:s18], [sflag:$0x2] =	stream.indirect_vreg.gather [hbm4b:s6+s2], $0x80, v3, vm0, $0xb8;
	[tilespmem:$0x1B600] =	vst v63  }
0x2d4: {  	v3 =	vld [tilespmem:$0x208];
	_ =	sdelay $0x4  }
0x2d5: {  	v56 =	vshrl.u32 v3, $0x3  }
0x2d6: {  	v4 =	vmul.u32 $0x30, v56  }
0x2d7: {  	v3 =	vand.u32 $0x7, v3  }
0x2d8: {  	v3 =	vor.u32 v3, v4  }
0x2d9: {  	v4 =	vperm.xlane v3, v0;
	_ =	sdelay $0x1  }
0x2da: {  	v4 =	vadd.s32 v1, v4;
	_ =	sdelay $0x3  }
0x2db: {  	s18 =	simm.s32 $0x10E00;
	v3 =	vperm.xlane v3, v2  }
0x2dc: {  	[tilespmem:s18], [sflag:$0x2] =	stream.indirect_vreg.gather [hbm4b:s4+s2], $0x80, v4, vm0, $0xb8;
	[tilespmem:$0x1B600] =	vst v63  }
0x2dd: {  	s31 =	simm.s32 $0x11600;
	v3 =	vadd.s32 v1, v3  }
0x2de: {  	[tilespmem:s31], [sflag:$0x2] =	stream.indirect_vreg.gather [hbm4b:s5+s2], $0x80, v4, vm0, $0xb8;
	[tilespmem:$0x1B600] =	vst v63  }
0x2df: {  	s18 =	simm.s32 $0x11E00  }
0x2e0: {  	[tilespmem:s18], [sflag:$0x2] =	stream.indirect_vreg.gather [hbm4b:s6+s2], $0x80, v4, vm0, $0xb8;
	[tilespmem:$0x1B600] =	vst v63  }
0x2e1: {  	s18 =	simm.s32 $0x12600  }
0x2e2: {  	[tilespmem:s18], [sflag:$0x2] =	stream.indirect_vreg.gather [hbm4b:s4+s2], $0x80, v3, vm0, $0xb8;
	[tilespmem:$0x1B600] =	vst v63  }
0x2e3: {  	s18 =	simm.s32 $0x12E00  }
0x2e4: {  	[tilespmem:s18], [sflag:$0x2] =	stream.indirect_vreg.gather [hbm4b:s5+s2], $0x80, v3, vm0, $0xb8;
	[tilespmem:$0x1B600] =	vst v63  }
0x2e5: {  	s18 =	simm.s32 $0x13600  }
0x2e6: {  	[tilespmem:s18], [sflag:$0x2] =	stream.indirect_vreg.gather [hbm4b:s6+s2], $0x80, v3, vm0, $0xb8;
	[tilespmem:$0x1B600] =	vst v63  }
0x2e7: {  	v3 =	vld [tilespmem:$0x218];
	_ =	sdelay $0x4  }
0x2e8: {  	v57 =	vshrl.u32 v3, $0x3  }
0x2e9: {  	v4 =	vmul.u32 $0x30, v57  }
0x2ea: {  	v3 =	vand.u32 $0x7, v3  }
0x2eb: {  	v3 =	vor.u32 v3, v4  }
0x2ec: {  	v4 =	vperm.xlane v3, v0;
	_ =	sdelay $0x1  }
0x2ed: {  	v4 =	vadd.s32 v1, v4;
	_ =	sdelay $0x3  }
0x2ee: {  	s18 =	simm.s32 $0x13E00;
	v3 =	vperm.xlane v3, v2  }
0x2ef: {  	[tilespmem:s18], [sflag:$0x2] =	stream.indirect_vreg.gather [hbm4b:s4+s2], $0x80, v4, vm0, $0xb8;
	[tilespmem:$0x1B600] =	vst v63  }
0x2f0: {  	v3 =	vadd.s32 v1, v3;
	s18 =	simm.s32 $0x14600  }
0x2f1: {  	[tilespmem:s18], [sflag:$0x2] =	stream.indirect_vreg.gather [hbm4b:s5+s2], $0x80, v4, vm0, $0xb8;
	[tilespmem:$0x1B600] =	vst v63  }
0x2f2: {  	s18 =	simm.s32 $0x14E00  }
0x2f3: {  	[tilespmem:s18], [sflag:$0x2] =	stream.indirect_vreg.gather [hbm4b:s6+s2], $0x80, v4, vm0, $0xb8;
	[tilespmem:$0x1B600] =	vst v63  }
0x2f4: {  	s18 =	simm.s32 $0x15600  }
0x2f5: {  	[tilespmem:s18], [sflag:$0x2] =	stream.indirect_vreg.gather [hbm4b:s4+s2], $0x80, v3, vm0, $0xb8;
	[tilespmem:$0x1B600] =	vst v63  }
0x2f6: {  	s18 =	simm.s32 $0x15E00  }
0x2f7: {  	[tilespmem:s18], [sflag:$0x2] =	stream.indirect_vreg.gather [hbm4b:s5+s2], $0x80, v3, vm0, $0xb8;
	[tilespmem:$0x1B600] =	vst v63  }
0x2f8: {  	s18 =	simm.s32 $0x16600  }
0x2f9: {  	[tilespmem:s18], [sflag:$0x2] =	stream.indirect_vreg.gather [hbm4b:s6+s2], $0x80, v3, vm0, $0xb8;
	[tilespmem:$0x1B600] =	vst v63  }
0x2fa: {  	v3 =	vld [tilespmem:$0x228];
	_ =	sdelay $0x4  }
0x2fb: {  	v58 =	vshrl.u32 v3, $0x3  }
0x2fc: {  	v4 =	vmul.u32 $0x30, v58  }
0x2fd: {  	v3 =	vand.u32 $0x7, v3  }
0x2fe: {  	v3 =	vor.u32 v3, v4  }
0x2ff: {  	v4 =	vperm.xlane v3, v0;
	_ =	sdelay $0x1  }
0x300: {  	v4 =	vadd.s32 v1, v4;
	_ =	sdelay $0x3  }
0x301: {  	s18 =	simm.s32 $0x16E00;
	v3 =	vperm.xlane v3, v2  }
0x302: {  	[tilespmem:s18], [sflag:$0x2] =	stream.indirect_vreg.gather [hbm4b:s4+s2], $0x80, v4, vm0, $0xb8;
	[tilespmem:$0x1B600] =	vst v63  }
0x303: {  	v3 =	vadd.s32 v1, v3;
	s18 =	simm.s32 $0x17600  }
0x304: {  	[tilespmem:s18], [sflag:$0x2] =	stream.indirect_vreg.gather [hbm4b:s5+s2], $0x80, v4, vm0, $0xb8;
	[tilespmem:$0x1B600] =	vst v63  }
0x305: {  	s18 =	simm.s32 $0x17E00  }
0x306: {  	[tilespmem:s18], [sflag:$0x2] =	stream.indirect_vreg.gather [hbm4b:s6+s2], $0x80, v4, vm0, $0xb8;
	[tilespmem:$0x1B600] =	vst v63  }
0x307: {  	s18 =	simm.s32 $0x18600  }
0x308: {  	[tilespmem:s18], [sflag:$0x2] =	stream.indirect_vreg.gather [hbm4b:s4+s2], $0x80, v3, vm0, $0xb8;
	[tilespmem:$0x1B600] =	vst v63  }
0x309: {  	s18 =	simm.s32 $0x18E00  }
0x30a: {  	[tilespmem:s18], [sflag:$0x2] =	stream.indirect_vreg.gather [hbm4b:s5+s2], $0x80, v3, vm0, $0xb8;
	[tilespmem:$0x1B600] =	vst v63  }
0x30b: {  	s18 =	simm.s32 $0x19600  }
0x30c: {  	[tilespmem:s18], [sflag:$0x2] =	stream.indirect_vreg.gather [hbm4b:s6+s2], $0x80, v3, vm0, $0xb8;
	[tilespmem:$0x1B600] =	vst v63  }
0x30d: {  	v3 =	vld.msk [tilespmem:$0x238], $0xff;
	_ =	sdelay $0x4  }
0x30e: {  	v59 =	vshrl.u32 v3, $0x3  }
0x30f: {  	v4 =	vmul.u32 $0x30, v59  }
0x310: {  	v3 =	vand.u32 $0x7, v3  }
0x311: {  	v3 =	vor.u32 v3, v4  }
0x312: {  	v3 =	vperm.xlane v3, v0;
	_ =	sdelay $0x1  }
0x313: {  	v3 =	vadd.s32 v1, v3;
	_ =	sdelay $0x3  }
0x314: {  	s18 =	simm.s32 $0x19E00  }
0x315: {  	[tilespmem:s18], [sflag:$0x2] =	stream.indirect_vreg.gather [hbm4b:s4+s2], $0x80, v3, vm0, $0xb8;
	[tilespmem:$0x1B600] =	vst v63  }
0x316: {  	s18 =	simm.s32 $0x1A600  }
0x317: {  	[tilespmem:s18], [sflag:$0x2] =	stream.indirect_vreg.gather [hbm4b:s5+s2], $0x80, v3, vm0, $0xb8;
	[tilespmem:$0x1B600] =	vst v63  }
0x318: {  	s18 =	simm.s32 $0x1AE00  }
0x319: {  	[tilespmem:s18], [sflag:$0x2] =	stream.indirect_vreg.gather [hbm4b:s6+s2], $0x80, v3, vm0, $0xb8;
	[tilespmem:$0x1B600] =	vst v63  }
0x31a: {  	_ =	swait.ge [sflag:s14], $0xD800  }
0x31b: {  	[sflag:s14] =	ssyncset.done $0x0  }
0x31c: {  	s18 =	rddreg [dreg:$0x9];
	[sflag:s14] =	ssyncadd.s32 $0xFFFF2800  }
0x31d: {  	[hbm4b:s18+s2] =	stream.linear.scatter [tilespmem:s23], [sflag:$0x3], $0xD800, $0x38;
	[tilespmem:$0x1B600] =	vst v63  }
0x31e: {  	_ =	swait.ge [sflag:s15], $0xD800  }
0x31f: {  	[sflag:s15] =	ssyncset.done $0x0  }
0x320: {  	[sflag:s15] =	ssyncadd.s32 $0xFFFF2800  }
0x321: {  	v3 =	vld [tilespmem:$0x240];
	_ =	sdelay $0x4  }
0x322: {  	v60 =	vshrl.u32 v3, $0x3  }
0x323: {  	v4 =	vmul.u32 $0x30, v60  }
0x324: {  	v3 =	vand.u32 $0x7, v3  }
0x325: {  	v3 =	vor.u32 v3, v4  }
0x326: {  	v4 =	vperm.xlane v3, v0;
	_ =	sdelay $0x1  }
0x327: {  	v4 =	vadd.s32 v1, v4;
	_ =	sdelay $0x3  }
0x328: {  	v3 =	vperm.xlane v3, v2  }
0x329: {  	[tilespmem:s23], [sflag:$0x1] =	stream.indirect_vreg.gather [hbm4b:s4+s2], $0x80, v4, vm0, $0xb8;
	[tilespmem:$0x1B600] =	vst v63  }
0x32a: {  	s18 =	simm.s32 $0xE00;
	v3 =	vadd.s32 v1, v3  }
0x32b: {  	[tilespmem:s18], [sflag:$0x1] =	stream.indirect_vreg.gather [hbm4b:s5+s2], $0x80, v4, vm0, $0xb8;
	[tilespmem:$0x1B600] =	vst v63  }
0x32c: {  	s0 =	simm.s32 $0x1600  }
0x32d: {  	[tilespmem:s0], [sflag:$0x1] =	stream.indirect_vreg.gather [hbm4b:s6+s2], $0x80, v4, vm0, $0xb8;
	[tilespmem:$0x1B600] =	vst v63  }
0x32e: {  	s3 =	simm.s32 $0x1E00  }
0x32f: {  	[tilespmem:s3], [sflag:$0x1] =	stream.indirect_vreg.gather [hbm4b:s4+s2], $0x80, v3, vm0, $0xb8;
	[tilespmem:$0x1B600] =	vst v63  }
0x330: {  	s7 =	simm.s32 $0x2600  }
0x331: {  	[tilespmem:s7], [sflag:$0x1] =	stream.indirect_vreg.gather [hbm4b:s5+s2], $0x80, v3, vm0, $0xb8;
	[tilespmem:$0x1B600] =	vst v63  }
0x332: {  	s18 =	simm.s32 $0x2E00  }
0x333: {  	[tilespmem:s18], [sflag:$0x1] =	stream.indirect_vreg.gather [hbm4b:s6+s2], $0x80, v3, vm0, $0xb8;
	[tilespmem:$0x1B600] =	vst v63  }
0x334: {  	v3 =	vld [tilespmem:$0x250];
	_ =	sdelay $0x4  }
0x335: {  	v61 =	vshrl.u32 v3, $0x3  }
0x336: {  	v4 =	vmul.u32 $0x30, v61  }
0x337: {  	v3 =	vand.u32 $0x7, v3  }
0x338: {  	v3 =	vor.u32 v3, v4  }
0x339: {  	v4 =	vperm.xlane v3, v0;
	_ =	sdelay $0x1  }
0x33a: {  	v4 =	vadd.s32 v1, v4;
	_ =	sdelay $0x3  }
0x33b: {  	s18 =	simm.s32 $0x3600;
	v3 =	vperm.xlane v3, v2  }
0x33c: {  	[tilespmem:s18], [sflag:$0x1] =	stream.indirect_vreg.gather [hbm4b:s4+s2], $0x80, v4, vm0, $0xb8;
	[tilespmem:$0x1B600] =	vst v63  }
0x33d: {  	s8 =	simm.s32 $0x3E00;
	v3 =	vadd.s32 v1, v3  }
0x33e: {  	[tilespmem:s8], [sflag:$0x1] =	stream.indirect_vreg.gather [hbm4b:s5+s2], $0x80, v4, vm0, $0xb8;
	[tilespmem:$0x1B600] =	vst v63  }
0x33f: {  	s9 =	simm.s32 $0x4600  }
0x340: {  	[tilespmem:s9], [sflag:$0x1] =	stream.indirect_vreg.gather [hbm4b:s6+s2], $0x80, v4, vm0, $0xb8;
	[tilespmem:$0x1B600] =	vst v63  }
0x341: {  	s10 =	simm.s32 $0x4E00  }
0x342: {  	[tilespmem:s10], [sflag:$0x1] =	stream.indirect_vreg.gather [hbm4b:s4+s2], $0x80, v3, vm0, $0xb8;
	[tilespmem:$0x1B600] =	vst v63  }
0x343: {  	s1 =	simm.s32 $0x5600  }
0x344: {  	[tilespmem:s1], [sflag:$0x1] =	stream.indirect_vreg.gather [hbm4b:s5+s2], $0x80, v3, vm0, $0xb8;
	[tilespmem:$0x1B600] =	vst v63  }
0x345: {  	s18 =	simm.s32 $0x5E00  }
0x346: {  	[tilespmem:s18], [sflag:$0x1] =	stream.indirect_vreg.gather [hbm4b:s6+s2], $0x80, v3, vm0, $0xb8;
	[tilespmem:$0x1B600] =	vst v63  }
0x347: {  	v3 =	vld [tilespmem:$0x260];
	_ =	sdelay $0x4  }
0x348: {  	v62 =	vshrl.u32 v3, $0x3  }
0x349: {  	v4 =	vmul.u32 $0x30, v62  }
0x34a: {  	v3 =	vand.u32 $0x7, v3  }
0x34b: {  	v3 =	vor.u32 v3, v4  }
0x34c: {  	v4 =	vperm.xlane v3, v0;
	_ =	sdelay $0x1  }
0x34d: {  	v4 =	vadd.s32 v1, v4;
	_ =	sdelay $0x3  }
0x34e: {  	s18 =	simm.s32 $0x6600;
	v3 =	vperm.xlane v3, v2  }
0x34f: {  	[tilespmem:s18], [sflag:$0x1] =	stream.indirect_vreg.gather [hbm4b:s4+s2], $0x80, v4, vm0, $0xb8;
	[tilespmem:$0x1B600] =	vst v63  }
0x350: {  	s24 =	simm.s32 $0x6E00;
	v3 =	vadd.s32 v1, v3  }
0x351: {  	[tilespmem:s24], [sflag:$0x1] =	stream.indirect_vreg.gather [hbm4b:s5+s2], $0x80, v4, vm0, $0xb8;
	[tilespmem:$0x1B600] =	vst v63  }
0x352: {  	s22 =	simm.s32 $0x7600  }
0x353: {  	[tilespmem:s22], [sflag:$0x1] =	stream.indirect_vreg.gather [hbm4b:s6+s2], $0x80, v4, vm0, $0xb8;
	[tilespmem:$0x1B600] =	vst v63  }
0x354: {  	s25 =	simm.s32 $0x7E00  }
0x355: {  	[tilespmem:s25], [sflag:$0x1] =	stream.indirect_vreg.gather [hbm4b:s4+s2], $0x80, v3, vm0, $0xb8;
	[tilespmem:$0x1B600] =	vst v63  }
0x356: {  	s26 =	simm.s32 $0x8600  }
0x357: {  	[tilespmem:s26], [sflag:$0x1] =	stream.indirect_vreg.gather [hbm4b:s5+s2], $0x80, v3, vm0, $0xb8;
	[tilespmem:$0x1B600] =	vst v63  }
0x358: {  	s18 =	simm.s32 $0x8E00  }
0x359: {  	[tilespmem:s18], [sflag:$0x1] =	stream.indirect_vreg.gather [hbm4b:s6+s2], $0x80, v3, vm0, $0xb8;
	[tilespmem:$0x1B600] =	vst v63  }
0x35a: {  	v3 =	vld [tilespmem:$0x270];
	_ =	sdelay $0x4  }
0x35b: {  	v63 =	vshrl.u32 v3, $0x3  }
0x35c: {  	v4 =	vmul.u32 $0x30, v63  }
0x35d: {  	v3 =	vand.u32 $0x7, v3  }
0x35e: {  	v3 =	vor.u32 v3, v4  }
0x35f: {  	v4 =	vperm.xlane v3, v0;
	_ =	sdelay $0x1  }
0x360: {  	v4 =	vadd.s32 v1, v4;
	_ =	sdelay $0x3  }
0x361: {  	s18 =	simm.s32 $0x9600;
	v3 =	vperm.xlane v3, v2  }
0x362: {  	[tilespmem:s18], [sflag:$0x1] =	stream.indirect_vreg.gather [hbm4b:s4+s2], $0x80, v4, vm0, $0xb8;
	[tilespmem:$0x1B600] =	vst v63  }
0x363: {  	s28 =	simm.s32 $0x9E00;
	v3 =	vadd.s32 v1, v3  }
0x364: {  	[tilespmem:s28], [sflag:$0x1] =	stream.indirect_vreg.gather [hbm4b:s5+s2], $0x80, v4, vm0, $0xb8;
	[tilespmem:$0x1B600] =	vst v63  }
0x365: {  	s12 =	simm.s32 $0xA600  }
0x366: {  	[tilespmem:s12], [sflag:$0x1] =	stream.indirect_vreg.gather [hbm4b:s6+s2], $0x80, v4, vm0, $0xb8;
	[tilespmem:$0x1B600] =	vst v63  }
0x367: {  	s13 =	simm.s32 $0xAE00  }
0x368: {  	[tilespmem:s13], [sflag:$0x1] =	stream.indirect_vreg.gather [hbm4b:s4+s2], $0x80, v3, vm0, $0xb8;
	[tilespmem:$0x1B600] =	vst v63  }
0x369: {  	s19 =	simm.s32 $0xB600  }
0x36a: {  	[tilespmem:s19], [sflag:$0x1] =	stream.indirect_vreg.gather [hbm4b:s5+s2], $0x80, v3, vm0, $0xb8;
	[tilespmem:$0x1B600] =	vst v63  }
0x36b: {  	s18 =	simm.s32 $0xBE00  }
0x36c: {  	[tilespmem:s18], [sflag:$0x1] =	stream.indirect_vreg.gather [hbm4b:s6+s2], $0x80, v3, vm0, $0xb8;
	[tilespmem:$0x1B600] =	vst v63  }
0x36d: {  	v3 =	vld.msk [tilespmem:$0x280], $0xff;
	_ =	sdelay $0x4  }
0x36e: {  	v8 =	vshrl.u32 v3, $0x3  }
0x36f: {  	v4 =	vmul.u32 $0x30, v8  }
0x370: {  	v3 =	vand.u32 $0x7, v3  }
0x371: {  	v3 =	vor.u32 v3, v4  }
0x372: {  	v3 =	vperm.xlane v3, v0;
	_ =	sdelay $0x1  }
0x373: {  	v3 =	vadd.s32 v1, v3;
	_ =	sdelay $0x3  }
0x374: {  	s20 =	simm.s32 $0xC600  }
0x375: {  	[tilespmem:s20], [sflag:$0x1] =	stream.indirect_vreg.gather [hbm4b:s4+s2], $0x80, v3, vm0, $0xb8;
	[tilespmem:$0x1B600] =	vst v63  }
0x376: {  	s21 =	simm.s32 $0xCE00  }
0x377: {  	[tilespmem:s21], [sflag:$0x1] =	stream.indirect_vreg.gather [hbm4b:s5+s2], $0x80, v3, vm0, $0xb8;
	[tilespmem:$0x1B600] =	vst v63  }
0x378: {  	s18 =	simm.s32 $0xD600  }
0x379: {  	[tilespmem:s18], [sflag:$0x1] =	stream.indirect_vreg.gather [hbm4b:s6+s2], $0x80, v3, vm0, $0xb8;
	[tilespmem:$0x1B600] =	vst v63  }
0x37a: {  	_ =	swait.ge [sflag:s16], $0xD800  }
0x37b: {  	[sflag:s16] =	ssyncset.done $0x0  }
0x37c: {  	s18 =	rddreg [dreg:$0xa];
	[sflag:s16] =	ssyncadd.s32 $0xFFFF2800  }
0x37d: {  	[hbm4b:s18+s2] =	stream.linear.scatter [tilespmem:s11], [sflag:$0x4], $0xD800, $0x38;
	[tilespmem:$0x1B600] =	vst v63  }
0x37e: {  	_ =	swait.ge [sflag:s17], $0xD800  }
0x37f: {  	[sflag:s17] =	ssyncset.done $0x0  }
0x380: {  	[sflag:s17] =	ssyncadd.s32 $0xFFFF2800  }
0x381: {  	v3 =	vld [tilespmem:$0x288];
	_ =	sdelay $0x4  }
0x382: {  	v9 =	vshrl.u32 v3, $0x3  }
0x383: {  	v4 =	vmul.u32 $0x30, v9  }
0x384: {  	v3 =	vand.u32 $0x7, v3  }
0x385: {  	v3 =	vor.u32 v3, v4  }
0x386: {  	v4 =	vperm.xlane v3, v0;
	_ =	sdelay $0x1  }
0x387: {  	v4 =	vadd.s32 v1, v4;
	_ =	sdelay $0x3  }
0x388: {  	v3 =	vperm.xlane v3, v2  }
0x389: {  	[tilespmem:s11], [sflag:$0x2] =	stream.indirect_vreg.gather [hbm4b:s4+s2], $0x80, v4, vm0, $0xb8;
	[tilespmem:$0x1B600] =	vst v63  }
0x38a: {  	s29 =	simm.s32 $0xE600;
	v3 =	vadd.s32 v1, v3  }
0x38b: {  	[tilespmem:s29], [sflag:$0x2] =	stream.indirect_vreg.gather [hbm4b:s5+s2], $0x80, v4, vm0, $0xb8;
	[tilespmem:$0x1B600] =	vst v63  }
0x38c: {  	s30 =	simm.s32 $0xEE00  }
0x38d: {  	[tilespmem:s30], [sflag:$0x2] =	stream.indirect_vreg.gather [hbm4b:s6+s2], $0x80, v4, vm0, $0xb8;
	[tilespmem:$0x1B600] =	vst v63  }
0x38e: {  	s18 =	simm.s32 $0xF600  }
0x38f: {  	[tilespmem:s18], [sflag:$0x2] =	stream.indirect_vreg.gather [hbm4b:s4+s2], $0x80, v3, vm0, $0xb8;
	[tilespmem:$0x1B600] =	vst v63  }
0x390: {  	s18 =	simm.s32 $0xFE00  }
0x391: {  	[tilespmem:s18], [sflag:$0x2] =	stream.indirect_vreg.gather [hbm4b:s5+s2], $0x80, v3, vm0, $0xb8;
	[tilespmem:$0x1B600] =	vst v63  }
0x392: {  	s18 =	simm.s32 $0x10600  }
0x393: {  	[tilespmem:s18], [sflag:$0x2] =	stream.indirect_vreg.gather [hbm4b:s6+s2], $0x80, v3, vm0, $0xb8;
	[tilespmem:$0x1B600] =	vst v63  }
0x394: {  	v3 =	vld [tilespmem:$0x298];
	_ =	sdelay $0x4  }
0x395: {  	v10 =	vshrl.u32 v3, $0x3  }
0x396: {  	v4 =	vmul.u32 $0x30, v10  }
0x397: {  	v3 =	vand.u32 $0x7, v3  }
0x398: {  	v3 =	vor.u32 v3, v4  }
0x399: {  	v4 =	vperm.xlane v3, v0;
	_ =	sdelay $0x1  }
0x39a: {  	v4 =	vadd.s32 v1, v4;
	_ =	sdelay $0x3  }
0x39b: {  	s18 =	simm.s32 $0x10E00;
	v3 =	vperm.xlane v3, v2  }
0x39c: {  	[tilespmem:s18], [sflag:$0x2] =	stream.indirect_vreg.gather [hbm4b:s4+s2], $0x80, v4, vm0, $0xb8;
	[tilespmem:$0x1B600] =	vst v63  }
0x39d: {  	s31 =	simm.s32 $0x11600;
	v3 =	vadd.s32 v1, v3  }
0x39e: {  	[tilespmem:s31], [sflag:$0x2] =	stream.indirect_vreg.gather [hbm4b:s5+s2], $0x80, v4, vm0, $0xb8;
	[tilespmem:$0x1B600] =	vst v63  }
0x39f: {  	s18 =	simm.s32 $0x11E00  }
0x3a0: {  	[tilespmem:s18], [sflag:$0x2] =	stream.indirect_vreg.gather [hbm4b:s6+s2], $0x80, v4, vm0, $0xb8;
	[tilespmem:$0x1B600] =	vst v63  }
0x3a1: {  	s18 =	simm.s32 $0x12600  }
0x3a2: {  	[tilespmem:s18], [sflag:$0x2] =	stream.indirect_vreg.gather [hbm4b:s4+s2], $0x80, v3, vm0, $0xb8;
	[tilespmem:$0x1B600] =	vst v63  }
0x3a3: {  	s18 =	simm.s32 $0x12E00  }
0x3a4: {  	[tilespmem:s18], [sflag:$0x2] =	stream.indirect_vreg.gather [hbm4b:s5+s2], $0x80, v3, vm0, $0xb8;
	[tilespmem:$0x1B600] =	vst v63  }
0x3a5: {  	s18 =	simm.s32 $0x13600  }
0x3a6: {  	[tilespmem:s18], [sflag:$0x2] =	stream.indirect_vreg.gather [hbm4b:s6+s2], $0x80, v3, vm0, $0xb8;
	[tilespmem:$0x1B600] =	vst v63  }
0x3a7: {  	v3 =	vld [tilespmem:$0x2A8];
	_ =	sdelay $0x4  }
0x3a8: {  	v11 =	vshrl.u32 v3, $0x3  }
0x3a9: {  	v4 =	vmul.u32 $0x30, v11  }
0x3aa: {  	v3 =	vand.u32 $0x7, v3  }
0x3ab: {  	v3 =	vor.u32 v3, v4  }
0x3ac: {  	v4 =	vperm.xlane v3, v0;
	_ =	sdelay $0x1  }
0x3ad: {  	v4 =	vadd.s32 v1, v4;
	_ =	sdelay $0x3  }
0x3ae: {  	s18 =	simm.s32 $0x13E00;
	v3 =	vperm.xlane v3, v2  }
0x3af: {  	[tilespmem:s18], [sflag:$0x2] =	stream.indirect_vreg.gather [hbm4b:s4+s2], $0x80, v4, vm0, $0xb8;
	[tilespmem:$0x1B600] =	vst v63  }
0x3b0: {  	v3 =	vadd.s32 v1, v3;
	s18 =	simm.s32 $0x14600  }
0x3b1: {  	[tilespmem:s18], [sflag:$0x2] =	stream.indirect_vreg.gather [hbm4b:s5+s2], $0x80, v4, vm0, $0xb8;
	[tilespmem:$0x1B600] =	vst v63  }
0x3b2: {  	s18 =	simm.s32 $0x14E00  }
0x3b3: {  	[tilespmem:s18], [sflag:$0x2] =	stream.indirect_vreg.gather [hbm4b:s6+s2], $0x80, v4, vm0, $0xb8;
	[tilespmem:$0x1B600] =	vst v63  }
0x3b4: {  	s18 =	simm.s32 $0x15600  }
0x3b5: {  	[tilespmem:s18], [sflag:$0x2] =	stream.indirect_vreg.gather [hbm4b:s4+s2], $0x80, v3, vm0, $0xb8;
	[tilespmem:$0x1B600] =	vst v63  }
0x3b6: {  	s18 =	simm.s32 $0x15E00  }
0x3b7: {  	[tilespmem:s18], [sflag:$0x2] =	stream.indirect_vreg.gather [hbm4b:s5+s2], $0x80, v3, vm0, $0xb8;
	[tilespmem:$0x1B600] =	vst v63  }
0x3b8: {  	s18 =	simm.s32 $0x16600  }
0x3b9: {  	[tilespmem:s18], [sflag:$0x2] =	stream.indirect_vreg.gather [hbm4b:s6+s2], $0x80, v3, vm0, $0xb8;
	[tilespmem:$0x1B600] =	vst v63  }
0x3ba: {  	v3 =	vld [tilespmem:$0x2B8];
	_ =	sdelay $0x4  }
0x3bb: {  	v12 =	vshrl.u32 v3, $0x3  }
0x3bc: {  	v4 =	vmul.u32 $0x30, v12  }
0x3bd: {  	v3 =	vand.u32 $0x7, v3  }
0x3be: {  	v3 =	vor.u32 v3, v4  }
0x3bf: {  	v4 =	vperm.xlane v3, v0;
	_ =	sdelay $0x1  }
0x3c0: {  	v4 =	vadd.s32 v1, v4;
	_ =	sdelay $0x3  }
0x3c1: {  	s18 =	simm.s32 $0x16E00;
	v3 =	vperm.xlane v3, v2  }
0x3c2: {  	[tilespmem:s18], [sflag:$0x2] =	stream.indirect_vreg.gather [hbm4b:s4+s2], $0x80, v4, vm0, $0xb8;
	[tilespmem:$0x1B600] =	vst v63  }
0x3c3: {  	v3 =	vadd.s32 v1, v3;
	s18 =	simm.s32 $0x17600  }
0x3c4: {  	[tilespmem:s18], [sflag:$0x2] =	stream.indirect_vreg.gather [hbm4b:s5+s2], $0x80, v4, vm0, $0xb8;
	[tilespmem:$0x1B600] =	vst v63  }
0x3c5: {  	s18 =	simm.s32 $0x17E00  }
0x3c6: {  	[tilespmem:s18], [sflag:$0x2] =	stream.indirect_vreg.gather [hbm4b:s6+s2], $0x80, v4, vm0, $0xb8;
	[tilespmem:$0x1B600] =	vst v63  }
0x3c7: {  	s18 =	simm.s32 $0x18600  }
0x3c8: {  	[tilespmem:s18], [sflag:$0x2] =	stream.indirect_vreg.gather [hbm4b:s4+s2], $0x80, v3, vm0, $0xb8;
	[tilespmem:$0x1B600] =	vst v63  }
0x3c9: {  	s18 =	simm.s32 $0x18E00  }
0x3ca: {  	[tilespmem:s18], [sflag:$0x2] =	stream.indirect_vreg.gather [hbm4b:s5+s2], $0x80, v3, vm0, $0xb8;
	[tilespmem:$0x1B600] =	vst v63  }
0x3cb: {  	s18 =	simm.s32 $0x19600  }
0x3cc: {  	[tilespmem:s18], [sflag:$0x2] =	stream.indirect_vreg.gather [hbm4b:s6+s2], $0x80, v3, vm0, $0xb8;
	[tilespmem:$0x1B600] =	vst v63  }
0x3cd: {  	v3 =	vld.msk [tilespmem:$0x2C8], $0xff;
	_ =	sdelay $0x4  }
0x3ce: {  	v13 =	vshrl.u32 v3, $0x3  }
0x3cf: {  	v4 =	vmul.u32 $0x30, v13  }
0x3d0: {  	v3 =	vand.u32 $0x7, v3  }
0x3d1: {  	v3 =	vor.u32 v3, v4  }
0x3d2: {  	v3 =	vperm.xlane v3, v0;
	_ =	sdelay $0x1  }
0x3d3: {  	v3 =	vadd.s32 v1, v3;
	_ =	sdelay $0x3  }
0x3d4: {  	s18 =	simm.s32 $0x19E00  }
0x3d5: {  	[tilespmem:s18], [sflag:$0x2] =	stream.indirect_vreg.gather [hbm4b:s4+s2], $0x80, v3, vm0, $0xb8;
	[tilespmem:$0x1B600] =	vst v63  }
0x3d6: {  	s18 =	simm.s32 $0x1A600  }
0x3d7: {  	[tilespmem:s18], [sflag:$0x2] =	stream.indirect_vreg.gather [hbm4b:s5+s2], $0x80, v3, vm0, $0xb8;
	[tilespmem:$0x1B600] =	vst v63  }
0x3d8: {  	s18 =	simm.s32 $0x1AE00  }
0x3d9: {  	[tilespmem:s18], [sflag:$0x2] =	stream.indirect_vreg.gather [hbm4b:s6+s2], $0x80, v3, vm0, $0xb8;
	[tilespmem:$0x1B600] =	vst v63  }
0x3da: {  	_ =	swait.ge [sflag:s14], $0xD800  }
0x3db: {  	[sflag:s14] =	ssyncset.done $0x0  }
0x3dc: {  	s18 =	rddreg [dreg:$0xb];
	[sflag:s14] =	ssyncadd.s32 $0xFFFF2800  }
0x3dd: {  	[hbm4b:s18+s2] =	stream.linear.scatter [tilespmem:s23], [sflag:$0x3], $0xD800, $0x38;
	[tilespmem:$0x1B600] =	vst v63  }
0x3de: {  	_ =	swait.ge [sflag:s15], $0xD800  }
0x3df: {  	[sflag:s15] =	ssyncset.done $0x0  }
0x3e0: {  	[sflag:s15] =	ssyncadd.s32 $0xFFFF2800  }
0x3e1: {  	v3 =	vld [tilespmem:$0x2D0];
	_ =	sdelay $0x4  }
0x3e2: {  	v14 =	vshrl.u32 v3, $0x3  }
0x3e3: {  	v4 =	vmul.u32 $0x30, v14  }
0x3e4: {  	v3 =	vand.u32 $0x7, v3  }
0x3e5: {  	v3 =	vor.u32 v3, v4  }
0x3e6: {  	v4 =	vperm.xlane v3, v0;
	_ =	sdelay $0x1  }
0x3e7: {  	v4 =	vadd.s32 v1, v4;
	_ =	sdelay $0x3  }
0x3e8: {  	v3 =	vperm.xlane v3, v2  }
0x3e9: {  	[tilespmem:s23], [sflag:$0x1] =	stream.indirect_vreg.gather [hbm4b:s4+s2], $0x80, v4, vm0, $0xb8;
	[tilespmem:$0x1B600] =	vst v63  }
0x3ea: {  	s18 =	simm.s32 $0xE00;
	v3 =	vadd.s32 v1, v3  }
0x3eb: {  	[tilespmem:s18], [sflag:$0x1] =	stream.indirect_vreg.gather [hbm4b:s5+s2], $0x80, v4, vm0, $0xb8;
	[tilespmem:$0x1B600] =	vst v63  }
0x3ec: {  	s0 =	simm.s32 $0x1600  }
0x3ed: {  	[tilespmem:s0], [sflag:$0x1] =	stream.indirect_vreg.gather [hbm4b:s6+s2], $0x80, v4, vm0, $0xb8;
	[tilespmem:$0x1B600] =	vst v63  }
0x3ee: {  	s3 =	simm.s32 $0x1E00  }
0x3ef: {  	[tilespmem:s3], [sflag:$0x1] =	stream.indirect_vreg.gather [hbm4b:s4+s2], $0x80, v3, vm0, $0xb8;
	[tilespmem:$0x1B600] =	vst v63  }
0x3f0: {  	s7 =	simm.s32 $0x2600  }
0x3f1: {  	[tilespmem:s7], [sflag:$0x1] =	stream.indirect_vreg.gather [hbm4b:s5+s2], $0x80, v3, vm0, $0xb8;
	[tilespmem:$0x1B600] =	vst v63  }
0x3f2: {  	s18 =	simm.s32 $0x2E00  }
0x3f3: {  	[tilespmem:s18], [sflag:$0x1] =	stream.indirect_vreg.gather [hbm4b:s6+s2], $0x80, v3, vm0, $0xb8;
	[tilespmem:$0x1B600] =	vst v63  }
0x3f4: {  	v3 =	vld [tilespmem:$0x2E0];
	_ =	sdelay $0x4  }
0x3f5: {  	v15 =	vshrl.u32 v3, $0x3  }
0x3f6: {  	v4 =	vmul.u32 $0x30, v15  }
0x3f7: {  	v3 =	vand.u32 $0x7, v3  }
0x3f8: {  	v3 =	vor.u32 v3, v4  }
0x3f9: {  	v4 =	vperm.xlane v3, v0;
	_ =	sdelay $0x1  }
0x3fa: {  	v4 =	vadd.s32 v1, v4;
	_ =	sdelay $0x3  }
0x3fb: {  	s18 =	simm.s32 $0x3600;
	v3 =	vperm.xlane v3, v2  }
0x3fc: {  	[tilespmem:s18], [sflag:$0x1] =	stream.indirect_vreg.gather [hbm4b:s4+s2], $0x80, v4, vm0, $0xb8;
	[tilespmem:$0x1B600] =	vst v63  }
0x3fd: {  	s8 =	simm.s32 $0x3E00;
	v3 =	vadd.s32 v1, v3  }
0x3fe: {  	[tilespmem:s8], [sflag:$0x1] =	stream.indirect_vreg.gather [hbm4b:s5+s2], $0x80, v4, vm0, $0xb8;
	[tilespmem:$0x1B600] =	vst v63  }
0x3ff: {  	s9 =	simm.s32 $0x4600  }
0x400: {  	[tilespmem:s9], [sflag:$0x1] =	stream.indirect_vreg.gather [hbm4b:s6+s2], $0x80, v4, vm0, $0xb8;
	[tilespmem:$0x1B600] =	vst v63  }
0x401: {  	s10 =	simm.s32 $0x4E00  }
0x402: {  	[tilespmem:s10], [sflag:$0x1] =	stream.indirect_vreg.gather [hbm4b:s4+s2], $0x80, v3, vm0, $0xb8;
	[tilespmem:$0x1B600] =	vst v63  }
0x403: {  	s1 =	simm.s32 $0x5600  }
0x404: {  	[tilespmem:s1], [sflag:$0x1] =	stream.indirect_vreg.gather [hbm4b:s5+s2], $0x80, v3, vm0, $0xb8;
	[tilespmem:$0x1B600] =	vst v63  }
0x405: {  	s18 =	simm.s32 $0x5E00  }
0x406: {  	[tilespmem:s18], [sflag:$0x1] =	stream.indirect_vreg.gather [hbm4b:s6+s2], $0x80, v3, vm0, $0xb8;
	[tilespmem:$0x1B600] =	vst v63  }
0x407: {  	v3 =	vld [tilespmem:$0x2F0];
	_ =	sdelay $0x4  }
0x408: {  	v16 =	vshrl.u32 v3, $0x3  }
0x409: {  	v4 =	vmul.u32 $0x30, v16  }
0x40a: {  	v3 =	vand.u32 $0x7, v3  }
0x40b: {  	v3 =	vor.u32 v3, v4  }
0x40c: {  	v4 =	vperm.xlane v3, v0;
	_ =	sdelay $0x1  }
0x40d: {  	v4 =	vadd.s32 v1, v4;
	_ =	sdelay $0x3  }
0x40e: {  	s18 =	simm.s32 $0x6600;
	v3 =	vperm.xlane v3, v2  }
0x40f: {  	[tilespmem:s18], [sflag:$0x1] =	stream.indirect_vreg.gather [hbm4b:s4+s2], $0x80, v4, vm0, $0xb8;
	[tilespmem:$0x1B600] =	vst v63  }
0x410: {  	s24 =	simm.s32 $0x6E00;
	v3 =	vadd.s32 v1, v3  }
0x411: {  	[tilespmem:s24], [sflag:$0x1] =	stream.indirect_vreg.gather [hbm4b:s5+s2], $0x80, v4, vm0, $0xb8;
	[tilespmem:$0x1B600] =	vst v63  }
0x412: {  	s22 =	simm.s32 $0x7600  }
0x413: {  	[tilespmem:s22], [sflag:$0x1] =	stream.indirect_vreg.gather [hbm4b:s6+s2], $0x80, v4, vm0, $0xb8;
	[tilespmem:$0x1B600] =	vst v63  }
0x414: {  	s25 =	simm.s32 $0x7E00  }
0x415: {  	[tilespmem:s25], [sflag:$0x1] =	stream.indirect_vreg.gather [hbm4b:s4+s2], $0x80, v3, vm0, $0xb8;
	[tilespmem:$0x1B600] =	vst v63  }
0x416: {  	s26 =	simm.s32 $0x8600  }
0x417: {  	[tilespmem:s26], [sflag:$0x1] =	stream.indirect_vreg.gather [hbm4b:s5+s2], $0x80, v3, vm0, $0xb8;
	[tilespmem:$0x1B600] =	vst v63  }
0x418: {  	s18 =	simm.s32 $0x8E00  }
0x419: {  	[tilespmem:s18], [sflag:$0x1] =	stream.indirect_vreg.gather [hbm4b:s6+s2], $0x80, v3, vm0, $0xb8;
	[tilespmem:$0x1B600] =	vst v63  }
0x41a: {  	v3 =	vld [tilespmem:$0x300];
	_ =	sdelay $0x4  }
0x41b: {  	v17 =	vshrl.u32 v3, $0x3  }
0x41c: {  	v4 =	vmul.u32 $0x30, v17  }
0x41d: {  	v3 =	vand.u32 $0x7, v3  }
0x41e: {  	v3 =	vor.u32 v3, v4  }
0x41f: {  	v4 =	vperm.xlane v3, v0;
	_ =	sdelay $0x1  }
0x420: {  	v4 =	vadd.s32 v1, v4;
	_ =	sdelay $0x3  }
0x421: {  	s18 =	simm.s32 $0x9600;
	v3 =	vperm.xlane v3, v2  }
0x422: {  	[tilespmem:s18], [sflag:$0x1] =	stream.indirect_vreg.gather [hbm4b:s4+s2], $0x80, v4, vm0, $0xb8;
	[tilespmem:$0x1B600] =	vst v63  }
0x423: {  	s28 =	simm.s32 $0x9E00;
	v3 =	vadd.s32 v1, v3  }
0x424: {  	[tilespmem:s28], [sflag:$0x1] =	stream.indirect_vreg.gather [hbm4b:s5+s2], $0x80, v4, vm0, $0xb8;
	[tilespmem:$0x1B600] =	vst v63  }
0x425: {  	s12 =	simm.s32 $0xA600  }
0x426: {  	[tilespmem:s12], [sflag:$0x1] =	stream.indirect_vreg.gather [hbm4b:s6+s2], $0x80, v4, vm0, $0xb8;
	[tilespmem:$0x1B600] =	vst v63  }
0x427: {  	s13 =	simm.s32 $0xAE00  }
0x428: {  	[tilespmem:s13], [sflag:$0x1] =	stream.indirect_vreg.gather [hbm4b:s4+s2], $0x80, v3, vm0, $0xb8;
	[tilespmem:$0x1B600] =	vst v63  }
0x429: {  	s19 =	simm.s32 $0xB600  }
0x42a: {  	[tilespmem:s19], [sflag:$0x1] =	stream.indirect_vreg.gather [hbm4b:s5+s2], $0x80, v3, vm0, $0xb8;
	[tilespmem:$0x1B600] =	vst v63  }
0x42b: {  	s18 =	simm.s32 $0xBE00  }
0x42c: {  	[tilespmem:s18], [sflag:$0x1] =	stream.indirect_vreg.gather [hbm4b:s6+s2], $0x80, v3, vm0, $0xb8;
	[tilespmem:$0x1B600] =	vst v63  }
0x42d: {  	v3 =	vld.msk [tilespmem:$0x310], $0xff;
	_ =	sdelay $0x4  }
0x42e: {  	v18 =	vshrl.u32 v3, $0x3  }
0x42f: {  	v4 =	vmul.u32 $0x30, v18  }
0x430: {  	v3 =	vand.u32 $0x7, v3  }
0x431: {  	v3 =	vor.u32 v3, v4  }
0x432: {  	v3 =	vperm.xlane v3, v0;
	_ =	sdelay $0x1  }
0x433: {  	v3 =	vadd.s32 v1, v3;
	_ =	sdelay $0x3  }
0x434: {  	s20 =	simm.s32 $0xC600  }
0x435: {  	[tilespmem:s20], [sflag:$0x1] =	stream.indirect_vreg.gather [hbm4b:s4+s2], $0x80, v3, vm0, $0xb8;
	[tilespmem:$0x1B600] =	vst v63  }
0x436: {  	s21 =	simm.s32 $0xCE00  }
0x437: {  	[tilespmem:s21], [sflag:$0x1] =	stream.indirect_vreg.gather [hbm4b:s5+s2], $0x80, v3, vm0, $0xb8;
	[tilespmem:$0x1B600] =	vst v63  }
0x438: {  	s18 =	simm.s32 $0xD600  }
0x439: {  	[tilespmem:s18], [sflag:$0x1] =	stream.indirect_vreg.gather [hbm4b:s6+s2], $0x80, v3, vm0, $0xb8;
	[tilespmem:$0x1B600] =	vst v63  }
0x43a: {  	_ =	swait.ge [sflag:s16], $0xD800  }
0x43b: {  	[sflag:s16] =	ssyncset.done $0x0  }
0x43c: {  	s18 =	rddreg [dreg:$0xc];
	[sflag:s16] =	ssyncadd.s32 $0xFFFF2800  }
0x43d: {  	[hbm4b:s18+s2] =	stream.linear.scatter [tilespmem:s11], [sflag:$0x4], $0xD800, $0x38;
	[tilespmem:$0x1B600] =	vst v63  }
0x43e: {  	_ =	swait.ge [sflag:s17], $0xD800  }
0x43f: {  	[sflag:s17] =	ssyncset.done $0x0  }
0x440: {  	[sflag:s17] =	ssyncadd.s32 $0xFFFF2800  }
0x441: {  	v3 =	vld [tilespmem:$0x318];
	_ =	sdelay $0x4  }
0x442: {  	v19 =	vshrl.u32 v3, $0x3  }
0x443: {  	v4 =	vmul.u32 $0x30, v19  }
0x444: {  	v3 =	vand.u32 $0x7, v3  }
0x445: {  	v3 =	vor.u32 v3, v4  }
0x446: {  	v4 =	vperm.xlane v3, v0;
	_ =	sdelay $0x1  }
0x447: {  	v4 =	vadd.s32 v1, v4;
	_ =	sdelay $0x3  }
0x448: {  	v3 =	vperm.xlane v3, v2  }
0x449: {  	[tilespmem:s11], [sflag:$0x2] =	stream.indirect_vreg.gather [hbm4b:s4+s2], $0x80, v4, vm0, $0xb8;
	[tilespmem:$0x1B600] =	vst v63  }
0x44a: {  	s29 =	simm.s32 $0xE600;
	v3 =	vadd.s32 v1, v3  }
0x44b: {  	[tilespmem:s29], [sflag:$0x2] =	stream.indirect_vreg.gather [hbm4b:s5+s2], $0x80, v4, vm0, $0xb8;
	[tilespmem:$0x1B600] =	vst v63  }
0x44c: {  	s30 =	simm.s32 $0xEE00  }
0x44d: {  	[tilespmem:s30], [sflag:$0x2] =	stream.indirect_vreg.gather [hbm4b:s6+s2], $0x80, v4, vm0, $0xb8;
	[tilespmem:$0x1B600] =	vst v63  }
0x44e: {  	s18 =	simm.s32 $0xF600  }
0x44f: {  	[tilespmem:s18], [sflag:$0x2] =	stream.indirect_vreg.gather [hbm4b:s4+s2], $0x80, v3, vm0, $0xb8;
	[tilespmem:$0x1B600] =	vst v63  }
0x450: {  	s18 =	simm.s32 $0xFE00  }
0x451: {  	[tilespmem:s18], [sflag:$0x2] =	stream.indirect_vreg.gather [hbm4b:s5+s2], $0x80, v3, vm0, $0xb8;
	[tilespmem:$0x1B600] =	vst v63  }
0x452: {  	s18 =	simm.s32 $0x10600  }
0x453: {  	[tilespmem:s18], [sflag:$0x2] =	stream.indirect_vreg.gather [hbm4b:s6+s2], $0x80, v3, vm0, $0xb8;
	[tilespmem:$0x1B600] =	vst v63  }
0x454: {  	v3 =	vld [tilespmem:$0x328];
	_ =	sdelay $0x4  }
0x455: {  	v20 =	vshrl.u32 v3, $0x3  }
0x456: {  	v4 =	vmul.u32 $0x30, v20  }
0x457: {  	v3 =	vand.u32 $0x7, v3  }
0x458: {  	v3 =	vor.u32 v3, v4  }
0x459: {  	v4 =	vperm.xlane v3, v0;
	_ =	sdelay $0x1  }
0x45a: {  	v4 =	vadd.s32 v1, v4;
	_ =	sdelay $0x3  }
0x45b: {  	s18 =	simm.s32 $0x10E00;
	v3 =	vperm.xlane v3, v2  }
0x45c: {  	[tilespmem:s18], [sflag:$0x2] =	stream.indirect_vreg.gather [hbm4b:s4+s2], $0x80, v4, vm0, $0xb8;
	[tilespmem:$0x1B600] =	vst v63  }
0x45d: {  	s31 =	simm.s32 $0x11600;
	v3 =	vadd.s32 v1, v3  }
0x45e: {  	[tilespmem:s31], [sflag:$0x2] =	stream.indirect_vreg.gather [hbm4b:s5+s2], $0x80, v4, vm0, $0xb8;
	[tilespmem:$0x1B600] =	vst v63  }
0x45f: {  	s18 =	simm.s32 $0x11E00  }
0x460: {  	[tilespmem:s18], [sflag:$0x2] =	stream.indirect_vreg.gather [hbm4b:s6+s2], $0x80, v4, vm0, $0xb8;
	[tilespmem:$0x1B600] =	vst v63  }
0x461: {  	s18 =	simm.s32 $0x12600  }
0x462: {  	[tilespmem:s18], [sflag:$0x2] =	stream.indirect_vreg.gather [hbm4b:s4+s2], $0x80, v3, vm0, $0xb8;
	[tilespmem:$0x1B600] =	vst v63  }
0x463: {  	s18 =	simm.s32 $0x12E00  }
0x464: {  	[tilespmem:s18], [sflag:$0x2] =	stream.indirect_vreg.gather [hbm4b:s5+s2], $0x80, v3, vm0, $0xb8;
	[tilespmem:$0x1B600] =	vst v63  }
0x465: {  	s18 =	simm.s32 $0x13600  }
0x466: {  	[tilespmem:s18], [sflag:$0x2] =	stream.indirect_vreg.gather [hbm4b:s6+s2], $0x80, v3, vm0, $0xb8;
	[tilespmem:$0x1B600] =	vst v63  }
0x467: {  	v3 =	vld [tilespmem:$0x338];
	_ =	sdelay $0x4  }
0x468: {  	v21 =	vshrl.u32 v3, $0x3  }
0x469: {  	v4 =	vmul.u32 $0x30, v21  }
0x46a: {  	v3 =	vand.u32 $0x7, v3  }
0x46b: {  	v3 =	vor.u32 v3, v4  }
0x46c: {  	v4 =	vperm.xlane v3, v0;
	_ =	sdelay $0x1  }
0x46d: {  	v4 =	vadd.s32 v1, v4;
	_ =	sdelay $0x3  }
0x46e: {  	s18 =	simm.s32 $0x13E00;
	v3 =	vperm.xlane v3, v2  }
0x46f: {  	[tilespmem:s18], [sflag:$0x2] =	stream.indirect_vreg.gather [hbm4b:s4+s2], $0x80, v4, vm0, $0xb8;
	[tilespmem:$0x1B600] =	vst v63  }
0x470: {  	v3 =	vadd.s32 v1, v3;
	s18 =	simm.s32 $0x14600  }
0x471: {  	[tilespmem:s18], [sflag:$0x2] =	stream.indirect_vreg.gather [hbm4b:s5+s2], $0x80, v4, vm0, $0xb8;
	[tilespmem:$0x1B600] =	vst v63  }
0x472: {  	s18 =	simm.s32 $0x14E00  }
0x473: {  	[tilespmem:s18], [sflag:$0x2] =	stream.indirect_vreg.gather [hbm4b:s6+s2], $0x80, v4, vm0, $0xb8;
	[tilespmem:$0x1B600] =	vst v63  }
0x474: {  	s18 =	simm.s32 $0x15600  }
0x475: {  	[tilespmem:s18], [sflag:$0x2] =	stream.indirect_vreg.gather [hbm4b:s4+s2], $0x80, v3, vm0, $0xb8;
	[tilespmem:$0x1B600] =	vst v63  }
0x476: {  	s18 =	simm.s32 $0x15E00  }
0x477: {  	[tilespmem:s18], [sflag:$0x2] =	stream.indirect_vreg.gather [hbm4b:s5+s2], $0x80, v3, vm0, $0xb8;
	[tilespmem:$0x1B600] =	vst v63  }
0x478: {  	s18 =	simm.s32 $0x16600  }
0x479: {  	[tilespmem:s18], [sflag:$0x2] =	stream.indirect_vreg.gather [hbm4b:s6+s2], $0x80, v3, vm0, $0xb8;
	[tilespmem:$0x1B600] =	vst v63  }
0x47a: {  	v3 =	vld [tilespmem:$0x348];
	_ =	sdelay $0x4  }
0x47b: {  	v22 =	vshrl.u32 v3, $0x3  }
0x47c: {  	v4 =	vmul.u32 $0x30, v22  }
0x47d: {  	v3 =	vand.u32 $0x7, v3  }
0x47e: {  	v3 =	vor.u32 v3, v4  }
0x47f: {  	v4 =	vperm.xlane v3, v0;
	_ =	sdelay $0x1  }
0x480: {  	v4 =	vadd.s32 v1, v4;
	_ =	sdelay $0x3  }
0x481: {  	s18 =	simm.s32 $0x16E00;
	v3 =	vperm.xlane v3, v2  }
0x482: {  	[tilespmem:s18], [sflag:$0x2] =	stream.indirect_vreg.gather [hbm4b:s4+s2], $0x80, v4, vm0, $0xb8;
	[tilespmem:$0x1B600] =	vst v63  }
0x483: {  	v3 =	vadd.s32 v1, v3;
	s18 =	simm.s32 $0x17600  }
0x484: {  	[tilespmem:s18], [sflag:$0x2] =	stream.indirect_vreg.gather [hbm4b:s5+s2], $0x80, v4, vm0, $0xb8;
	[tilespmem:$0x1B600] =	vst v63  }
0x485: {  	s18 =	simm.s32 $0x17E00  }
0x486: {  	[tilespmem:s18], [sflag:$0x2] =	stream.indirect_vreg.gather [hbm4b:s6+s2], $0x80, v4, vm0, $0xb8;
	[tilespmem:$0x1B600] =	vst v63  }
0x487: {  	s18 =	simm.s32 $0x18600  }
0x488: {  	[tilespmem:s18], [sflag:$0x2] =	stream.indirect_vreg.gather [hbm4b:s4+s2], $0x80, v3, vm0, $0xb8;
	[tilespmem:$0x1B600] =	vst v63  }
0x489: {  	s18 =	simm.s32 $0x18E00  }
0x48a: {  	[tilespmem:s18], [sflag:$0x2] =	stream.indirect_vreg.gather [hbm4b:s5+s2], $0x80, v3, vm0, $0xb8;
	[tilespmem:$0x1B600] =	vst v63  }
0x48b: {  	s18 =	simm.s32 $0x19600  }
0x48c: {  	[tilespmem:s18], [sflag:$0x2] =	stream.indirect_vreg.gather [hbm4b:s6+s2], $0x80, v3, vm0, $0xb8;
	[tilespmem:$0x1B600] =	vst v63  }
0x48d: {  	v3 =	vld.msk [tilespmem:$0x358], $0xff;
	_ =	sdelay $0x4  }
0x48e: {  	v23 =	vshrl.u32 v3, $0x3  }
0x48f: {  	v4 =	vmul.u32 $0x30, v23  }
0x490: {  	v3 =	vand.u32 $0x7, v3  }
0x491: {  	v3 =	vor.u32 v3, v4  }
0x492: {  	v3 =	vperm.xlane v3, v0;
	_ =	sdelay $0x1  }
0x493: {  	v3 =	vadd.s32 v1, v3;
	_ =	sdelay $0x3  }
0x494: {  	s18 =	simm.s32 $0x19E00  }
0x495: {  	[tilespmem:s18], [sflag:$0x2] =	stream.indirect_vreg.gather [hbm4b:s4+s2], $0x80, v3, vm0, $0xb8;
	[tilespmem:$0x1B600] =	vst v63  }
0x496: {  	s18 =	simm.s32 $0x1A600  }
0x497: {  	[tilespmem:s18], [sflag:$0x2] =	stream.indirect_vreg.gather [hbm4b:s5+s2], $0x80, v3, vm0, $0xb8;
	[tilespmem:$0x1B600] =	vst v63  }
0x498: {  	s18 =	simm.s32 $0x1AE00  }
0x499: {  	[tilespmem:s18], [sflag:$0x2] =	stream.indirect_vreg.gather [hbm4b:s6+s2], $0x80, v3, vm0, $0xb8;
	[tilespmem:$0x1B600] =	vst v63  }
0x49a: {  	_ =	swait.ge [sflag:s14], $0xD800  }
0x49b: {  	[sflag:s14] =	ssyncset.done $0x0  }
0x49c: {  	s18 =	rddreg [dreg:$0xd];
	[sflag:s14] =	ssyncadd.s32 $0xFFFF2800  }
0x49d: {  	[hbm4b:s18+s2] =	stream.linear.scatter [tilespmem:s23], [sflag:$0x3], $0xD800, $0x38;
	[tilespmem:$0x1B600] =	vst v63  }
0x49e: {  	_ =	swait.ge [sflag:s15], $0xD800  }
0x49f: {  	[sflag:s15] =	ssyncset.done $0x0  }
0x4a0: {  	[sflag:s15] =	ssyncadd.s32 $0xFFFF2800  }
0x4a1: {  	v3 =	vld [tilespmem:$0x360];
	_ =	sdelay $0x4  }
0x4a2: {  	v24 =	vshrl.u32 v3, $0x3  }
0x4a3: {  	v4 =	vmul.u32 $0x30, v24  }
0x4a4: {  	v3 =	vand.u32 $0x7, v3  }
0x4a5: {  	v3 =	vor.u32 v3, v4  }
0x4a6: {  	v4 =	vperm.xlane v3, v0;
	_ =	sdelay $0x1  }
0x4a7: {  	v4 =	vadd.s32 v1, v4;
	_ =	sdelay $0x3  }
0x4a8: {  	v3 =	vperm.xlane v3, v2  }
0x4a9: {  	[tilespmem:s23], [sflag:$0x1] =	stream.indirect_vreg.gather [hbm4b:s4+s2], $0x80, v4, vm0, $0xb8;
	[tilespmem:$0x1B600] =	vst v63  }
0x4aa: {  	s18 =	simm.s32 $0xE00;
	v3 =	vadd.s32 v1, v3  }
0x4ab: {  	[tilespmem:s18], [sflag:$0x1] =	stream.indirect_vreg.gather [hbm4b:s5+s2], $0x80, v4, vm0, $0xb8;
	[tilespmem:$0x1B600] =	vst v63  }
0x4ac: {  	s0 =	simm.s32 $0x1600  }
0x4ad: {  	[tilespmem:s0], [sflag:$0x1] =	stream.indirect_vreg.gather [hbm4b:s6+s2], $0x80, v4, vm0, $0xb8;
	[tilespmem:$0x1B600] =	vst v63  }
0x4ae: {  	s3 =	simm.s32 $0x1E00  }
0x4af: {  	[tilespmem:s3], [sflag:$0x1] =	stream.indirect_vreg.gather [hbm4b:s4+s2], $0x80, v3, vm0, $0xb8;
	[tilespmem:$0x1B600] =	vst v63  }
0x4b0: {  	s7 =	simm.s32 $0x2600  }
0x4b1: {  	[tilespmem:s7], [sflag:$0x1] =	stream.indirect_vreg.gather [hbm4b:s5+s2], $0x80, v3, vm0, $0xb8;
	[tilespmem:$0x1B600] =	vst v63  }
0x4b2: {  	s18 =	simm.s32 $0x2E00  }
0x4b3: {  	[tilespmem:s18], [sflag:$0x1] =	stream.indirect_vreg.gather [hbm4b:s6+s2], $0x80, v3, vm0, $0xb8;
	[tilespmem:$0x1B600] =	vst v63  }
0x4b4: {  	v3 =	vld [tilespmem:$0x370];
	_ =	sdelay $0x4  }
0x4b5: {  	v25 =	vshrl.u32 v3, $0x3  }
0x4b6: {  	v4 =	vmul.u32 $0x30, v25  }
0x4b7: {  	v3 =	vand.u32 $0x7, v3  }
0x4b8: {  	v3 =	vor.u32 v3, v4  }
0x4b9: {  	v4 =	vperm.xlane v3, v0;
	_ =	sdelay $0x1  }
0x4ba: {  	v4 =	vadd.s32 v1, v4;
	_ =	sdelay $0x3  }
0x4bb: {  	s18 =	simm.s32 $0x3600;
	v3 =	vperm.xlane v3, v2  }
0x4bc: {  	[tilespmem:s18], [sflag:$0x1] =	stream.indirect_vreg.gather [hbm4b:s4+s2], $0x80, v4, vm0, $0xb8;
	[tilespmem:$0x1B600] =	vst v63  }
0x4bd: {  	s8 =	simm.s32 $0x3E00;
	v3 =	vadd.s32 v1, v3  }
0x4be: {  	[tilespmem:s8], [sflag:$0x1] =	stream.indirect_vreg.gather [hbm4b:s5+s2], $0x80, v4, vm0, $0xb8;
	[tilespmem:$0x1B600] =	vst v63  }
0x4bf: {  	s9 =	simm.s32 $0x4600  }
0x4c0: {  	[tilespmem:s9], [sflag:$0x1] =	stream.indirect_vreg.gather [hbm4b:s6+s2], $0x80, v4, vm0, $0xb8;
	[tilespmem:$0x1B600] =	vst v63  }
0x4c1: {  	s10 =	simm.s32 $0x4E00  }
0x4c2: {  	[tilespmem:s10], [sflag:$0x1] =	stream.indirect_vreg.gather [hbm4b:s4+s2], $0x80, v3, vm0, $0xb8;
	[tilespmem:$0x1B600] =	vst v63  }
0x4c3: {  	s1 =	simm.s32 $0x5600  }
0x4c4: {  	[tilespmem:s1], [sflag:$0x1] =	stream.indirect_vreg.gather [hbm4b:s5+s2], $0x80, v3, vm0, $0xb8;
	[tilespmem:$0x1B600] =	vst v63  }
0x4c5: {  	s18 =	simm.s32 $0x5E00  }
0x4c6: {  	[tilespmem:s18], [sflag:$0x1] =	stream.indirect_vreg.gather [hbm4b:s6+s2], $0x80, v3, vm0, $0xb8;
	[tilespmem:$0x1B600] =	vst v63  }
0x4c7: {  	v3 =	vld [tilespmem:$0x380];
	_ =	sdelay $0x4  }
0x4c8: {  	v26 =	vshrl.u32 v3, $0x3  }
0x4c9: {  	v4 =	vmul.u32 $0x30, v26  }
0x4ca: {  	v3 =	vand.u32 $0x7, v3  }
0x4cb: {  	v3 =	vor.u32 v3, v4  }
0x4cc: {  	v4 =	vperm.xlane v3, v0;
	_ =	sdelay $0x1  }
0x4cd: {  	v4 =	vadd.s32 v1, v4;
	_ =	sdelay $0x3  }
0x4ce: {  	s18 =	simm.s32 $0x6600;
	v3 =	vperm.xlane v3, v2  }
0x4cf: {  	[tilespmem:s18], [sflag:$0x1] =	stream.indirect_vreg.gather [hbm4b:s4+s2], $0x80, v4, vm0, $0xb8;
	[tilespmem:$0x1B600] =	vst v63  }
0x4d0: {  	s24 =	simm.s32 $0x6E00;
	v3 =	vadd.s32 v1, v3  }
0x4d1: {  	[tilespmem:s24], [sflag:$0x1] =	stream.indirect_vreg.gather [hbm4b:s5+s2], $0x80, v4, vm0, $0xb8;
	[tilespmem:$0x1B600] =	vst v63  }
0x4d2: {  	s22 =	simm.s32 $0x7600  }
0x4d3: {  	[tilespmem:s22], [sflag:$0x1] =	stream.indirect_vreg.gather [hbm4b:s6+s2], $0x80, v4, vm0, $0xb8;
	[tilespmem:$0x1B600] =	vst v63  }
0x4d4: {  	s25 =	simm.s32 $0x7E00  }
0x4d5: {  	[tilespmem:s25], [sflag:$0x1] =	stream.indirect_vreg.gather [hbm4b:s4+s2], $0x80, v3, vm0, $0xb8;
	[tilespmem:$0x1B600] =	vst v63  }
0x4d6: {  	s26 =	simm.s32 $0x8600  }
0x4d7: {  	[tilespmem:s26], [sflag:$0x1] =	stream.indirect_vreg.gather [hbm4b:s5+s2], $0x80, v3, vm0, $0xb8;
	[tilespmem:$0x1B600] =	vst v63  }
0x4d8: {  	s18 =	simm.s32 $0x8E00  }
0x4d9: {  	[tilespmem:s18], [sflag:$0x1] =	stream.indirect_vreg.gather [hbm4b:s6+s2], $0x80, v3, vm0, $0xb8;
	[tilespmem:$0x1B600] =	vst v63  }
0x4da: {  	v3 =	vld [tilespmem:$0x390];
	_ =	sdelay $0x4  }
0x4db: {  	v27 =	vshrl.u32 v3, $0x3  }
0x4dc: {  	v4 =	vmul.u32 $0x30, v27  }
0x4dd: {  	v3 =	vand.u32 $0x7, v3  }
0x4de: {  	v3 =	vor.u32 v3, v4  }
0x4df: {  	v4 =	vperm.xlane v3, v0;
	_ =	sdelay $0x1  }
0x4e0: {  	v4 =	vadd.s32 v1, v4;
	_ =	sdelay $0x3  }
0x4e1: {  	s18 =	simm.s32 $0x9600;
	v3 =	vperm.xlane v3, v2  }
0x4e2: {  	[tilespmem:s18], [sflag:$0x1] =	stream.indirect_vreg.gather [hbm4b:s4+s2], $0x80, v4, vm0, $0xb8;
	[tilespmem:$0x1B600] =	vst v63  }
0x4e3: {  	s28 =	simm.s32 $0x9E00;
	v3 =	vadd.s32 v1, v3  }
0x4e4: {  	[tilespmem:s28], [sflag:$0x1] =	stream.indirect_vreg.gather [hbm4b:s5+s2], $0x80, v4, vm0, $0xb8;
	[tilespmem:$0x1B600] =	vst v63  }
0x4e5: {  	s12 =	simm.s32 $0xA600  }
0x4e6: {  	[tilespmem:s12], [sflag:$0x1] =	stream.indirect_vreg.gather [hbm4b:s6+s2], $0x80, v4, vm0, $0xb8;
	[tilespmem:$0x1B600] =	vst v63  }
0x4e7: {  	s13 =	simm.s32 $0xAE00  }
0x4e8: {  	[tilespmem:s13], [sflag:$0x1] =	stream.indirect_vreg.gather [hbm4b:s4+s2], $0x80, v3, vm0, $0xb8;
	[tilespmem:$0x1B600] =	vst v63  }
0x4e9: {  	s19 =	simm.s32 $0xB600  }
0x4ea: {  	[tilespmem:s19], [sflag:$0x1] =	stream.indirect_vreg.gather [hbm4b:s5+s2], $0x80, v3, vm0, $0xb8;
	[tilespmem:$0x1B600] =	vst v63  }
0x4eb: {  	s18 =	simm.s32 $0xBE00  }
0x4ec: {  	[tilespmem:s18], [sflag:$0x1] =	stream.indirect_vreg.gather [hbm4b:s6+s2], $0x80, v3, vm0, $0xb8;
	[tilespmem:$0x1B600] =	vst v63  }
0x4ed: {  	v3 =	vld.msk [tilespmem:$0x3A0], $0xff;
	_ =	sdelay $0x4  }
0x4ee: {  	v28 =	vshrl.u32 v3, $0x3  }
0x4ef: {  	v4 =	vmul.u32 $0x30, v28  }
0x4f0: {  	v3 =	vand.u32 $0x7, v3  }
0x4f1: {  	v3 =	vor.u32 v3, v4  }
0x4f2: {  	v3 =	vperm.xlane v3, v0;
	_ =	sdelay $0x1  }
0x4f3: {  	v3 =	vadd.s32 v1, v3;
	_ =	sdelay $0x3  }
0x4f4: {  	s20 =	simm.s32 $0xC600  }
0x4f5: {  	[tilespmem:s20], [sflag:$0x1] =	stream.indirect_vreg.gather [hbm4b:s4+s2], $0x80, v3, vm0, $0xb8;
	[tilespmem:$0x1B600] =	vst v63  }
0x4f6: {  	s21 =	simm.s32 $0xCE00  }
0x4f7: {  	[tilespmem:s21], [sflag:$0x1] =	stream.indirect_vreg.gather [hbm4b:s5+s2], $0x80, v3, vm0, $0xb8;
	[tilespmem:$0x1B600] =	vst v63  }
0x4f8: {  	s18 =	simm.s32 $0xD600  }
0x4f9: {  	[tilespmem:s18], [sflag:$0x1] =	stream.indirect_vreg.gather [hbm4b:s6+s2], $0x80, v3, vm0, $0xb8;
	[tilespmem:$0x1B600] =	vst v63  }
0x4fa: {  	_ =	swait.ge [sflag:s16], $0xD800  }
0x4fb: {  	[sflag:s16] =	ssyncset.done $0x0  }
0x4fc: {  	s18 =	rddreg [dreg:$0xe];
	[sflag:s16] =	ssyncadd.s32 $0xFFFF2800  }
0x4fd: {  	[hbm4b:s18+s2] =	stream.linear.scatter [tilespmem:s11], [sflag:$0x4], $0xD800, $0x38;
	[tilespmem:$0x1B600] =	vst v63  }
0x4fe: {  	_ =	swait.ge [sflag:s17], $0xD800  }
0x4ff: {  	[sflag:s17] =	ssyncset.done $0x0  }
0x500: {  	[sflag:s17] =	ssyncadd.s32 $0xFFFF2800  }
0x501: {  	v3 =	vld [tilespmem:$0x3A8];
	_ =	sdelay $0x4  }
0x502: {  	v29 =	vshrl.u32 v3, $0x3  }
0x503: {  	v4 =	vmul.u32 $0x30, v29  }
0x504: {  	v3 =	vand.u32 $0x7, v3  }
0x505: {  	v3 =	vor.u32 v3, v4  }
0x506: {  	v4 =	vperm.xlane v3, v0;
	_ =	sdelay $0x1  }
0x507: {  	v4 =	vadd.s32 v1, v4;
	_ =	sdelay $0x3  }
0x508: {  	v3 =	vperm.xlane v3, v2  }
0x509: {  	[tilespmem:s11], [sflag:$0x2] =	stream.indirect_vreg.gather [hbm4b:s4+s2], $0x80, v4, vm0, $0xb8;
	[tilespmem:$0x1B600] =	vst v63  }
0x50a: {  	s29 =	simm.s32 $0xE600;
	v3 =	vadd.s32 v1, v3  }
0x50b: {  	[tilespmem:s29], [sflag:$0x2] =	stream.indirect_vreg.gather [hbm4b:s5+s2], $0x80, v4, vm0, $0xb8;
	[tilespmem:$0x1B600] =	vst v63  }
0x50c: {  	s30 =	simm.s32 $0xEE00  }
0x50d: {  	[tilespmem:s30], [sflag:$0x2] =	stream.indirect_vreg.gather [hbm4b:s6+s2], $0x80, v4, vm0, $0xb8;
	[tilespmem:$0x1B600] =	vst v63  }
0x50e: {  	s18 =	simm.s32 $0xF600  }
0x50f: {  	[tilespmem:s18], [sflag:$0x2] =	stream.indirect_vreg.gather [hbm4b:s4+s2], $0x80, v3, vm0, $0xb8;
	[tilespmem:$0x1B600] =	vst v63  }
0x510: {  	s18 =	simm.s32 $0xFE00  }
0x511: {  	[tilespmem:s18], [sflag:$0x2] =	stream.indirect_vreg.gather [hbm4b:s5+s2], $0x80, v3, vm0, $0xb8;
	[tilespmem:$0x1B600] =	vst v63  }
0x512: {  	s18 =	simm.s32 $0x10600  }
0x513: {  	[tilespmem:s18], [sflag:$0x2] =	stream.indirect_vreg.gather [hbm4b:s6+s2], $0x80, v3, vm0, $0xb8;
	[tilespmem:$0x1B600] =	vst v63  }
0x514: {  	v3 =	vld [tilespmem:$0x3B8];
	_ =	sdelay $0x4  }
0x515: {  	v30 =	vshrl.u32 v3, $0x3  }
0x516: {  	v4 =	vmul.u32 $0x30, v30  }
0x517: {  	v3 =	vand.u32 $0x7, v3  }
0x518: {  	v3 =	vor.u32 v3, v4  }
0x519: {  	v4 =	vperm.xlane v3, v0;
	_ =	sdelay $0x1  }
0x51a: {  	v4 =	vadd.s32 v1, v4;
	_ =	sdelay $0x3  }
0x51b: {  	s18 =	simm.s32 $0x10E00;
	v3 =	vperm.xlane v3, v2  }
0x51c: {  	[tilespmem:s18], [sflag:$0x2] =	stream.indirect_vreg.gather [hbm4b:s4+s2], $0x80, v4, vm0, $0xb8;
	[tilespmem:$0x1B600] =	vst v63  }
0x51d: {  	s31 =	simm.s32 $0x11600;
	v3 =	vadd.s32 v1, v3  }
0x51e: {  	[tilespmem:s31], [sflag:$0x2] =	stream.indirect_vreg.gather [hbm4b:s5+s2], $0x80, v4, vm0, $0xb8;
	[tilespmem:$0x1B600] =	vst v63  }
0x51f: {  	s18 =	simm.s32 $0x11E00  }
0x520: {  	[tilespmem:s18], [sflag:$0x2] =	stream.indirect_vreg.gather [hbm4b:s6+s2], $0x80, v4, vm0, $0xb8;
	[tilespmem:$0x1B600] =	vst v63  }
0x521: {  	s18 =	simm.s32 $0x12600  }
0x522: {  	[tilespmem:s18], [sflag:$0x2] =	stream.indirect_vreg.gather [hbm4b:s4+s2], $0x80, v3, vm0, $0xb8;
	[tilespmem:$0x1B600] =	vst v63  }
0x523: {  	s18 =	simm.s32 $0x12E00  }
0x524: {  	[tilespmem:s18], [sflag:$0x2] =	stream.indirect_vreg.gather [hbm4b:s5+s2], $0x80, v3, vm0, $0xb8;
	[tilespmem:$0x1B600] =	vst v63  }
0x525: {  	s18 =	simm.s32 $0x13600  }
0x526: {  	[tilespmem:s18], [sflag:$0x2] =	stream.indirect_vreg.gather [hbm4b:s6+s2], $0x80, v3, vm0, $0xb8;
	[tilespmem:$0x1B600] =	vst v63  }
0x527: {  	v3 =	vld [tilespmem:$0x3C8];
	_ =	sdelay $0x4  }
0x528: {  	v31 =	vshrl.u32 v3, $0x3  }
0x529: {  	v4 =	vmul.u32 $0x30, v31  }
0x52a: {  	v3 =	vand.u32 $0x7, v3  }
0x52b: {  	v3 =	vor.u32 v3, v4  }
0x52c: {  	v4 =	vperm.xlane v3, v0;
	_ =	sdelay $0x1  }
0x52d: {  	v4 =	vadd.s32 v1, v4;
	_ =	sdelay $0x3  }
0x52e: {  	s18 =	simm.s32 $0x13E00;
	v3 =	vperm.xlane v3, v2  }
0x52f: {  	[tilespmem:s18], [sflag:$0x2] =	stream.indirect_vreg.gather [hbm4b:s4+s2], $0x80, v4, vm0, $0xb8;
	[tilespmem:$0x1B600] =	vst v63  }
0x530: {  	v3 =	vadd.s32 v1, v3;
	s18 =	simm.s32 $0x14600  }
0x531: {  	[tilespmem:s18], [sflag:$0x2] =	stream.indirect_vreg.gather [hbm4b:s5+s2], $0x80, v4, vm0, $0xb8;
	[tilespmem:$0x1B600] =	vst v63  }
0x532: {  	s18 =	simm.s32 $0x14E00  }
0x533: {  	[tilespmem:s18], [sflag:$0x2] =	stream.indirect_vreg.gather [hbm4b:s6+s2], $0x80, v4, vm0, $0xb8;
	[tilespmem:$0x1B600] =	vst v63  }
0x534: {  	s18 =	simm.s32 $0x15600  }
0x535: {  	[tilespmem:s18], [sflag:$0x2] =	stream.indirect_vreg.gather [hbm4b:s4+s2], $0x80, v3, vm0, $0xb8;
	[tilespmem:$0x1B600] =	vst v63  }
0x536: {  	s18 =	simm.s32 $0x15E00  }
0x537: {  	[tilespmem:s18], [sflag:$0x2] =	stream.indirect_vreg.gather [hbm4b:s5+s2], $0x80, v3, vm0, $0xb8;
	[tilespmem:$0x1B600] =	vst v63  }
0x538: {  	s18 =	simm.s32 $0x16600  }
0x539: {  	[tilespmem:s18], [sflag:$0x2] =	stream.indirect_vreg.gather [hbm4b:s6+s2], $0x80, v3, vm0, $0xb8;
	[tilespmem:$0x1B600] =	vst v63  }
0x53a: {  	v3 =	vld [tilespmem:$0x3D8];
	_ =	sdelay $0x4  }
0x53b: {  	v32 =	vshrl.u32 v3, $0x3  }
0x53c: {  	v4 =	vmul.u32 $0x30, v32  }
0x53d: {  	v3 =	vand.u32 $0x7, v3  }
0x53e: {  	v3 =	vor.u32 v3, v4  }
0x53f: {  	v4 =	vperm.xlane v3, v0;
	_ =	sdelay $0x1  }
0x540: {  	v4 =	vadd.s32 v1, v4;
	_ =	sdelay $0x3  }
0x541: {  	s18 =	simm.s32 $0x16E00;
	v3 =	vperm.xlane v3, v2  }
0x542: {  	[tilespmem:s18], [sflag:$0x2] =	stream.indirect_vreg.gather [hbm4b:s4+s2], $0x80, v4, vm0, $0xb8;
	[tilespmem:$0x1B600] =	vst v63  }
0x543: {  	v3 =	vadd.s32 v1, v3;
	s18 =	simm.s32 $0x17600  }
0x544: {  	[tilespmem:s18], [sflag:$0x2] =	stream.indirect_vreg.gather [hbm4b:s5+s2], $0x80, v4, vm0, $0xb8;
	[tilespmem:$0x1B600] =	vst v63  }
0x545: {  	s18 =	simm.s32 $0x17E00  }
0x546: {  	[tilespmem:s18], [sflag:$0x2] =	stream.indirect_vreg.gather [hbm4b:s6+s2], $0x80, v4, vm0, $0xb8;
	[tilespmem:$0x1B600] =	vst v63  }
0x547: {  	s18 =	simm.s32 $0x18600  }
0x548: {  	[tilespmem:s18], [sflag:$0x2] =	stream.indirect_vreg.gather [hbm4b:s4+s2], $0x80, v3, vm0, $0xb8;
	[tilespmem:$0x1B600] =	vst v63  }
0x549: {  	s18 =	simm.s32 $0x18E00  }
0x54a: {  	[tilespmem:s18], [sflag:$0x2] =	stream.indirect_vreg.gather [hbm4b:s5+s2], $0x80, v3, vm0, $0xb8;
	[tilespmem:$0x1B600] =	vst v63  }
0x54b: {  	s18 =	simm.s32 $0x19600  }
0x54c: {  	[tilespmem:s18], [sflag:$0x2] =	stream.indirect_vreg.gather [hbm4b:s6+s2], $0x80, v3, vm0, $0xb8;
	[tilespmem:$0x1B600] =	vst v63  }
0x54d: {  	v3 =	vld.msk [tilespmem:$0x3E8], $0xff;
	_ =	sdelay $0x4  }
0x54e: {  	v33 =	vshrl.u32 v3, $0x3  }
0x54f: {  	v4 =	vmul.u32 $0x30, v33  }
0x550: {  	v3 =	vand.u32 $0x7, v3  }
0x551: {  	v3 =	vor.u32 v3, v4  }
0x552: {  	v3 =	vperm.xlane v3, v0;
	_ =	sdelay $0x1  }
0x553: {  	v3 =	vadd.s32 v1, v3;
	_ =	sdelay $0x3  }
0x554: {  	s18 =	simm.s32 $0x19E00  }
0x555: {  	[tilespmem:s18], [sflag:$0x2] =	stream.indirect_vreg.gather [hbm4b:s4+s2], $0x80, v3, vm0, $0xb8;
	[tilespmem:$0x1B600] =	vst v63  }
0x556: {  	s18 =	simm.s32 $0x1A600  }
0x557: {  	[tilespmem:s18], [sflag:$0x2] =	stream.indirect_vreg.gather [hbm4b:s5+s2], $0x80, v3, vm0, $0xb8;
	[tilespmem:$0x1B600] =	vst v63  }
0x558: {  	s18 =	simm.s32 $0x1AE00  }
0x559: {  	[tilespmem:s18], [sflag:$0x2] =	stream.indirect_vreg.gather [hbm4b:s6+s2], $0x80, v3, vm0, $0xb8;
	[tilespmem:$0x1B600] =	vst v63  }
0x55a: {  	_ =	swait.ge [sflag:s14], $0xD800  }
0x55b: {  	[sflag:s14] =	ssyncset.done $0x0  }
0x55c: {  	s18 =	rddreg [dreg:$0xf];
	[sflag:s14] =	ssyncadd.s32 $0xFFFF2800  }
0x55d: {  	[hbm4b:s18+s2] =	stream.linear.scatter [tilespmem:s23], [sflag:$0x3], $0xD800, $0x38;
	[tilespmem:$0x1B600] =	vst v63  }
0x55e: {  	_ =	swait.ge [sflag:s15], $0xD800  }
0x55f: {  	[sflag:s15] =	ssyncset.done $0x0  }
0x560: {  	[sflag:s15] =	ssyncadd.s32 $0xFFFF2800  }
0x561: {  	v3 =	vld [tilespmem:$0x3F0];
	_ =	sdelay $0x4  }
0x562: {  	v34 =	vshrl.u32 v3, $0x3  }
0x563: {  	v4 =	vmul.u32 $0x30, v34  }
0x564: {  	v3 =	vand.u32 $0x7, v3  }
0x565: {  	v3 =	vor.u32 v3, v4  }
0x566: {  	v4 =	vperm.xlane v3, v0;
	_ =	sdelay $0x1  }
0x567: {  	v4 =	vadd.s32 v1, v4;
	_ =	sdelay $0x3  }
0x568: {  	v3 =	vperm.xlane v3, v2  }
0x569: {  	[tilespmem:s23], [sflag:$0x1] =	stream.indirect_vreg.gather [hbm4b:s4+s2], $0x80, v4, vm0, $0xb8;
	[tilespmem:$0x1B600] =	vst v63  }
0x56a: {  	s18 =	simm.s32 $0xE00;
	v3 =	vadd.s32 v1, v3  }
0x56b: {  	[tilespmem:s18], [sflag:$0x1] =	stream.indirect_vreg.gather [hbm4b:s5+s2], $0x80, v4, vm0, $0xb8;
	[tilespmem:$0x1B600] =	vst v63  }
0x56c: {  	s0 =	simm.s32 $0x1600  }
0x56d: {  	[tilespmem:s0], [sflag:$0x1] =	stream.indirect_vreg.gather [hbm4b:s6+s2], $0x80, v4, vm0, $0xb8;
	[tilespmem:$0x1B600] =	vst v63  }
0x56e: {  	s3 =	simm.s32 $0x1E00  }
0x56f: {  	[tilespmem:s3], [sflag:$0x1] =	stream.indirect_vreg.gather [hbm4b:s4+s2], $0x80, v3, vm0, $0xb8;
	[tilespmem:$0x1B600] =	vst v63  }
0x570: {  	s7 =	simm.s32 $0x2600  }
0x571: {  	[tilespmem:s7], [sflag:$0x1] =	stream.indirect_vreg.gather [hbm4b:s5+s2], $0x80, v3, vm0, $0xb8;
	[tilespmem:$0x1B600] =	vst v63  }
0x572: {  	s18 =	simm.s32 $0x2E00  }
0x573: {  	[tilespmem:s18], [sflag:$0x1] =	stream.indirect_vreg.gather [hbm4b:s6+s2], $0x80, v3, vm0, $0xb8;
	[tilespmem:$0x1B600] =	vst v63  }
0x574: {  	v3 =	vld [tilespmem:$0x400];
	_ =	sdelay $0x4  }
0x575: {  	v35 =	vshrl.u32 v3, $0x3  }
0x576: {  	v4 =	vmul.u32 $0x30, v35  }
0x577: {  	v3 =	vand.u32 $0x7, v3  }
0x578: {  	v3 =	vor.u32 v3, v4  }
0x579: {  	v4 =	vperm.xlane v3, v0;
	_ =	sdelay $0x1  }
0x57a: {  	v4 =	vadd.s32 v1, v4;
	_ =	sdelay $0x3  }
0x57b: {  	s18 =	simm.s32 $0x3600;
	v3 =	vperm.xlane v3, v2  }
0x57c: {  	[tilespmem:s18], [sflag:$0x1] =	stream.indirect_vreg.gather [hbm4b:s4+s2], $0x80, v4, vm0, $0xb8;
	[tilespmem:$0x1B600] =	vst v63  }
0x57d: {  	s8 =	simm.s32 $0x3E00;
	v3 =	vadd.s32 v1, v3  }
0x57e: {  	[tilespmem:s8], [sflag:$0x1] =	stream.indirect_vreg.gather [hbm4b:s5+s2], $0x80, v4, vm0, $0xb8;
	[tilespmem:$0x1B600] =	vst v63  }
0x57f: {  	s9 =	simm.s32 $0x4600  }
0x580: {  	[tilespmem:s9], [sflag:$0x1] =	stream.indirect_vreg.gather [hbm4b:s6+s2], $0x80, v4, vm0, $0xb8;
	[tilespmem:$0x1B600] =	vst v63  }
0x581: {  	s10 =	simm.s32 $0x4E00  }
0x582: {  	[tilespmem:s10], [sflag:$0x1] =	stream.indirect_vreg.gather [hbm4b:s4+s2], $0x80, v3, vm0, $0xb8;
	[tilespmem:$0x1B600] =	vst v63  }
0x583: {  	s1 =	simm.s32 $0x5600  }
0x584: {  	[tilespmem:s1], [sflag:$0x1] =	stream.indirect_vreg.gather [hbm4b:s5+s2], $0x80, v3, vm0, $0xb8;
	[tilespmem:$0x1B600] =	vst v63  }
0x585: {  	s18 =	simm.s32 $0x5E00  }
0x586: {  	[tilespmem:s18], [sflag:$0x1] =	stream.indirect_vreg.gather [hbm4b:s6+s2], $0x80, v3, vm0, $0xb8;
	[tilespmem:$0x1B600] =	vst v63  }
0x587: {  	v3 =	vld [tilespmem:$0x410];
	_ =	sdelay $0x4  }
0x588: {  	v36 =	vshrl.u32 v3, $0x3  }
0x589: {  	v4 =	vmul.u32 $0x30, v36  }
0x58a: {  	v3 =	vand.u32 $0x7, v3  }
0x58b: {  	v3 =	vor.u32 v3, v4  }
0x58c: {  	v4 =	vperm.xlane v3, v0;
	_ =	sdelay $0x1  }
0x58d: {  	v4 =	vadd.s32 v1, v4;
	_ =	sdelay $0x3  }
0x58e: {  	s1 =	simm.s32 $0x6600;
	v3 =	vperm.xlane v3, v2  }
0x58f: {  	[tilespmem:s1], [sflag:$0x1] =	stream.indirect_vreg.gather [hbm4b:s4+s2], $0x80, v4, vm0, $0xb8;
	[tilespmem:$0x1B600] =	vst v63  }
0x590: {  	s24 =	simm.s32 $0x6E00;
	v3 =	vadd.s32 v1, v3  }
0x591: {  	[tilespmem:s24], [sflag:$0x1] =	stream.indirect_vreg.gather [hbm4b:s5+s2], $0x80, v4, vm0, $0xb8;
	[tilespmem:$0x1B600] =	vst v63  }
0x592: {  	s22 =	simm.s32 $0x7600  }
0x593: {  	[tilespmem:s22], [sflag:$0x1] =	stream.indirect_vreg.gather [hbm4b:s6+s2], $0x80, v4, vm0, $0xb8;
	[tilespmem:$0x1B600] =	vst v63  }
0x594: {  	s25 =	simm.s32 $0x7E00  }
0x595: {  	[tilespmem:s25], [sflag:$0x1] =	stream.indirect_vreg.gather [hbm4b:s4+s2], $0x80, v3, vm0, $0xb8;
	[tilespmem:$0x1B600] =	vst v63  }
0x596: {  	s26 =	simm.s32 $0x8600  }
0x597: {  	[tilespmem:s26], [sflag:$0x1] =	stream.indirect_vreg.gather [hbm4b:s5+s2], $0x80, v3, vm0, $0xb8;
	[tilespmem:$0x1B600] =	vst v63  }
0x598: {  	s18 =	simm.s32 $0x8E00  }
0x599: {  	[tilespmem:s18], [sflag:$0x1] =	stream.indirect_vreg.gather [hbm4b:s6+s2], $0x80, v3, vm0, $0xb8;
	[tilespmem:$0x1B600] =	vst v63  }
0x59a: {  	v3 =	vld [tilespmem:$0x420];
	_ =	sdelay $0x4  }
0x59b: {  	v37 =	vshrl.u32 v3, $0x3  }
0x59c: {  	v4 =	vmul.u32 $0x30, v37  }
0x59d: {  	v3 =	vand.u32 $0x7, v3  }
0x59e: {  	v3 =	vor.u32 v3, v4  }
0x59f: {  	v4 =	vperm.xlane v3, v0;
	_ =	sdelay $0x1  }
0x5a0: {  	v4 =	vadd.s32 v1, v4;
	_ =	sdelay $0x3  }
0x5a1: {  	s1 =	simm.s32 $0x9600;
	v3 =	vperm.xlane v3, v2  }
0x5a2: {  	[tilespmem:s1], [sflag:$0x1] =	stream.indirect_vreg.gather [hbm4b:s4+s2], $0x80, v4, vm0, $0xb8;
	[tilespmem:$0x1B600] =	vst v63  }
0x5a3: {  	s28 =	simm.s32 $0x9E00;
	v3 =	vadd.s32 v1, v3  }
0x5a4: {  	[tilespmem:s28], [sflag:$0x1] =	stream.indirect_vreg.gather [hbm4b:s5+s2], $0x80, v4, vm0, $0xb8;
	[tilespmem:$0x1B600] =	vst v63  }
0x5a5: {  	s12 =	simm.s32 $0xA600  }
0x5a6: {  	[tilespmem:s12], [sflag:$0x1] =	stream.indirect_vreg.gather [hbm4b:s6+s2], $0x80, v4, vm0, $0xb8;
	[tilespmem:$0x1B600] =	vst v63  }
0x5a7: {  	s13 =	simm.s32 $0xAE00  }
0x5a8: {  	[tilespmem:s13], [sflag:$0x1] =	stream.indirect_vreg.gather [hbm4b:s4+s2], $0x80, v3, vm0, $0xb8;
	[tilespmem:$0x1B600] =	vst v63  }
0x5a9: {  	s19 =	simm.s32 $0xB600  }
0x5aa: {  	[tilespmem:s19], [sflag:$0x1] =	stream.indirect_vreg.gather [hbm4b:s5+s2], $0x80, v3, vm0, $0xb8;
	[tilespmem:$0x1B600] =	vst v63  }
0x5ab: {  	s18 =	simm.s32 $0xBE00  }
0x5ac: {  	[tilespmem:s18], [sflag:$0x1] =	stream.indirect_vreg.gather [hbm4b:s6+s2], $0x80, v3, vm0, $0xb8;
	[tilespmem:$0x1B600] =	vst v63  }
0x5ad: {  	v3 =	vld.msk [tilespmem:$0x430], $0xff;
	_ =	sdelay $0x4  }
0x5ae: {  	v38 =	vshrl.u32 v3, $0x3  }
0x5af: {  	v4 =	vmul.u32 $0x30, v38  }
0x5b0: {  	v3 =	vand.u32 $0x7, v3  }
0x5b1: {  	v3 =	vor.u32 v3, v4  }
0x5b2: {  	v3 =	vperm.xlane v3, v0;
	_ =	sdelay $0x1  }
0x5b3: {  	v3 =	vadd.s32 v1, v3;
	_ =	sdelay $0x3  }
0x5b4: {  	s20 =	simm.s32 $0xC600  }
0x5b5: {  	[tilespmem:s20], [sflag:$0x1] =	stream.indirect_vreg.gather [hbm4b:s4+s2], $0x80, v3, vm0, $0xb8;
	[tilespmem:$0x1B600] =	vst v63  }
0x5b6: {  	s21 =	simm.s32 $0xCE00  }
0x5b7: {  	[tilespmem:s21], [sflag:$0x1] =	stream.indirect_vreg.gather [hbm4b:s5+s2], $0x80, v3, vm0, $0xb8;
	[tilespmem:$0x1B600] =	vst v63  }
0x5b8: {  	s19 =	simm.s32 $0xD600  }
0x5b9: {  	[tilespmem:s19], [sflag:$0x1] =	stream.indirect_vreg.gather [hbm4b:s6+s2], $0x80, v3, vm0, $0xb8;
	[tilespmem:$0x1B600] =	vst v63  }
0x5ba: {  	_ =	swait.ge [sflag:s16], $0xD800  }
0x5bb: {  	[sflag:s16] =	ssyncset.done $0x0  }
0x5bc: {  	s20 =	rddreg [dreg:$0x10];
	[sflag:s16] =	ssyncadd.s32 $0xFFFF2800  }
0x5bd: {  	[hbm4b:s20+s2] =	stream.linear.scatter [tilespmem:s11], [sflag:$0x4], $0xD800, $0x38;
	[tilespmem:$0x1B600] =	vst v63  }
0x5be: {  	_ =	swait.ge [sflag:s17], $0xD800  }
0x5bf: {  	[sflag:s17] =	ssyncset.done $0x0  }
0x5c0: {  	[sflag:s17] =	ssyncadd.s32 $0xFFFF2800  }
0x5c1: {  	v3 =	vld [tilespmem:$0x438];
	_ =	sdelay $0x4  }
0x5c2: {  	v39 =	vshrl.u32 v3, $0x3  }
0x5c3: {  	v4 =	vmul.u32 $0x30, v39  }
0x5c4: {  	v3 =	vand.u32 $0x7, v3  }
0x5c5: {  	v3 =	vor.u32 v3, v4  }
0x5c6: {  	v4 =	vperm.xlane v3, v0;
	_ =	sdelay $0x1  }
0x5c7: {  	v4 =	vadd.s32 v1, v4;
	_ =	sdelay $0x3  }
0x5c8: {  	v3 =	vperm.xlane v3, v2  }
0x5c9: {  	[tilespmem:s11], [sflag:$0x2] =	stream.indirect_vreg.gather [hbm4b:s4+s2], $0x80, v4, vm0, $0xb8;
	[tilespmem:$0x1B600] =	vst v63  }
0x5ca: {  	s29 =	simm.s32 $0xE600;
	v3 =	vadd.s32 v1, v3  }
0x5cb: {  	[tilespmem:s29], [sflag:$0x2] =	stream.indirect_vreg.gather [hbm4b:s5+s2], $0x80, v4, vm0, $0xb8;
	[tilespmem:$0x1B600] =	vst v63  }
0x5cc: {  	s30 =	simm.s32 $0xEE00  }
0x5cd: {  	[tilespmem:s30], [sflag:$0x2] =	stream.indirect_vreg.gather [hbm4b:s6+s2], $0x80, v4, vm0, $0xb8;
	[tilespmem:$0x1B600] =	vst v63  }
0x5ce: {  	s21 =	simm.s32 $0xF600  }
0x5cf: {  	[tilespmem:s21], [sflag:$0x2] =	stream.indirect_vreg.gather [hbm4b:s4+s2], $0x80, v3, vm0, $0xb8;
	[tilespmem:$0x1B600] =	vst v63  }
0x5d0: {  	s29 =	simm.s32 $0xFE00  }
0x5d1: {  	[tilespmem:s29], [sflag:$0x2] =	stream.indirect_vreg.gather [hbm4b:s5+s2], $0x80, v3, vm0, $0xb8;
	[tilespmem:$0x1B600] =	vst v63  }
0x5d2: {  	s30 =	simm.s32 $0x10600  }
0x5d3: {  	[tilespmem:s30], [sflag:$0x2] =	stream.indirect_vreg.gather [hbm4b:s6+s2], $0x80, v3, vm0, $0xb8;
	[tilespmem:$0x1B600] =	vst v63  }
0x5d4: {  	v3 =	vld [tilespmem:$0x448];
	_ =	sdelay $0x4  }
0x5d5: {  	v40 =	vshrl.u32 v3, $0x3  }
0x5d6: {  	v4 =	vmul.u32 $0x30, v40  }
0x5d7: {  	v3 =	vand.u32 $0x7, v3  }
0x5d8: {  	v3 =	vor.u32 v3, v4  }
0x5d9: {  	v4 =	vperm.xlane v3, v0;
	_ =	sdelay $0x1  }
0x5da: {  	v4 =	vadd.s32 v1, v4;
	_ =	sdelay $0x3  }
0x5db: {  	s1 =	simm.s32 $0x10E00;
	v3 =	vperm.xlane v3, v2  }
0x5dc: {  	[tilespmem:s1], [sflag:$0x2] =	stream.indirect_vreg.gather [hbm4b:s4+s2], $0x80, v4, vm0, $0xb8;
	[tilespmem:$0x1B600] =	vst v63  }
0x5dd: {  	s31 =	simm.s32 $0x11600;
	v3 =	vadd.s32 v1, v3  }
0x5de: {  	[tilespmem:s31], [sflag:$0x2] =	stream.indirect_vreg.gather [hbm4b:s5+s2], $0x80, v4, vm0, $0xb8;
	[tilespmem:$0x1B600] =	vst v63  }
0x5df: {  	s12 =	simm.s32 $0x11E00  }
0x5e0: {  	[tilespmem:s12], [sflag:$0x2] =	stream.indirect_vreg.gather [hbm4b:s6+s2], $0x80, v4, vm0, $0xb8;
	[tilespmem:$0x1B600] =	vst v63  }
0x5e1: {  	s13 =	simm.s32 $0x12600  }
0x5e2: {  	[tilespmem:s13], [sflag:$0x2] =	stream.indirect_vreg.gather [hbm4b:s4+s2], $0x80, v3, vm0, $0xb8;
	[tilespmem:$0x1B600] =	vst v63  }
0x5e3: {  	s18 =	simm.s32 $0x12E00  }
0x5e4: {  	[tilespmem:s18], [sflag:$0x2] =	stream.indirect_vreg.gather [hbm4b:s5+s2], $0x80, v3, vm0, $0xb8;
	[tilespmem:$0x1B600] =	vst v63  }
0x5e5: {  	s19 =	simm.s32 $0x13600  }
0x5e6: {  	[tilespmem:s19], [sflag:$0x2] =	stream.indirect_vreg.gather [hbm4b:s6+s2], $0x80, v3, vm0, $0xb8;
	[tilespmem:$0x1B600] =	vst v63  }
0x5e7: {  	v3 =	vld [tilespmem:$0x458];
	_ =	sdelay $0x4  }
0x5e8: {  	v41 =	vshrl.u32 v3, $0x3  }
0x5e9: {  	v4 =	vmul.u32 $0x30, v41  }
0x5ea: {  	v3 =	vand.u32 $0x7, v3  }
0x5eb: {  	v3 =	vor.u32 v3, v4  }
0x5ec: {  	v4 =	vperm.xlane v3, v0;
	_ =	sdelay $0x1  }
0x5ed: {  	v4 =	vadd.s32 v1, v4;
	_ =	sdelay $0x3  }
0x5ee: {  	s20 =	simm.s32 $0x13E00;
	v3 =	vperm.xlane v3, v2  }
0x5ef: {  	[tilespmem:s20], [sflag:$0x2] =	stream.indirect_vreg.gather [hbm4b:s4+s2], $0x80, v4, vm0, $0xb8;
	[tilespmem:$0x1B600] =	vst v63  }
0x5f0: {  	s21 =	simm.s32 $0x14600;
	v3 =	vadd.s32 v1, v3  }
0x5f1: {  	[tilespmem:s21], [sflag:$0x2] =	stream.indirect_vreg.gather [hbm4b:s5+s2], $0x80, v4, vm0, $0xb8;
	[tilespmem:$0x1B600] =	vst v63  }
0x5f2: {  	s29 =	simm.s32 $0x14E00  }
0x5f3: {  	[tilespmem:s29], [sflag:$0x2] =	stream.indirect_vreg.gather [hbm4b:s6+s2], $0x80, v4, vm0, $0xb8;
	[tilespmem:$0x1B600] =	vst v63  }
0x5f4: {  	s30 =	simm.s32 $0x15600  }
0x5f5: {  	[tilespmem:s30], [sflag:$0x2] =	stream.indirect_vreg.gather [hbm4b:s4+s2], $0x80, v3, vm0, $0xb8;
	[tilespmem:$0x1B600] =	vst v63  }
0x5f6: {  	s31 =	simm.s32 $0x15E00  }
0x5f7: {  	[tilespmem:s31], [sflag:$0x2] =	stream.indirect_vreg.gather [hbm4b:s5+s2], $0x80, v3, vm0, $0xb8;
	[tilespmem:$0x1B600] =	vst v63  }
0x5f8: {  	s1 =	simm.s32 $0x16600  }
0x5f9: {  	[tilespmem:s1], [sflag:$0x2] =	stream.indirect_vreg.gather [hbm4b:s6+s2], $0x80, v3, vm0, $0xb8;
	[tilespmem:$0x1B600] =	vst v63  }
0x5fa: {  	v3 =	vld [tilespmem:$0x468];
	_ =	sdelay $0x4  }
0x5fb: {  	v42 =	vshrl.u32 v3, $0x3  }
0x5fc: {  	v4 =	vmul.u32 $0x30, v42  }
0x5fd: {  	v3 =	vand.u32 $0x7, v3  }
0x5fe: {  	v3 =	vor.u32 v3, v4  }
0x5ff: {  	v4 =	vperm.xlane v3, v0;
	_ =	sdelay $0x1  }
0x600: {  	v4 =	vadd.s32 v1, v4;
	_ =	sdelay $0x3  }
0x601: {  	s12 =	simm.s32 $0x16E00;
	v3 =	vperm.xlane v3, v2  }
0x602: {  	[tilespmem:s12], [sflag:$0x2] =	stream.indirect_vreg.gather [hbm4b:s4+s2], $0x80, v4, vm0, $0xb8;
	[tilespmem:$0x1B600] =	vst v63  }
0x603: {  	s13 =	simm.s32 $0x17600;
	v3 =	vadd.s32 v1, v3  }
0x604: {  	[tilespmem:s13], [sflag:$0x2] =	stream.indirect_vreg.gather [hbm4b:s5+s2], $0x80, v4, vm0, $0xb8;
	[tilespmem:$0x1B600] =	vst v63  }
0x605: {  	s18 =	simm.s32 $0x17E00  }
0x606: {  	[tilespmem:s18], [sflag:$0x2] =	stream.indirect_vreg.gather [hbm4b:s6+s2], $0x80, v4, vm0, $0xb8;
	[tilespmem:$0x1B600] =	vst v63  }
0x607: {  	s19 =	simm.s32 $0x18600  }
0x608: {  	[tilespmem:s19], [sflag:$0x2] =	stream.indirect_vreg.gather [hbm4b:s4+s2], $0x80, v3, vm0, $0xb8;
	[tilespmem:$0x1B600] =	vst v63  }
0x609: {  	s20 =	simm.s32 $0x18E00  }
0x60a: {  	[tilespmem:s20], [sflag:$0x2] =	stream.indirect_vreg.gather [hbm4b:s5+s2], $0x80, v3, vm0, $0xb8;
	[tilespmem:$0x1B600] =	vst v63  }
0x60b: {  	s21 =	simm.s32 $0x19600  }
0x60c: {  	[tilespmem:s21], [sflag:$0x2] =	stream.indirect_vreg.gather [hbm4b:s6+s2], $0x80, v3, vm0, $0xb8;
	[tilespmem:$0x1B600] =	vst v63  }
0x60d: {  	v3 =	vld.msk [tilespmem:$0x478], $0xff;
	_ =	sdelay $0x4  }
0x60e: {  	v43 =	vshrl.u32 v3, $0x3  }
0x60f: {  	v4 =	vmul.u32 $0x30, v43  }
0x610: {  	v3 =	vand.u32 $0x7, v3  }
0x611: {  	v3 =	vor.u32 v3, v4  }
0x612: {  	v3 =	vperm.xlane v3, v0;
	_ =	sdelay $0x1  }
0x613: {  	v3 =	vadd.s32 v1, v3;
	_ =	sdelay $0x3  }
0x614: {  	s29 =	simm.s32 $0x19E00  }
0x615: {  	[tilespmem:s29], [sflag:$0x2] =	stream.indirect_vreg.gather [hbm4b:s4+s2], $0x80, v3, vm0, $0xb8;
	[tilespmem:$0x1B600] =	vst v63  }
0x616: {  	s30 =	simm.s32 $0x1A600  }
0x617: {  	[tilespmem:s30], [sflag:$0x2] =	stream.indirect_vreg.gather [hbm4b:s5+s2], $0x80, v3, vm0, $0xb8;
	[tilespmem:$0x1B600] =	vst v63  }
0x618: {  	s31 =	simm.s32 $0x1AE00  }
0x619: {  	[tilespmem:s31], [sflag:$0x2] =	stream.indirect_vreg.gather [hbm4b:s6+s2], $0x80, v3, vm0, $0xb8;
	[tilespmem:$0x1B600] =	vst v63  }
0x61a: {  	_ =	swait.ge [sflag:s14], $0xD800  }
0x61b: {  	[sflag:s14] =	ssyncset.done $0x0  }
0x61c: {  	s0 =	rddreg [dreg:$0x11];
	[sflag:s14] =	ssyncadd.s32 $0xFFFF2800  }
0x61d: {  	[hbm4b:s0+s2] =	stream.linear.scatter [tilespmem:s23], [sflag:$0x3], $0xD800, $0x38;
	[tilespmem:$0x1B600] =	vst v63  }
0x61e: {  	_ =	swait.ge [sflag:s15], $0xD800  }
0x61f: {  	[sflag:s15] =	ssyncset.done $0x0  }
0x620: {  	[sflag:s15] =	ssyncadd.s32 $0xFFFF2800  }
0x621: {  	v3 =	vld [tilespmem:$0x480];
	_ =	sdelay $0x4  }
0x622: {  	v44 =	vshrl.u32 v3, $0x3  }
0x623: {  	v4 =	vmul.u32 $0x30, v44  }
0x624: {  	v3 =	vand.u32 $0x7, v3  }
0x625: {  	v3 =	vor.u32 v3, v4  }
0x626: {  	v4 =	vperm.xlane v3, v0;
	_ =	sdelay $0x1  }
0x627: {  	v4 =	vadd.s32 v1, v4;
	_ =	sdelay $0x3  }
0x628: {  	v3 =	vperm.xlane v3, v2  }
0x629: {  	[tilespmem:s23], [sflag:$0x1] =	stream.indirect_vreg.gather [hbm4b:s4+s2], $0x80, v4, vm0, $0xb8;
	[tilespmem:$0x1B600] =	vst v63  }
0x62a: {  	s1 =	simm.s32 $0xE00;
	v3 =	vadd.s32 v1, v3  }
0x62b: {  	[tilespmem:s1], [sflag:$0x1] =	stream.indirect_vreg.gather [hbm4b:s5+s2], $0x80, v4, vm0, $0xb8;
	[tilespmem:$0x1B600] =	vst v63  }
0x62c: {  	s12 =	simm.s32 $0x1600  }
0x62d: {  	[tilespmem:s12], [sflag:$0x1] =	stream.indirect_vreg.gather [hbm4b:s6+s2], $0x80, v4, vm0, $0xb8;
	[tilespmem:$0x1B600] =	vst v63  }
0x62e: {  	s3 =	simm.s32 $0x1E00  }
0x62f: {  	[tilespmem:s3], [sflag:$0x1] =	stream.indirect_vreg.gather [hbm4b:s4+s2], $0x80, v3, vm0, $0xb8;
	[tilespmem:$0x1B600] =	vst v63  }
0x630: {  	s7 =	simm.s32 $0x2600  }
0x631: {  	[tilespmem:s7], [sflag:$0x1] =	stream.indirect_vreg.gather [hbm4b:s5+s2], $0x80, v3, vm0, $0xb8;
	[tilespmem:$0x1B600] =	vst v63  }
0x632: {  	s13 =	simm.s32 $0x2E00  }
0x633: {  	[tilespmem:s13], [sflag:$0x1] =	stream.indirect_vreg.gather [hbm4b:s6+s2], $0x80, v3, vm0, $0xb8;
	[tilespmem:$0x1B600] =	vst v63  }
0x634: {  	v3 =	vld [tilespmem:$0x490];
	_ =	sdelay $0x4  }
0x635: {  	v45 =	vshrl.u32 v3, $0x3  }
0x636: {  	v4 =	vmul.u32 $0x30, v45  }
0x637: {  	v3 =	vand.u32 $0x7, v3  }
0x638: {  	v3 =	vor.u32 v3, v4  }
0x639: {  	v4 =	vperm.xlane v3, v0;
	_ =	sdelay $0x1  }
0x63a: {  	v4 =	vadd.s32 v1, v4;
	_ =	sdelay $0x3  }
0x63b: {  	s18 =	simm.s32 $0x3600;
	v3 =	vperm.xlane v3, v2  }
0x63c: {  	[tilespmem:s18], [sflag:$0x1] =	stream.indirect_vreg.gather [hbm4b:s4+s2], $0x80, v4, vm0, $0xb8;
	[tilespmem:$0x1B600] =	vst v63  }
0x63d: {  	s8 =	simm.s32 $0x3E00;
	v3 =	vadd.s32 v1, v3  }
0x63e: {  	[tilespmem:s8], [sflag:$0x1] =	stream.indirect_vreg.gather [hbm4b:s5+s2], $0x80, v4, vm0, $0xb8;
	[tilespmem:$0x1B600] =	vst v63  }
0x63f: {  	s9 =	simm.s32 $0x4600  }
0x640: {  	[tilespmem:s9], [sflag:$0x1] =	stream.indirect_vreg.gather [hbm4b:s6+s2], $0x80, v4, vm0, $0xb8;
	[tilespmem:$0x1B600] =	vst v63  }
0x641: {  	s10 =	simm.s32 $0x4E00  }
0x642: {  	[tilespmem:s10], [sflag:$0x1] =	stream.indirect_vreg.gather [hbm4b:s4+s2], $0x80, v3, vm0, $0xb8;
	[tilespmem:$0x1B600] =	vst v63  }
0x643: {  	s19 =	simm.s32 $0x5600  }
0x644: {  	[tilespmem:s19], [sflag:$0x1] =	stream.indirect_vreg.gather [hbm4b:s5+s2], $0x80, v3, vm0, $0xb8;
	[tilespmem:$0x1B600] =	vst v63  }
0x645: {  	s20 =	simm.s32 $0x5E00  }
0x646: {  	[tilespmem:s20], [sflag:$0x1] =	stream.indirect_vreg.gather [hbm4b:s6+s2], $0x80, v3, vm0, $0xb8;
	[tilespmem:$0x1B600] =	vst v63  }
0x647: {  	v3 =	vld [tilespmem:$0x4A0];
	_ =	sdelay $0x4  }
0x648: {  	v46 =	vshrl.u32 v3, $0x3  }
0x649: {  	v4 =	vmul.u32 $0x30, v46  }
0x64a: {  	v3 =	vand.u32 $0x7, v3  }
0x64b: {  	v3 =	vor.u32 v3, v4  }
0x64c: {  	v4 =	vperm.xlane v3, v0;
	_ =	sdelay $0x1  }
0x64d: {  	v4 =	vadd.s32 v1, v4;
	_ =	sdelay $0x3  }
0x64e: {  	s21 =	simm.s32 $0x6600;
	v3 =	vperm.xlane v3, v2  }
0x64f: {  	[tilespmem:s21], [sflag:$0x1] =	stream.indirect_vreg.gather [hbm4b:s4+s2], $0x80, v4, vm0, $0xb8;
	[tilespmem:$0x1B600] =	vst v63  }
0x650: {  	s24 =	simm.s32 $0x6E00;
	v3 =	vadd.s32 v1, v3  }
0x651: {  	[tilespmem:s24], [sflag:$0x1] =	stream.indirect_vreg.gather [hbm4b:s5+s2], $0x80, v4, vm0, $0xb8;
	[tilespmem:$0x1B600] =	vst v63  }
0x652: {  	s22 =	simm.s32 $0x7600  }
0x653: {  	[tilespmem:s22], [sflag:$0x1] =	stream.indirect_vreg.gather [hbm4b:s6+s2], $0x80, v4, vm0, $0xb8;
	[tilespmem:$0x1B600] =	vst v63  }
0x654: {  	s25 =	simm.s32 $0x7E00  }
0x655: {  	[tilespmem:s25], [sflag:$0x1] =	stream.indirect_vreg.gather [hbm4b:s4+s2], $0x80, v3, vm0, $0xb8;
	[tilespmem:$0x1B600] =	vst v63  }
0x656: {  	s26 =	simm.s32 $0x8600  }
0x657: {  	[tilespmem:s26], [sflag:$0x1] =	stream.indirect_vreg.gather [hbm4b:s5+s2], $0x80, v3, vm0, $0xb8;
	[tilespmem:$0x1B600] =	vst v63  }
0x658: {  	s25 =	simm.s32 $0x8E00  }
0x659: {  	[tilespmem:s25], [sflag:$0x1] =	stream.indirect_vreg.gather [hbm4b:s6+s2], $0x80, v3, vm0, $0xb8;
	[tilespmem:$0x1B600] =	vst v63  }
0x65a: {  	v3 =	vld [tilespmem:$0x4B0];
	_ =	sdelay $0x4  }
0x65b: {  	v47 =	vshrl.u32 v3, $0x3  }
0x65c: {  	v4 =	vmul.u32 $0x30, v47  }
0x65d: {  	v3 =	vand.u32 $0x7, v3  }
0x65e: {  	v3 =	vor.u32 v3, v4  }
0x65f: {  	v4 =	vperm.xlane v3, v0;
	_ =	sdelay $0x1  }
0x660: {  	v4 =	vadd.s32 v1, v4;
	_ =	sdelay $0x3  }
0x661: {  	s26 =	simm.s32 $0x9600;
	v3 =	vperm.xlane v3, v2  }
0x662: {  	[tilespmem:s26], [sflag:$0x1] =	stream.indirect_vreg.gather [hbm4b:s4+s2], $0x80, v4, vm0, $0xb8;
	[tilespmem:$0x1B600] =	vst v63  }
0x663: {  	s28 =	simm.s32 $0x9E00;
	v3 =	vadd.s32 v1, v3  }
0x664: {  	[tilespmem:s28], [sflag:$0x1] =	stream.indirect_vreg.gather [hbm4b:s5+s2], $0x80, v4, vm0, $0xb8;
	[tilespmem:$0x1B600] =	vst v63  }
0x665: {  	s28 =	simm.s32 $0xA600  }
0x666: {  	[tilespmem:s28], [sflag:$0x1] =	stream.indirect_vreg.gather [hbm4b:s6+s2], $0x80, v4, vm0, $0xb8;
	[tilespmem:$0x1B600] =	vst v63  }
0x667: {  	s29 =	simm.s32 $0xAE00  }
0x668: {  	[tilespmem:s29], [sflag:$0x1] =	stream.indirect_vreg.gather [hbm4b:s4+s2], $0x80, v3, vm0, $0xb8;
	[tilespmem:$0x1B600] =	vst v63  }
0x669: {  	s30 =	simm.s32 $0xB600  }
0x66a: {  	[tilespmem:s30], [sflag:$0x1] =	stream.indirect_vreg.gather [hbm4b:s5+s2], $0x80, v3, vm0, $0xb8;
	[tilespmem:$0x1B600] =	vst v63  }
0x66b: {  	s31 =	simm.s32 $0xBE00  }
0x66c: {  	[tilespmem:s31], [sflag:$0x1] =	stream.indirect_vreg.gather [hbm4b:s6+s2], $0x80, v3, vm0, $0xb8;
	[tilespmem:$0x1B600] =	vst v63  }
0x66d: {  	v3 =	vld.msk [tilespmem:$0x4C0], $0xff;
	_ =	sdelay $0x4  }
0x66e: {  	v48 =	vshrl.u32 v3, $0x3  }
0x66f: {  	v4 =	vmul.u32 $0x30, v48  }
0x670: {  	v3 =	vand.u32 $0x7, v3  }
0x671: {  	v3 =	vor.u32 v3, v4  }
0x672: {  	v3 =	vperm.xlane v3, v0;
	_ =	sdelay $0x1  }
0x673: {  	v3 =	vadd.s32 v1, v3;
	_ =	sdelay $0x3  }
0x674: {  	s21 =	simm.s32 $0xC600  }
0x675: {  	[tilespmem:s21], [sflag:$0x1] =	stream.indirect_vreg.gather [hbm4b:s4+s2], $0x80, v3, vm0, $0xb8;
	[tilespmem:$0x1B600] =	vst v63  }
0x676: {  	s29 =	simm.s32 $0xCE00  }
0x677: {  	[tilespmem:s29], [sflag:$0x1] =	stream.indirect_vreg.gather [hbm4b:s5+s2], $0x80, v3, vm0, $0xb8;
	[tilespmem:$0x1B600] =	vst v63  }
0x678: {  	s30 =	simm.s32 $0xD600  }
0x679: {  	[tilespmem:s30], [sflag:$0x1] =	stream.indirect_vreg.gather [hbm4b:s6+s2], $0x80, v3, vm0, $0xb8;
	[tilespmem:$0x1B600] =	vst v63  }
0x67a: {  	_ =	swait.ge [sflag:s16], $0xD800  }
0x67b: {  	[sflag:s16] =	ssyncset.done $0x0  }
0x67c: {  	s31 =	rddreg [dreg:$0x12];
	[sflag:s16] =	ssyncadd.s32 $0xFFFF2800  }
0x67d: {  	[hbm4b:s31+s2] =	stream.linear.scatter [tilespmem:s11], [sflag:$0x4], $0xD800, $0x38;
	[tilespmem:$0x1B600] =	vst v63  }
0x67e: {  	_ =	swait.ge [sflag:s17], $0xD800  }
0x67f: {  	[sflag:s17] =	ssyncset.done $0x0  }
0x680: {  	[sflag:s17] =	ssyncadd.s32 $0xFFFF2800  }
0x681: {  	v3 =	vld [tilespmem:$0x4C8];
	_ =	sdelay $0x4  }
0x682: {  	v49 =	vshrl.u32 v3, $0x3  }
0x683: {  	v4 =	vmul.u32 $0x30, v49  }
0x684: {  	v3 =	vand.u32 $0x7, v3  }
0x685: {  	v3 =	vor.u32 v3, v4  }
0x686: {  	v4 =	vperm.xlane v3, v0;
	_ =	sdelay $0x1  }
0x687: {  	v4 =	vadd.s32 v1, v4;
	_ =	sdelay $0x3  }
0x688: {  	v3 =	vperm.xlane v3, v2  }
0x689: {  	[tilespmem:s11], [sflag:$0x2] =	stream.indirect_vreg.gather [hbm4b:s4+s2], $0x80, v4, vm0, $0xb8;
	[tilespmem:$0x1B600] =	vst v63  }
0x68a: {  	s30 =	simm.s32 $0xE600;
	v3 =	vadd.s32 v1, v3  }
0x68b: {  	[tilespmem:s30], [sflag:$0x2] =	stream.indirect_vreg.gather [hbm4b:s5+s2], $0x80, v4, vm0, $0xb8;
	[tilespmem:$0x1B600] =	vst v63  }
0x68c: {  	s31 =	simm.s32 $0xEE00  }
0x68d: {  	[tilespmem:s31], [sflag:$0x2] =	stream.indirect_vreg.gather [hbm4b:s6+s2], $0x80, v4, vm0, $0xb8;
	[tilespmem:$0x1B600] =	vst v63  }
0x68e: {  	s18 =	simm.s32 $0xF600  }
0x68f: {  	[tilespmem:s18], [sflag:$0x2] =	stream.indirect_vreg.gather [hbm4b:s4+s2], $0x80, v3, vm0, $0xb8;
	[tilespmem:$0x1B600] =	vst v63  }
0x690: {  	s18 =	simm.s32 $0xFE00  }
0x691: {  	[tilespmem:s18], [sflag:$0x2] =	stream.indirect_vreg.gather [hbm4b:s5+s2], $0x80, v3, vm0, $0xb8;
	[tilespmem:$0x1B600] =	vst v63  }
0x692: {  	s18 =	simm.s32 $0x10600  }
0x693: {  	[tilespmem:s18], [sflag:$0x2] =	stream.indirect_vreg.gather [hbm4b:s6+s2], $0x80, v3, vm0, $0xb8;
	[tilespmem:$0x1B600] =	vst v63  }
0x694: {  	v3 =	vld [tilespmem:$0x4D8];
	_ =	sdelay $0x4  }
0x695: {  	v50 =	vshrl.u32 v3, $0x3  }
0x696: {  	v4 =	vmul.u32 $0x30, v50  }
0x697: {  	v3 =	vand.u32 $0x7, v3  }
0x698: {  	v3 =	vor.u32 v3, v4  }
0x699: {  	v4 =	vperm.xlane v3, v0;
	_ =	sdelay $0x1  }
0x69a: {  	v4 =	vadd.s32 v1, v4;
	_ =	sdelay $0x3  }
0x69b: {  	s18 =	simm.s32 $0x10E00;
	v3 =	vperm.xlane v3, v2  }
0x69c: {  	[tilespmem:s18], [sflag:$0x2] =	stream.indirect_vreg.gather [hbm4b:s4+s2], $0x80, v4, vm0, $0xb8;
	[tilespmem:$0x1B600] =	vst v63  }
0x69d: {  	v3 =	vadd.s32 v1, v3;
	s18 =	simm.s32 $0x11600  }
0x69e: {  	[tilespmem:s18], [sflag:$0x2] =	stream.indirect_vreg.gather [hbm4b:s5+s2], $0x80, v4, vm0, $0xb8;
	[tilespmem:$0x1B600] =	vst v63  }
0x69f: {  	s18 =	simm.s32 $0x11E00  }
0x6a0: {  	[tilespmem:s18], [sflag:$0x2] =	stream.indirect_vreg.gather [hbm4b:s6+s2], $0x80, v4, vm0, $0xb8;
	[tilespmem:$0x1B600] =	vst v63  }
0x6a1: {  	s18 =	simm.s32 $0x12600  }
0x6a2: {  	[tilespmem:s18], [sflag:$0x2] =	stream.indirect_vreg.gather [hbm4b:s4+s2], $0x80, v3, vm0, $0xb8;
	[tilespmem:$0x1B600] =	vst v63  }
0x6a3: {  	s18 =	simm.s32 $0x12E00  }
0x6a4: {  	[tilespmem:s18], [sflag:$0x2] =	stream.indirect_vreg.gather [hbm4b:s5+s2], $0x80, v3, vm0, $0xb8;
	[tilespmem:$0x1B600] =	vst v63  }
0x6a5: {  	s18 =	simm.s32 $0x13600  }
0x6a6: {  	[tilespmem:s18], [sflag:$0x2] =	stream.indirect_vreg.gather [hbm4b:s6+s2], $0x80, v3, vm0, $0xb8;
	[tilespmem:$0x1B600] =	vst v63  }
0x6a7: {  	v3 =	vld [tilespmem:$0x4E8];
	_ =	sdelay $0x4  }
0x6a8: {  	v51 =	vshrl.u32 v3, $0x3  }
0x6a9: {  	v4 =	vmul.u32 $0x30, v51  }
0x6aa: {  	v3 =	vand.u32 $0x7, v3  }
0x6ab: {  	v3 =	vor.u32 v3, v4  }
0x6ac: {  	v4 =	vperm.xlane v3, v0;
	_ =	sdelay $0x1  }
0x6ad: {  	v4 =	vadd.s32 v1, v4;
	_ =	sdelay $0x3  }
0x6ae: {  	s18 =	simm.s32 $0x13E00;
	v3 =	vperm.xlane v3, v2  }
0x6af: {  	[tilespmem:s18], [sflag:$0x2] =	stream.indirect_vreg.gather [hbm4b:s4+s2], $0x80, v4, vm0, $0xb8;
	[tilespmem:$0x1B600] =	vst v63  }
0x6b0: {  	v3 =	vadd.s32 v1, v3;
	s18 =	simm.s32 $0x14600  }
0x6b1: {  	[tilespmem:s18], [sflag:$0x2] =	stream.indirect_vreg.gather [hbm4b:s5+s2], $0x80, v4, vm0, $0xb8;
	[tilespmem:$0x1B600] =	vst v63  }
0x6b2: {  	s18 =	simm.s32 $0x14E00  }
0x6b3: {  	[tilespmem:s18], [sflag:$0x2] =	stream.indirect_vreg.gather [hbm4b:s6+s2], $0x80, v4, vm0, $0xb8;
	[tilespmem:$0x1B600] =	vst v63  }
0x6b4: {  	s18 =	simm.s32 $0x15600  }
0x6b5: {  	[tilespmem:s18], [sflag:$0x2] =	stream.indirect_vreg.gather [hbm4b:s4+s2], $0x80, v3, vm0, $0xb8;
	[tilespmem:$0x1B600] =	vst v63  }
0x6b6: {  	s18 =	simm.s32 $0x15E00  }
0x6b7: {  	[tilespmem:s18], [sflag:$0x2] =	stream.indirect_vreg.gather [hbm4b:s5+s2], $0x80, v3, vm0, $0xb8;
	[tilespmem:$0x1B600] =	vst v63  }
0x6b8: {  	s18 =	simm.s32 $0x16600  }
0x6b9: {  	[tilespmem:s18], [sflag:$0x2] =	stream.indirect_vreg.gather [hbm4b:s6+s2], $0x80, v3, vm0, $0xb8;
	[tilespmem:$0x1B600] =	vst v63  }
0x6ba: {  	v3 =	vld [tilespmem:$0x4F8];
	_ =	sdelay $0x4  }
0x6bb: {  	v52 =	vshrl.u32 v3, $0x3  }
0x6bc: {  	v4 =	vmul.u32 $0x30, v52  }
0x6bd: {  	v3 =	vand.u32 $0x7, v3  }
0x6be: {  	v3 =	vor.u32 v3, v4  }
0x6bf: {  	v4 =	vperm.xlane v3, v0;
	_ =	sdelay $0x1  }
0x6c0: {  	v4 =	vadd.s32 v1, v4;
	_ =	sdelay $0x3  }
0x6c1: {  	s18 =	simm.s32 $0x16E00;
	v3 =	vperm.xlane v3, v2  }
0x6c2: {  	[tilespmem:s18], [sflag:$0x2] =	stream.indirect_vreg.gather [hbm4b:s4+s2], $0x80, v4, vm0, $0xb8;
	[tilespmem:$0x1B600] =	vst v63  }
0x6c3: {  	v3 =	vadd.s32 v1, v3;
	s18 =	simm.s32 $0x17600  }
0x6c4: {  	[tilespmem:s18], [sflag:$0x2] =	stream.indirect_vreg.gather [hbm4b:s5+s2], $0x80, v4, vm0, $0xb8;
	[tilespmem:$0x1B600] =	vst v63  }
0x6c5: {  	s18 =	simm.s32 $0x17E00  }
0x6c6: {  	[tilespmem:s18], [sflag:$0x2] =	stream.indirect_vreg.gather [hbm4b:s6+s2], $0x80, v4, vm0, $0xb8;
	[tilespmem:$0x1B600] =	vst v63  }
0x6c7: {  	s18 =	simm.s32 $0x18600  }
0x6c8: {  	[tilespmem:s18], [sflag:$0x2] =	stream.indirect_vreg.gather [hbm4b:s4+s2], $0x80, v3, vm0, $0xb8;
	[tilespmem:$0x1B600] =	vst v63  }
0x6c9: {  	s18 =	simm.s32 $0x18E00  }
0x6ca: {  	[tilespmem:s18], [sflag:$0x2] =	stream.indirect_vreg.gather [hbm4b:s5+s2], $0x80, v3, vm0, $0xb8;
	[tilespmem:$0x1B600] =	vst v63  }
0x6cb: {  	s18 =	simm.s32 $0x19600  }
0x6cc: {  	[tilespmem:s18], [sflag:$0x2] =	stream.indirect_vreg.gather [hbm4b:s6+s2], $0x80, v3, vm0, $0xb8;
	[tilespmem:$0x1B600] =	vst v63  }
0x6cd: {  	v3 =	vld.msk [tilespmem:$0x508], $0xff;
	_ =	sdelay $0x4  }
0x6ce: {  	v53 =	vshrl.u32 v3, $0x3  }
0x6cf: {  	v4 =	vmul.u32 $0x30, v53  }
0x6d0: {  	v3 =	vand.u32 $0x7, v3  }
0x6d1: {  	v3 =	vor.u32 v3, v4  }
0x6d2: {  	v3 =	vperm.xlane v3, v0;
	_ =	sdelay $0x1  }
0x6d3: {  	v3 =	vadd.s32 v1, v3;
	_ =	sdelay $0x3  }
0x6d4: {  	s18 =	simm.s32 $0x19E00  }
0x6d5: {  	[tilespmem:s18], [sflag:$0x2] =	stream.indirect_vreg.gather [hbm4b:s4+s2], $0x80, v3, vm0, $0xb8;
	[tilespmem:$0x1B600] =	vst v63  }
0x6d6: {  	s18 =	simm.s32 $0x1A600  }
0x6d7: {  	[tilespmem:s18], [sflag:$0x2] =	stream.indirect_vreg.gather [hbm4b:s5+s2], $0x80, v3, vm0, $0xb8;
	[tilespmem:$0x1B600] =	vst v63  }
0x6d8: {  	s18 =	simm.s32 $0x1AE00  }
0x6d9: {  	[tilespmem:s18], [sflag:$0x2] =	stream.indirect_vreg.gather [hbm4b:s6+s2], $0x80, v3, vm0, $0xb8;
	[tilespmem:$0x1B600] =	vst v63  }
0x6da: {  	_ =	swait.ge [sflag:s14], $0xD800  }
0x6db: {  	[sflag:s14] =	ssyncset.done $0x0  }
0x6dc: {  	s18 =	rddreg [dreg:$0x13];
	[sflag:s14] =	ssyncadd.s32 $0xFFFF2800  }
0x6dd: {  	[hbm4b:s18+s2] =	stream.linear.scatter [tilespmem:s23], [sflag:$0x3], $0xD800, $0x38;
	[tilespmem:$0x1B600] =	vst v63  }
0x6de: {  	_ =	swait.ge [sflag:s15], $0xD800  }
0x6df: {  	[sflag:s15] =	ssyncset.done $0x0  }
0x6e0: {  	[sflag:s15] =	ssyncadd.s32 $0xFFFF2800  }
0x6e1: {  	v3 =	vld [tilespmem:$0x510];
	_ =	sdelay $0x4  }
0x6e2: {  	v54 =	vshrl.u32 v3, $0x3  }
0x6e3: {  	v4 =	vmul.u32 $0x30, v54  }
0x6e4: {  	v3 =	vand.u32 $0x7, v3  }
0x6e5: {  	v3 =	vor.u32 v3, v4  }
0x6e6: {  	v4 =	vperm.xlane v3, v0;
	_ =	sdelay $0x1  }
0x6e7: {  	v4 =	vadd.s32 v1, v4;
	_ =	sdelay $0x3  }
0x6e8: {  	v3 =	vperm.xlane v3, v2  }
0x6e9: {  	[tilespmem:s23], [sflag:$0x1] =	stream.indirect_vreg.gather [hbm4b:s4+s2], $0x80, v4, vm0, $0xb8;
	[tilespmem:$0x1B600] =	vst v63  }
0x6ea: {  	s0 =	simm.s32 $0xE00;
	v3 =	vadd.s32 v1, v3  }
0x6eb: {  	[tilespmem:s0], [sflag:$0x1] =	stream.indirect_vreg.gather [hbm4b:s5+s2], $0x80, v4, vm0, $0xb8;
	[tilespmem:$0x1B600] =	vst v63  }
0x6ec: {  	s1 =	simm.s32 $0x1600  }
0x6ed: {  	[tilespmem:s1], [sflag:$0x1] =	stream.indirect_vreg.gather [hbm4b:s6+s2], $0x80, v4, vm0, $0xb8;
	[tilespmem:$0x1B600] =	vst v63  }
0x6ee: {  	s3 =	simm.s32 $0x1E00  }
0x6ef: {  	[tilespmem:s3], [sflag:$0x1] =	stream.indirect_vreg.gather [hbm4b:s4+s2], $0x80, v3, vm0, $0xb8;
	[tilespmem:$0x1B600] =	vst v63  }
0x6f0: {  	s7 =	simm.s32 $0x2600  }
0x6f1: {  	[tilespmem:s7], [sflag:$0x1] =	stream.indirect_vreg.gather [hbm4b:s5+s2], $0x80, v3, vm0, $0xb8;
	[tilespmem:$0x1B600] =	vst v63  }
0x6f2: {  	s3 =	simm.s32 $0x2E00  }
0x6f3: {  	[tilespmem:s3], [sflag:$0x1] =	stream.indirect_vreg.gather [hbm4b:s6+s2], $0x80, v3, vm0, $0xb8;
	[tilespmem:$0x1B600] =	vst v63  }
0x6f4: {  	v3 =	vld [tilespmem:$0x520];
	_ =	sdelay $0x4  }
0x6f5: {  	v55 =	vshrl.u32 v3, $0x3  }
0x6f6: {  	v4 =	vmul.u32 $0x30, v55  }
0x6f7: {  	v3 =	vand.u32 $0x7, v3  }
0x6f8: {  	v3 =	vor.u32 v3, v4  }
0x6f9: {  	v4 =	vperm.xlane v3, v0;
	_ =	sdelay $0x1  }
0x6fa: {  	v4 =	vadd.s32 v1, v4;
	_ =	sdelay $0x3  }
0x6fb: {  	s7 =	simm.s32 $0x3600;
	v3 =	vperm.xlane v3, v2  }
0x6fc: {  	[tilespmem:s7], [sflag:$0x1] =	stream.indirect_vreg.gather [hbm4b:s4+s2], $0x80, v4, vm0, $0xb8;
	[tilespmem:$0x1B600] =	vst v63  }
0x6fd: {  	s8 =	simm.s32 $0x3E00;
	v3 =	vadd.s32 v1, v3  }
0x6fe: {  	[tilespmem:s8], [sflag:$0x1] =	stream.indirect_vreg.gather [hbm4b:s5+s2], $0x80, v4, vm0, $0xb8;
	[tilespmem:$0x1B600] =	vst v63  }
0x6ff: {  	s9 =	simm.s32 $0x4600  }
0x700: {  	[tilespmem:s9], [sflag:$0x1] =	stream.indirect_vreg.gather [hbm4b:s6+s2], $0x80, v4, vm0, $0xb8;
	[tilespmem:$0x1B600] =	vst v63  }
0x701: {  	s10 =	simm.s32 $0x4E00  }
0x702: {  	[tilespmem:s10], [sflag:$0x1] =	stream.indirect_vreg.gather [hbm4b:s4+s2], $0x80, v3, vm0, $0xb8;
	[tilespmem:$0x1B600] =	vst v63  }
0x703: {  	s12 =	simm.s32 $0x5600  }
0x704: {  	[tilespmem:s12], [sflag:$0x1] =	stream.indirect_vreg.gather [hbm4b:s5+s2], $0x80, v3, vm0, $0xb8;
	[tilespmem:$0x1B600] =	vst v63  }
0x705: {  	s10 =	simm.s32 $0x5E00  }
0x706: {  	[tilespmem:s10], [sflag:$0x1] =	stream.indirect_vreg.gather [hbm4b:s6+s2], $0x80, v3, vm0, $0xb8;
	[tilespmem:$0x1B600] =	vst v63  }
0x707: {  	v3 =	vld [tilespmem:$0x530];
	_ =	sdelay $0x4  }
0x708: {  	v56 =	vshrl.u32 v3, $0x3  }
0x709: {  	v4 =	vmul.u32 $0x30, v56  }
0x70a: {  	v3 =	vand.u32 $0x7, v3  }
0x70b: {  	v3 =	vor.u32 v3, v4  }
0x70c: {  	v4 =	vperm.xlane v3, v0;
	_ =	sdelay $0x1  }
0x70d: {  	v4 =	vadd.s32 v1, v4;
	_ =	sdelay $0x3  }
0x70e: {  	s12 =	simm.s32 $0x6600;
	v3 =	vperm.xlane v3, v2  }
0x70f: {  	[tilespmem:s12], [sflag:$0x1] =	stream.indirect_vreg.gather [hbm4b:s4+s2], $0x80, v4, vm0, $0xb8;
	[tilespmem:$0x1B600] =	vst v63  }
0x710: {  	s19 =	simm.s32 $0x6E00;
	v3 =	vadd.s32 v1, v3  }
0x711: {  	[tilespmem:s19], [sflag:$0x1] =	stream.indirect_vreg.gather [hbm4b:s5+s2], $0x80, v4, vm0, $0xb8;
	[tilespmem:$0x1B600] =	vst v63  }
0x712: {  	s13 =	simm.s32 $0x7600  }
0x713: {  	[tilespmem:s13], [sflag:$0x1] =	stream.indirect_vreg.gather [hbm4b:s6+s2], $0x80, v4, vm0, $0xb8;
	[tilespmem:$0x1B600] =	vst v63  }
0x714: {  	s22 =	simm.s32 $0x7E00  }
0x715: {  	[tilespmem:s22], [sflag:$0x1] =	stream.indirect_vreg.gather [hbm4b:s4+s2], $0x80, v3, vm0, $0xb8;
	[tilespmem:$0x1B600] =	vst v63  }
0x716: {  	s24 =	simm.s32 $0x8600  }
0x717: {  	[tilespmem:s24], [sflag:$0x1] =	stream.indirect_vreg.gather [hbm4b:s5+s2], $0x80, v3, vm0, $0xb8;
	[tilespmem:$0x1B600] =	vst v63  }
0x718: {  	s18 =	simm.s32 $0x8E00  }
0x719: {  	[tilespmem:s18], [sflag:$0x1] =	stream.indirect_vreg.gather [hbm4b:s6+s2], $0x80, v3, vm0, $0xb8;
	[tilespmem:$0x1B600] =	vst v63  }
0x71a: {  	v3 =	vld [tilespmem:$0x540];
	_ =	sdelay $0x4  }
0x71b: {  	v57 =	vshrl.u32 v3, $0x3  }
0x71c: {  	v4 =	vmul.u32 $0x30, v57  }
0x71d: {  	v3 =	vand.u32 $0x7, v3  }
0x71e: {  	v3 =	vor.u32 v3, v4  }
0x71f: {  	v4 =	vperm.xlane v3, v0;
	_ =	sdelay $0x1  }
0x720: {  	v4 =	vadd.s32 v1, v4;
	_ =	sdelay $0x3  }
0x721: {  	s19 =	simm.s32 $0x9600;
	v3 =	vperm.xlane v3, v2  }
0x722: {  	[tilespmem:s19], [sflag:$0x1] =	stream.indirect_vreg.gather [hbm4b:s4+s2], $0x80, v4, vm0, $0xb8;
	[tilespmem:$0x1B600] =	vst v63  }
0x723: {  	s25 =	simm.s32 $0x9E00;
	v3 =	vadd.s32 v1, v3  }
0x724: {  	[tilespmem:s25], [sflag:$0x1] =	stream.indirect_vreg.gather [hbm4b:s5+s2], $0x80, v4, vm0, $0xb8;
	[tilespmem:$0x1B600] =	vst v63  }
0x725: {  	s26 =	simm.s32 $0xA600  }
0x726: {  	[tilespmem:s26], [sflag:$0x1] =	stream.indirect_vreg.gather [hbm4b:s6+s2], $0x80, v4, vm0, $0xb8;
	[tilespmem:$0x1B600] =	vst v63  }
0x727: {  	s28 =	simm.s32 $0xAE00  }
0x728: {  	[tilespmem:s28], [sflag:$0x1] =	stream.indirect_vreg.gather [hbm4b:s4+s2], $0x80, v3, vm0, $0xb8;
	[tilespmem:$0x1B600] =	vst v63  }
0x729: {  	s20 =	simm.s32 $0xB600  }
0x72a: {  	[tilespmem:s20], [sflag:$0x1] =	stream.indirect_vreg.gather [hbm4b:s5+s2], $0x80, v3, vm0, $0xb8;
	[tilespmem:$0x1B600] =	vst v63  }
0x72b: {  	s20 =	simm.s32 $0xBE00  }
0x72c: {  	[tilespmem:s20], [sflag:$0x1] =	stream.indirect_vreg.gather [hbm4b:s6+s2], $0x80, v3, vm0, $0xb8;
	[tilespmem:$0x1B600] =	vst v63  }
0x72d: {  	v3 =	vld.msk [tilespmem:$0x550], $0xff;
	_ =	sdelay $0x4  }
0x72e: {  	v58 =	vshrl.u32 v3, $0x3  }
0x72f: {  	v4 =	vmul.u32 $0x30, v58  }
0x730: {  	v3 =	vand.u32 $0x7, v3  }
0x731: {  	v3 =	vor.u32 v3, v4  }
0x732: {  	v3 =	vperm.xlane v3, v0;
	_ =	sdelay $0x1  }
0x733: {  	v3 =	vadd.s32 v1, v3;
	_ =	sdelay $0x3  }
0x734: {  	s21 =	simm.s32 $0xC600  }
0x735: {  	[tilespmem:s21], [sflag:$0x1] =	stream.indirect_vreg.gather [hbm4b:s4+s2], $0x80, v3, vm0, $0xb8;
	[tilespmem:$0x1B600] =	vst v63  }
0x736: {  	s29 =	simm.s32 $0xCE00  }
0x737: {  	[tilespmem:s29], [sflag:$0x1] =	stream.indirect_vreg.gather [hbm4b:s5+s2], $0x80, v3, vm0, $0xb8;
	[tilespmem:$0x1B600] =	vst v63  }
0x738: {  	s21 =	simm.s32 $0xD600  }
0x739: {  	[tilespmem:s21], [sflag:$0x1] =	stream.indirect_vreg.gather [hbm4b:s6+s2], $0x80, v3, vm0, $0xb8;
	[tilespmem:$0x1B600] =	vst v63  }
0x73a: {  	_ =	swait.ge [sflag:s16], $0xD800  }
0x73b: {  	[sflag:s16] =	ssyncset.done $0x0  }
0x73c: {  	s22 =	rddreg [dreg:$0x14];
	[sflag:s16] =	ssyncadd.s32 $0xFFFF2800  }
0x73d: {  	[hbm4b:s22+s2] =	stream.linear.scatter [tilespmem:s11], [sflag:$0x4], $0xD800, $0x38;
	[tilespmem:$0x1B600] =	vst v63  }
0x73e: {  	_ =	swait.ge [sflag:s17], $0xD800  }
0x73f: {  	[sflag:s17] =	ssyncset.done $0x0  }
0x740: {  	[sflag:s17] =	ssyncadd.s32 $0xFFFF2800  }
0x741: {  	v3 =	vld [tilespmem:$0x558];
	_ =	sdelay $0x4  }
0x742: {  	v59 =	vshrl.u32 v3, $0x3  }
0x743: {  	v4 =	vmul.u32 $0x30, v59  }
0x744: {  	v3 =	vand.u32 $0x7, v3  }
0x745: {  	v3 =	vor.u32 v3, v4  }
0x746: {  	v4 =	vperm.xlane v3, v0;
	_ =	sdelay $0x1  }
0x747: {  	v4 =	vadd.s32 v1, v4;
	_ =	sdelay $0x3  }
0x748: {  	v3 =	vperm.xlane v3, v2  }
0x749: {  	[tilespmem:s11], [sflag:$0x2] =	stream.indirect_vreg.gather [hbm4b:s4+s2], $0x80, v4, vm0, $0xb8;
	[tilespmem:$0x1B600] =	vst v63  }
0x74a: {  	s30 =	simm.s32 $0xE600;
	v3 =	vadd.s32 v1, v3  }
0x74b: {  	[tilespmem:s30], [sflag:$0x2] =	stream.indirect_vreg.gather [hbm4b:s5+s2], $0x80, v4, vm0, $0xb8;
	[tilespmem:$0x1B600] =	vst v63  }
0x74c: {  	s31 =	simm.s32 $0xEE00  }
0x74d: {  	[tilespmem:s31], [sflag:$0x2] =	stream.indirect_vreg.gather [hbm4b:s6+s2], $0x80, v4, vm0, $0xb8;
	[tilespmem:$0x1B600] =	vst v63  }
0x74e: {  	s24 =	simm.s32 $0xF600  }
0x74f: {  	[tilespmem:s24], [sflag:$0x2] =	stream.indirect_vreg.gather [hbm4b:s4+s2], $0x80, v3, vm0, $0xb8;
	[tilespmem:$0x1B600] =	vst v63  }
0x750: {  	s25 =	simm.s32 $0xFE00  }
0x751: {  	[tilespmem:s25], [sflag:$0x2] =	stream.indirect_vreg.gather [hbm4b:s5+s2], $0x80, v3, vm0, $0xb8;
	[tilespmem:$0x1B600] =	vst v63  }
0x752: {  	s26 =	simm.s32 $0x10600  }
0x753: {  	[tilespmem:s26], [sflag:$0x2] =	stream.indirect_vreg.gather [hbm4b:s6+s2], $0x80, v3, vm0, $0xb8;
	[tilespmem:$0x1B600] =	vst v63  }
0x754: {  	v3 =	vld [tilespmem:$0x568];
	_ =	sdelay $0x4  }
0x755: {  	v60 =	vshrl.u32 v3, $0x3  }
0x756: {  	v4 =	vmul.u32 $0x30, v60  }
0x757: {  	v3 =	vand.u32 $0x7, v3  }
0x758: {  	v3 =	vor.u32 v3, v4  }
0x759: {  	v4 =	vperm.xlane v3, v0;
	_ =	sdelay $0x1  }
0x75a: {  	v4 =	vadd.s32 v1, v4;
	_ =	sdelay $0x3  }
0x75b: {  	s28 =	simm.s32 $0x10E00;
	v3 =	vperm.xlane v3, v2  }
0x75c: {  	[tilespmem:s28], [sflag:$0x2] =	stream.indirect_vreg.gather [hbm4b:s4+s2], $0x80, v4, vm0, $0xb8;
	[tilespmem:$0x1B600] =	vst v63  }
0x75d: {  	s29 =	simm.s32 $0x11600;
	v3 =	vadd.s32 v1, v3  }
0x75e: {  	[tilespmem:s29], [sflag:$0x2] =	stream.indirect_vreg.gather [hbm4b:s5+s2], $0x80, v4, vm0, $0xb8;
	[tilespmem:$0x1B600] =	vst v63  }
0x75f: {  	s30 =	simm.s32 $0x11E00  }
0x760: {  	[tilespmem:s30], [sflag:$0x2] =	stream.indirect_vreg.gather [hbm4b:s6+s2], $0x80, v4, vm0, $0xb8;
	[tilespmem:$0x1B600] =	vst v63  }
0x761: {  	s31 =	simm.s32 $0x12600  }
0x762: {  	[tilespmem:s31], [sflag:$0x2] =	stream.indirect_vreg.gather [hbm4b:s4+s2], $0x80, v3, vm0, $0xb8;
	[tilespmem:$0x1B600] =	vst v63  }
0x763: {  	s3 =	simm.s32 $0x12E00  }
0x764: {  	[tilespmem:s3], [sflag:$0x2] =	stream.indirect_vreg.gather [hbm4b:s5+s2], $0x80, v3, vm0, $0xb8;
	[tilespmem:$0x1B600] =	vst v63  }
0x765: {  	s7 =	simm.s32 $0x13600  }
0x766: {  	[tilespmem:s7], [sflag:$0x2] =	stream.indirect_vreg.gather [hbm4b:s6+s2], $0x80, v3, vm0, $0xb8;
	[tilespmem:$0x1B600] =	vst v63  }
0x767: {  	v3 =	vld [tilespmem:$0x578];
	_ =	sdelay $0x4  }
0x768: {  	v61 =	vshrl.u32 v3, $0x3  }
0x769: {  	v4 =	vmul.u32 $0x30, v61  }
0x76a: {  	v3 =	vand.u32 $0x7, v3  }
0x76b: {  	v3 =	vor.u32 v3, v4  }
0x76c: {  	v4 =	vperm.xlane v3, v0;
	_ =	sdelay $0x1  }
0x76d: {  	v4 =	vadd.s32 v1, v4;
	_ =	sdelay $0x3  }
0x76e: {  	s8 =	simm.s32 $0x13E00;
	v3 =	vperm.xlane v3, v2  }
0x76f: {  	[tilespmem:s8], [sflag:$0x2] =	stream.indirect_vreg.gather [hbm4b:s4+s2], $0x80, v4, vm0, $0xb8;
	[tilespmem:$0x1B600] =	vst v63  }
0x770: {  	s9 =	simm.s32 $0x14600;
	v3 =	vadd.s32 v1, v3  }
0x771: {  	[tilespmem:s9], [sflag:$0x2] =	stream.indirect_vreg.gather [hbm4b:s5+s2], $0x80, v4, vm0, $0xb8;
	[tilespmem:$0x1B600] =	vst v63  }
0x772: {  	s10 =	simm.s32 $0x14E00  }
0x773: {  	[tilespmem:s10], [sflag:$0x2] =	stream.indirect_vreg.gather [hbm4b:s6+s2], $0x80, v4, vm0, $0xb8;
	[tilespmem:$0x1B600] =	vst v63  }
0x774: {  	s12 =	simm.s32 $0x15600  }
0x775: {  	[tilespmem:s12], [sflag:$0x2] =	stream.indirect_vreg.gather [hbm4b:s4+s2], $0x80, v3, vm0, $0xb8;
	[tilespmem:$0x1B600] =	vst v63  }
0x776: {  	s13 =	simm.s32 $0x15E00  }
0x777: {  	[tilespmem:s13], [sflag:$0x2] =	stream.indirect_vreg.gather [hbm4b:s5+s2], $0x80, v3, vm0, $0xb8;
	[tilespmem:$0x1B600] =	vst v63  }
0x778: {  	s18 =	simm.s32 $0x16600  }
0x779: {  	[tilespmem:s18], [sflag:$0x2] =	stream.indirect_vreg.gather [hbm4b:s6+s2], $0x80, v3, vm0, $0xb8;
	[tilespmem:$0x1B600] =	vst v63  }
0x77a: {  	v3 =	vld [tilespmem:$0x588];
	_ =	sdelay $0x4  }
0x77b: {  	v62 =	vshrl.u32 v3, $0x3  }
0x77c: {  	v4 =	vmul.u32 $0x30, v62  }
0x77d: {  	v3 =	vand.u32 $0x7, v3  }
0x77e: {  	v3 =	vor.u32 v3, v4  }
0x77f: {  	v4 =	vperm.xlane v3, v0;
	_ =	sdelay $0x1  }
0x780: {  	v4 =	vadd.s32 v1, v4;
	_ =	sdelay $0x3  }
0x781: {  	s19 =	simm.s32 $0x16E00;
	v3 =	vperm.xlane v3, v2  }
0x782: {  	[tilespmem:s19], [sflag:$0x2] =	stream.indirect_vreg.gather [hbm4b:s4+s2], $0x80, v4, vm0, $0xb8;
	[tilespmem:$0x1B600] =	vst v63  }
0x783: {  	s20 =	simm.s32 $0x17600;
	v3 =	vadd.s32 v1, v3  }
0x784: {  	[tilespmem:s20], [sflag:$0x2] =	stream.indirect_vreg.gather [hbm4b:s5+s2], $0x80, v4, vm0, $0xb8;
	[tilespmem:$0x1B600] =	vst v63  }
0x785: {  	s21 =	simm.s32 $0x17E00  }
0x786: {  	[tilespmem:s21], [sflag:$0x2] =	stream.indirect_vreg.gather [hbm4b:s6+s2], $0x80, v4, vm0, $0xb8;
	[tilespmem:$0x1B600] =	vst v63  }
0x787: {  	s22 =	simm.s32 $0x18600  }
0x788: {  	[tilespmem:s22], [sflag:$0x2] =	stream.indirect_vreg.gather [hbm4b:s4+s2], $0x80, v3, vm0, $0xb8;
	[tilespmem:$0x1B600] =	vst v63  }
0x789: {  	s24 =	simm.s32 $0x18E00  }
0x78a: {  	[tilespmem:s24], [sflag:$0x2] =	stream.indirect_vreg.gather [hbm4b:s5+s2], $0x80, v3, vm0, $0xb8;
	[tilespmem:$0x1B600] =	vst v63  }
0x78b: {  	s25 =	simm.s32 $0x19600  }
0x78c: {  	[tilespmem:s25], [sflag:$0x2] =	stream.indirect_vreg.gather [hbm4b:s6+s2], $0x80, v3, vm0, $0xb8;
	[tilespmem:$0x1B600] =	vst v63  }
0x78d: {  	v3 =	vld.msk [tilespmem:$0x598], $0xff;
	_ =	sdelay $0x4  }
0x78e: {  	v63 =	vshrl.u32 v3, $0x3  }
0x78f: {  	v4 =	vmul.u32 $0x30, v63  }
0x790: {  	v3 =	vand.u32 $0x7, v3  }
0x791: {  	v3 =	vor.u32 v3, v4  }
0x792: {  	v3 =	vperm.xlane v3, v0;
	_ =	sdelay $0x1  }
0x793: {  	v3 =	vadd.s32 v1, v3;
	_ =	sdelay $0x3  }
0x794: {  	s26 =	simm.s32 $0x19E00  }
0x795: {  	[tilespmem:s26], [sflag:$0x2] =	stream.indirect_vreg.gather [hbm4b:s4+s2], $0x80, v3, vm0, $0xb8;
	[tilespmem:$0x1B600] =	vst v63  }
0x796: {  	s28 =	simm.s32 $0x1A600  }
0x797: {  	[tilespmem:s28], [sflag:$0x2] =	stream.indirect_vreg.gather [hbm4b:s5+s2], $0x80, v3, vm0, $0xb8;
	[tilespmem:$0x1B600] =	vst v63  }
0x798: {  	s29 =	simm.s32 $0x1AE00  }
0x799: {  	[tilespmem:s29], [sflag:$0x2] =	stream.indirect_vreg.gather [hbm4b:s6+s2], $0x80, v3, vm0, $0xb8;
	[tilespmem:$0x1B600] =	vst v63  }
0x79a: {  	s0 =	rddreg [dreg:$0x18];
	_ =	swait.ge [sflag:s14], $0xD800  }
0x79b: {  	[sflag:s14] =	ssyncset.done $0x0  }
0x79c: {  	s30 =	rddreg [dreg:$0x15];
	[sflag:s14] =	ssyncadd.s32 $0xFFFF2800  }
0x79d: {  	[hbm4b:s30+s2] =	stream.linear.scatter [tilespmem:s23], [sflag:$0x3], $0xD800, $0x38;
	[tilespmem:$0x1B600] =	vst v63  }
0x79e: {  	_ =	swait.ge [sflag:s16], $0xD800  }
0x79f: {  	[sflag:s16] =	ssyncset.done $0x0  }
0x7a0: {  	s31 =	rddreg [dreg:$0x16];
	[sflag:s16] =	ssyncadd.s32 $0xFFFF2800  }
0x7a1: {  	[hbm4b:s31+s2] =	stream.linear.scatter [tilespmem:s11], [sflag:$0x4], $0xD800, $0x38;
	[tilespmem:$0x1B600] =	vst v63  }
0x7a2: {  	p0 =	sne.s32 s0, $0x1;
	_ =	swait.ge [sflag:s17], $0xD800  }
.Ltmp0:
0x7a3: {  	[sflag:s17] =	ssyncset.done $0x0;
	(pc) =	sbr.rel @p0 .LBB2_1-.Ltmp0, $4  }
0x7a4: {  	[sflag:s17] =	ssyncadd.s32 $0xFFFF2800  }
0x7a5: {  	_ =	swait.ge [sflag:s15], $0xD800  }
0x7a6: {  	[sflag:s15] =	ssyncset.done $0x0  }
0x7a7: {  	s0 =	sadd.s32 $0xFFFFFFFF, s0;
	[sflag:s15] =	ssyncadd.s32 $0xFFFF2800  }
0x7a8: {  	_ =	sfence.sel $0x180000  }
0x7a9: {  	[bflag:$0x0] =	sbarrier.arrive $0xFFFF  }
0x7aa: {  	_ =	strace $0x9000004A  }
0x7ab: {  	s0 =	stileid.u32;
	[bflag:$0x2] =	sbarrier.arrive $0xFFFF  }
0x7ac: {  	p0 =	sne.s32 s0, $0x0;
	s0 =	rddreg [dreg:$0x2]  }
0x7ad: {  	s0 =	sadd.s32 @!p0 $0x100000, s0  }
0x7ae: {  	[sflag:s0] =	ssyncadd.tile.s32 @!p0 $0x1;
	_ =	shalt  }
.Lfunc_end2:
_tile_overlayer_lowered:
.L_overlay_start_2:
0x7af: {  	(tag) =	ssettag $0x2  }
0x7b0: {  	s0 =	rddreg [dreg:$0x0];
	s2 =	stileid.u32  }
0x7b1: {  	s1 =	rddreg [dreg:$0x1];
	p0 =	sne.s32 s2, $0x0  }
0x7b2: {  	s3 =	rddreg [dreg:$0x2];
	[bflag:$0x3] =	sbarrier.arrive $0xFFFF;
	s2 =	simm.s32 @!p0 $0x1C05  }
0x7b3: {  	[timem:s3], [sflag:s2] =	dma.local @!p0 [hbm:s0], s1  }
0x7b4: {  	s0 =	simm.s32 @!p0 $0x5  }
0x7b5: {  	_ =	swait.ge @!p0 [sflag:s0], s1  }
0x7b6: {  	s1 =	ssub.s32 @!p0 $0x0, s1;
	[sflag:s0] =	ssyncset.done @!p0 $0x0  }
0x7b7: {  	[sflag:s0] =	ssyncadd.s32 @!p0 s1  }
0x7b8: {  	[bflag:$0x3] =	sbarrier.arrive $0xFFFF  }
0x7b9: {  	_ =	shalt  }

// kernel: kernel.7.cloned.1.call-start
scs
__scs_entry_jumppad:
0x0: {  	(pc) =	sbr.rel $0x88, $3  }
0x1: {  	(tag) =	ssettag $0x0;
	lr =	simm.s32 $0x1  }
0x2: {  	[smem:$0x3FA0] =	sst lr;
	_ =	strace $0xD0000000  }
0x3: {  	_ = 	snop  }
0x4: {  	_ = 	snop  }
0x5: {  	_ = 	snop  }
0x6: {  	_ = 	snop  }
0x7: {  	_ = 	snop  }
__scs_overlays_trampoline_lowered:
0x8: {  	[smem:$0x3FAF] =	sst s0  }
0x9: {  	[smem:$0x3FB0] =	sst s1  }
0xa: {  	[smem:$0x3FB1] =	sst s2  }
0xb: {  	[smem:$0x3FB2] =	sst s3  }
0xc: {  	[smem:$0x3FB3] =	sst s4  }
0xd: {  	[smem:$0x3FB4] =	sst s5  }
0xe: {  	[smem:$0x3FB5] =	sst s6  }
0xf: {  	[smem:$0x3FB6] =	sst s7  }
0x10: {  	[smem:$0x3FB7] =	sst s8  }
0x11: {  	[smem:$0x3FB8] =	sst s9;
	s0 =	simm.s32 @!p0 $0x0  }
0x12: {  	s1 =	sld [smem:$0x3F9E];
	s0 =	simm.s32 @p0 $0x1  }
0x13: {  	[smem:$0x3FB9] =	sst s0;
	s0 =	simm.s32 @!p1 $0x0  }
0x14: {  	s2 =	sld [smem:$0x3F9D];
	s0 =	simm.s32 @p1 $0x1  }
0x15: {  	[smem:$0x3FBA] =	sst s0;
	s0 =	simm.s32 @!p2 $0x0  }
0x16: {  	s3 =	sld [smem:$0x3FDB];
	s0 =	simm.s32 @p2 $0x1  }
0x17: {  	s4 =	simm.s32 $0x1BF5;
	[smem:$0x3FBC] =	sst s0  }
0x18: {  	s0 =	sld [smem:$0x3F9F];
	_ =	swait.ge [sflag:s4], $0x0  }
0x19: {  	s7 =	sld [smem:$0x3FA0]  }
0x1a: {  	s8 =	sadd.s32 $0xFFFFE003, lr  }
0x1b: {  	s9 =	sadd.s32 $0xFFFFFEF7, lr;
	s5 =	simm.s32 $0xFFFFFFFF;
	p2 =	slt.u32 s8, $0xFFFFF086  }
0x1c: {  	p1 =	slt.u32 s9, $0xF7A;
	s5 =	simm.s32 @!p2 $0x0  }
0x1d: {  	s5 =	simm.s32 @p1 $0x1;
	p0 =	seq.s32 s7, s2  }
0x1e: {  	s7 =	smul.u32 @!p0 $0xF7A, s2;
	p2 =	seq.s32 @!p0 s5, $0x0  }
0x1f: {  	s9 =	smul.u32 $0xF7A, s1;
	s8 =	simm.s32 @!p0 $0x1BF5;
	p2 =	por !p2, p0  }
0x20: {  	[sflag:s8] =	ssyncset.s32 @!p0 $0xFFFFF086;
	s6 =	sadd.s32 @!p0 s3, s7;
	s7 =	simm.s32 @!p0 $0x108  }
0x21: {  	s3 =	sadd.s32 s3, s9;
	s6 =	sadd.s32 @!p0 $0x88, s6;
	s7 =	simm.s32 @p2 $0x1082  }
0x22: {  	[simem:s7], [sflag:s8] =	dma.local @!p0 [hbm:s6], $0xF7A  }
0x23: {  	s9 =	sor.u32 $0xD0000000, s2;
	s6 =	simm.s32 $0x108;
	_ =	swait.ge @!p0 [sflag:s8], $0x0  }
0x24: {  	s3 =	sadd.s32 $0x88, s3;
	s6 =	simm.s32 @!p1 $0x1082;
	[sflag:s4] =	ssyncset.s32 $0xFFFFF086  }
0x25: {  	[simem:s6], [sflag:s4] =	dma.local [hbm:s3], $0xF7A  }
0x26: {  	[smem:$0x3FA0] =	sst s1;
	(tag) =	ssettag s2;
	_ =	strace s9  }
0x27: {  	s1 =	sld [smem:$0x3FB0]  }
0x28: {  	s2 =	sld [smem:$0x3FB1]  }
0x29: {  	s4 =	sld [smem:$0x3FB3]  }
0x2a: {  	p0 =	seq.s32 s5, $0x0;
	s5 =	sld [smem:$0x3FB4]  }
0x2b: {  	s6 =	sld [smem:$0x3FB5]  }
0x2c: {  	s7 =	sld [smem:$0x3FB6]  }
0x2d: {  	s3 =	simm.s32 $0x108;
	s8 =	sld [smem:$0x3FB7]  }
0x2e: {  	s3 =	simm.s32 @!p0 $0x1082;
	s9 =	sld [smem:$0x3FB8]  }
0x2f: {  	lr =	sadd.s32 s0, s3;
	s0 =	sld [smem:$0x3FAF]  }
0x30: {  	s3 =	sld [smem:$0x3FB2]  }
0x31: {  	[smem:$0x3FBB] =	sst s10  }
0x32: {  	s10 =	sld [smem:$0x3FB9];
	_ =	sdelay $0x3  }
0x33: {  	p0 =	seq.s32 s10, $0x1;
	s10 =	sld [smem:$0x3FBB];
	_ =	sdelay $0x3  }
0x34: {  	[smem:$0x3FBB] =	sst s10  }
0x35: {  	s10 =	sld [smem:$0x3FBA];
	_ =	sdelay $0x3  }
0x36: {  	p1 =	seq.s32 s10, $0x1;
	s10 =	sld [smem:$0x3FBB];
	_ =	sdelay $0x3  }
0x37: {  	[smem:$0x3FBB] =	sst s10  }
0x38: {  	s10 =	sld [smem:$0x3FBC]  }
0x39: {  	_ = 	snop;
	(pc) =	sbr.ind lr, $3  }
0x3a: {  	_ = 	snop  }
0x3b: {  	_ = 	snop  }
0x3c: {  	p2 =	seq.s32 s10, $0x1;
	s10 =	sld [smem:$0x3FBB]  }
0x3d: {  	_ =	shalt  }
0x3e: {  	_ =	shalt  }
0x3f: {  	_ =	shalt  }
0x40: {  	_ =	shalt  }
0x41: {  	_ =	shalt  }
0x42: {  	_ =	shalt  }
0x43: {  	_ =	shalt  }
0x44: {  	_ =	shalt  }
0x45: {  	_ =	shalt  }
0x46: {  	_ =	shalt  }
0x47: {  	_ =	shalt  }
0x48: {  	_ =	shalt  }
0x49: {  	_ =	shalt  }
0x4a: {  	_ =	shalt  }
0x4b: {  	_ =	shalt  }
0x4c: {  	_ =	shalt  }
0x4d: {  	_ =	shalt  }
0x4e: {  	_ =	shalt  }
0x4f: {  	_ =	shalt  }
0x50: {  	_ =	shalt  }
0x51: {  	_ =	shalt  }
0x52: {  	_ =	shalt  }
0x53: {  	_ =	shalt  }
0x54: {  	_ =	shalt  }
0x55: {  	_ =	shalt  }
0x56: {  	_ =	shalt  }
0x57: {  	_ =	shalt  }
0x58: {  	_ =	shalt  }
0x59: {  	_ =	shalt  }
0x5a: {  	_ =	shalt  }
0x5b: {  	_ =	shalt  }
0x5c: {  	_ =	shalt  }
0x5d: {  	_ =	shalt  }
0x5e: {  	_ =	shalt  }
0x5f: {  	_ =	shalt  }
0x60: {  	_ =	shalt  }
0x61: {  	_ =	shalt  }
0x62: {  	_ =	shalt  }
0x63: {  	_ =	shalt  }
0x64: {  	_ =	shalt  }
0x65: {  	_ =	shalt  }
0x66: {  	_ =	shalt  }
0x67: {  	_ =	shalt  }
0x68: {  	_ =	shalt  }
0x69: {  	_ =	shalt  }
0x6a: {  	_ =	shalt  }
0x6b: {  	_ =	shalt  }
0x6c: {  	_ =	shalt  }
0x6d: {  	_ =	shalt  }
0x6e: {  	_ =	shalt  }
0x6f: {  	_ =	shalt  }
0x70: {  	_ =	shalt  }
0x71: {  	_ =	shalt  }
0x72: {  	_ =	shalt  }
0x73: {  	_ =	shalt  }
0x74: {  	_ =	shalt  }
0x75: {  	_ =	shalt  }
0x76: {  	_ =	shalt  }
0x77: {  	_ =	shalt  }
0x78: {  	_ =	shalt  }
0x79: {  	_ =	shalt  }
0x7a: {  	_ =	shalt  }
0x7b: {  	_ =	shalt  }
0x7c: {  	_ =	shalt  }
0x7d: {  	_ =	shalt  }
0x7e: {  	_ =	shalt  }
0x7f: {  	_ =	shalt  }
0x80: {  	_ =	shalt  }
0x81: {  	_ =	shalt  }
0x82: {  	_ =	shalt  }
0x83: {  	_ =	shalt  }
0x84: {  	_ =	shalt  }
0x85: {  	_ =	shalt  }
0x86: {  	_ =	shalt  }
0x87: {  	_ =	shalt  }
.Lfunc_end0:
.L_simem_size_0:
called_computation_lowered:
.L_overlay_start_0:
0x88: {  	s2 =	sld [smem:$0x3FD9]  }
0x89: {  	s3 =	sld [smem:$0x3FFE];
	_ =	sdelay $0x1  }
0x8a: {  	s1 =	srdreg.scid  }
0x8b: {  	s0 =	sand.u32 $0x1, s1  }
0x8c: {  	s16 =	sshll.u32 s0, $0xA;
	s2 =	sadd.s32 s3, s2  }
0x8d: {  	s2 =	sadd.s32 s2, s16  }
0x8e: {  	[smem:$0x3FC7] =	sst s2  }
0x8f: {  	_ = 	snop  }
0x90: {  	(tm) =	ssettm $0x1  }
0x91: {  	s17 =	sld [smem:$0x3FFB];
	_ =	sdelay $0x3  }
0x92: {  	_ =	strace s17  }
0x93: {  	s2 =	sld [smem:$0x3FFC];
	_ =	sdelay $0x3  }
0x94: {  	_ =	strace s2  }
0x95: {  	s2 =	sld [smem:$0x3FFD];
	_ =	sdelay $0x3  }
0x96: {  	_ =	strace s2  }
0x97: {  	_ =	strace $0x8FFFFFFF  }
0x98: {  	s18 =	sld [smem:$0x3FDB];
	_ =	sdelay $0x1  }
0x99: {  	s19 =	simm.s32 $_scs_section_size  }
0x9a: {  	s4 =	simm.s32 $_size__tile_overlayer_lowered;
	s5 =	simm.s32 $_tile_overlayer_lowered  }
0x9b: {  	s22 =	simm.s32 $0x1BFF;
	s21 =	sshll.u32 s5, $0x1;
	s2 =	sadd.s32 s19, s18  }
0x9c: {  	s6 =	simm.s32 $0x0;
	s20 =	sshll.u32 s4, $0x1;
	s4 =	sadd.s32 s21, s2  }
0x9d: {  	[timem:s6], [sflag:s22] =	dma.local [hbm:s4], s20  }
0x9e: {  	_ =	swait.ge [sflag:s22], s20  }
0x9f: {  	s3 =	ssub.s32 $0x0, s20;
	[sflag:s22] =	ssyncset.done $0x0  }
0xa0: {  	[sflag:s22] =	ssyncadd.s32 s3;
	_ =	sdelay $0x1  }
0xa1: {  	s23 =	simm.s32 $0x1B8B  }
0xa2: {  	_ =	swait.ge [sflag:s23], $0x1  }
0xa3: {  	[sflag:s23] =	ssyncset.done $0x0  }
0xa4: {  	s25 =	simm.s32 $0x1B8E;
	s24 =	sld [smem:$0x3FFE];
	[sflag:s23] =	ssyncadd.s32 $0xFFFFFFFF  }
0xa5: {  	s26 =	simm.s32 $execute0_lowered;
	[smem:$0x3FD2] =	sst s25  }
0xa6: {  	s4 =	sshll.u32 s26, $0x1;
	_ =	strace $0x80000046;
	[dreg:$0x1] =	wrdreg $0xFFFFFFFF  }
0xa7: {  	s28 =	simm.s32 $_size_execute0_lowered;
	s2 =	sadd.s32 s2, s4;
	[dreg:$0x0] =	wrdreg $0x0  }
0xa8: {  	s4 =	sshll.u32 s28, $0x1;
	[dreg:$0x2] =	wrdreg s2  }
0xa9: {  	[dreg:$0x3] =	wrdreg s4  }
0xaa: {  	[dreg:$0x4] =	wrdreg $0xC0  }
0xab: {  	_ =	task [dreg:s6], $0x5FFFF  }
0xac: {  	[dreg:$0x1] =	wrdreg $0xFFFFFFFF  }
0xad: {  	[dreg:$0x0] =	wrdreg $0x60  }
0xae: {  	[dreg:$0x2] =	wrdreg s24  }
0xaf: {  	[dreg:$0x3] =	wrdreg $0x9  }
0xb0: {  	_ =	task.clear_ibuf [dreg:s6], $0x4FFFF;
	_ =	strace $0x90000046  }
0xb1: {  	s29 =	simm.s32 $0x9;
	_ =	strace $0x80000048  }
0xb2: {  	_ =	swait.ge [sflag:s29], $0x1  }
0xb3: {  	[sflag:s29] =	ssyncadd.s32 $0xFFFFFFFF  }
0xb4: {  	_ =	strace $0x90000048  }
0xb5: {  	_ =	sfence  }
0xb6: {  	s30 =	sld [smem:$0x0];
	_ =	sdelay $0x2  }
0xb7: {  	s31 =	sshll.u32 s1, $0xD;
	s1 =	sshrl.u32 s1, $0x2  }
0xb8: {  	s3 =	sand.u32 $0x4000, s31;
	s1 =	sadd.s32 s1, s30  }
0xb9: {  	s0 =	sor.u32 s3, s0;
	s1 =	sshll.u32 s1, $0x11  }
0xba: {  	s0 =	sor.u32 s1, s0  }
0xbb: {  	s0 =	sadd.s32 $0x8F2B, s0  }
0xbc: {  	[sflag:s0] =	ssyncadd.remote.s32 $0x1  }
0xbd: {  	_ =	sfence.sel $0xFFFF  }
0xbe: {  	[dreg:$0x0] =	wrdreg $0xFFFFFFFF;
	(pc) =	sbr.abs _section_cstart, $3  }
0xbf: {  	[dreg:$0x1] =	wrdreg $0xFFFFFFFF  }
0xc0: {  	_ =	task.clear_ibuf [dreg:s6], $0x2FFFF;
	_ =	strace $0x9FFFFFFF  }
0xc1: {  	(tm) =	ssettm $0x7FFFFFFF  }
tec
execute0_lowered:
.L_overlay_start_1:
0x0: {  	(tag) =	ssettag $0x1  }
0x1: {  	s3 =	rddreg [dreg:$0x0]  }
0x2: {  	s0 =	rddreg [dreg:$0x1]  }
0x3: {  	s4 =	srdreg.scid;
	s1 =	stileid.u32  }
0x4: {  	s2 =	simm.s32 $0x0;
	s10 =	simm.s32 $0x800;
	s11 =	simm.s32 $0x0  }
0x5: {  	s4 =	sand.u32 $0x1, s4;
	s5 =	sshll.u32 s1, $0x1;
	[smem:$0x7FF] =	sst s2  }
0x6: {  	s31 =	sshll.u32 s1, $0xC;
	s8 =	sor.u32 s4, s5;
	_ =	strace $0x80000047  }
.Ltmp0:
0x7: {  	s6 =	ssub.s32 $0x2, s4;
	s9 =	sshll.u32 s4, $0xB;
	(pc) =	sbr.rel .LBB2_1-.Ltmp0, $4  }
0x8: {  	v0 =	vlaneseq.u32;
	s5 =	sshll.u32 s8, $0x8;
	s7 =	sshrl.u32 s6, $0x1;
	p0 =	sne.s32 s8, $0x1F  }
0x9: {  	v2 =	vmul.u32 $0xFFFFFFFF, v0;
	s8 =	simm.s32 $0x1;
	s5 =	sadd.s32 s5, s3;
	s3 =	sadd.s32 $0x3000, s3  }
0xa: {  	s6 =	ssub.s32 s6, s7;
	s7 =	simm.s32 $0x2;
	s4 =	sadd.s32 $0x1000, s5  }
0xb: {  	v1 =	vimm.s32 $0x10000;
	v3 =	vadd.s32 $0xB334, v0;
	v2 =	vadd.s32 $0xCC, v2;
	s5 =	smax.u32 s6, $0x1;
	s6 =	sor.u32 s9, s31;
	s9 =	simm.s32 $0xD0  }
.LBB2_6:
0xc: {  	[hbm4b:s3+s9] =	stream.indirect.scatter [tilespmem:s10], [sflag:$0x1], $0x1, s2, s9, $0xb8;
	[tilespmem:$0x1000] =	vst v63  }
0xd: {  	_ =	swait.ge [sflag:s8], $0xD0  }
0xe: {  	[sflag:s8] =	ssyncset.done $0x0  }
0xf: {  	[sflag:s8] =	ssyncadd.s32 $0xFFFFFF30  }
.LBB2_7:
0x10: {  	s11 =	sadd.s32 $0x1, s11  }
0x11: {  	p1 =	sne.s32 s11, s5  }
.Ltmp1:
0x12: {  	_ = 	snop;
	(pc) =	sbr.rel @!p1 .LBB2_8-.Ltmp1, $1  }
0x13: {  	_ =	sdelay $0x3  }
.LBB2_1:
0x14: {  	[tilespmem:s2], [sflag:$0x2] =	stream.linear.gather [hbm4b:s4+s2], $0x800, $0x38;
	[tilespmem:$0x1000] =	vst v63  }
0x15: {  	_ =	swait.ge [sflag:s7], $0x800  }
0x16: {  	s12 =	simm.s32 $0x40;
	[sflag:s7] =	ssyncset.done $0x0  }
0x17: {  	v4 =	vor.u32 s6, v0;
	s14 =	simm.s32 $0x0;
	s13 =	smov.u32 s6;
	[sflag:s7] =	ssyncadd.s32 $0xFFFFF800  }
.LBB2_2:
0x18: {  	p1 =	sne.s32 s12, $0x1FC0  }
0x19: {  	[tilespmem:s14+$0x800] =	vst v4;
	s13 =	sadd.s32 $0x10, s13;
	s14 =	smov.u32 s12;
	s12 =	sadd.s32 $0x40, s12  }
.Ltmp2:
0x1a: {  	(pc) =	sbr.rel @p1 .LBB2_2-.Ltmp2, $2  }
0x1b: {  	_ =	sdelay $0x2  }
0x1c: {  	v4 =	vor.u32 s13, v0;
	s14 =	sshra.s32 s14, $0x2  }
.Ltmp3:
0x1d: {  	[tilespmem:s14+$0x800] =	vst v4;
	s12 =	simm.s32 $0x0;
	s13 =	simm.s32 $0x800;
	(pc) =	sbr.rel @p0 .LBB2_7-.Ltmp3, $4  }
0x1e: {  	[hbm4b:s3+s13] =	stream.indirect.scatter [tilespmem:s13], [sflag:$0x1], $0x1, s12, s13, $0xb8;
	[tilespmem:$0x1000] =	vst v63  }
0x1f: {  	_ =	swait.ge [sflag:s8], $0x800  }
0x20: {  	[sflag:s8] =	ssyncset.done $0x0  }
0x21: {  	[sflag:s8] =	ssyncadd.s32 $0xFFFFF800  }
0x22: {  	v4 =	vmov s12  }
0x23: {  	vm0 =	vlt.u32 v4, v2;
	v4 =	vadd.s32 s12, v3  }
0x24: {  	[tilespmem:s13+$0x0] =	vst v1;
	v4 =	vnsel vm0, $0xB404, v4  }
0x25: {  	s14 =	simm.s32 $0x10;
	[tilespmem:s12+$0x0] =	vst v4  }
.LBB2_5:
0x26: {  	p1 =	sne.s32 s14, $0xC0  }
.Ltmp4:
0x27: {  	_ = 	snop;
	(pc) =	sbr.rel @p1 .LBB2_5-.Ltmp4, $4  }
0x28: {  	v4 =	vmov s14;
	s15 =	smov.u32 s14  }
0x29: {  	s13 =	sadd.s32 $0x10, s13;
	vm0 =	vlt.u32 v4, v2;
	v4 =	vadd.s32 s15, v3  }
0x2a: {  	s12 =	sadd.s32 $0x10, s12;
	[tilespmem:s13+$0x0] =	vst v1;
	v4 =	vnsel vm0, $0xB404, v4  }
0x2b: {  	s14 =	sadd.s32 $0x10, s14;
	[tilespmem:s12+$0x0] =	vst v4  }
.Ltmp5:
0x2c: {  	_ = 	snop;
	(pc) =	sbr.rel .LBB2_6-.Ltmp5, $1  }
0x2d: {  	_ =	sdelay $0x3  }
.LBB2_8:
0x2e: {  	_ =	sfence.sel $0x180000  }
0x2f: {  	[bflag:$0x0] =	sbarrier.arrive $0xFFFF  }
0x30: {  	p0 =	sne.s32 s1, $0x0;
	_ =	strace $0x90000047  }
0x31: {  	s0 =	sadd.s32 @!p0 $0x100000, s0;
	[bflag:$0x2] =	sbarrier.arrive $0xFFFF  }
0x32: {  	[sflag:s0] =	ssyncadd.tile.s32 @!p0 $0x1;
	_ =	shalt  }
.Lfunc_end2:
_tile_overlayer_lowered:
.L_overlay_start_2:
0x33: {  	(tag) =	ssettag $0x2  }
0x34: {  	s0 =	rddreg [dreg:$0x0];
	s2 =	stileid.u32  }
0x35: {  	s1 =	rddreg [dreg:$0x1];
	p0 =	sne.s32 s2, $0x0  }
0x36: {  	s3 =	rddreg [dreg:$0x2];
	[bflag:$0x3] =	sbarrier.arrive $0xFFFF;
	s2 =	simm.s32 @!p0 $0x1C02  }
0x37: {  	[timem:s3], [sflag:s2] =	dma.local @!p0 [hbm:s0], s1  }
0x38: {  	s0 =	simm.s32 @!p0 $0x2  }
0x39: {  	_ =	swait.ge @!p0 [sflag:s0], s1  }
0x3a: {  	s1 =	ssub.s32 @!p0 $0x0, s1;
	[sflag:s0] =	ssyncset.done @!p0 $0x0  }
0x3b: {  	[sflag:s0] =	ssyncadd.s32 @!p0 s1  }
0x3c: {  	[bflag:$0x3] =	sbarrier.arrive $0xFFFF  }
0x3d: {  	_ =	shalt  }

</sc_bundles>
